<compile_context>
chip_gen: v7x
topology: tpu7x:2x2x1
jax: 0.10.2.dev20260603
libtpu: 0.0.44.dev20260713+nightly
codegen_flags: <defaults>
</compile_context>

<pallas_src>
import jax
import jax.numpy as jnp
from jax import lax
from jax.experimental import pallas as pl
from jax.experimental.pallas import tpu as pltpu
from jax.experimental.pallas import tpu_sc as plsc

_VOCAB = 100000
_EMBED = 64
_B = 4096
_L = 200

_NC = 2
_NS = 16
_NW = _NC * _NS
_LANES = 16

_N = _B * _L
_RPW = _N // _NW
_CH = 256
_NCHUNK = _RPW // _CH
_NSLOT = 3
_NWIN = (2 * _CH) // 128


def _sc_body(x_hbm, table_hbm, gamma_hbm, beta_hbm, out_hbm, mask_hbm,
             xt_v, idx_v, rows_v, mask_v, gb_v, sem_g, sem_o):
    wid = lax.axis_index("s") * _NC + lax.axis_index("c")

    pltpu.sync_copy(gamma_hbm, gb_v.at[0])
    pltpu.sync_copy(beta_hbm, gb_v.at[1])
    g = [gb_v[0, pl.ds(16 * p, 16)] for p in range(4)]
    b = [gb_v[1, pl.ds(16 * p, 16)] for p in range(4)]

    one = jnp.full((_LANES,), 1, dtype=jnp.int32)
    zero = jnp.full((_LANES,), 0, dtype=jnp.int32)
    lane = lax.iota(jnp.int32, _LANES)
    evens = lane * 2

    perms = [lax.bitwise_xor(lane, jnp.int32(k)) for k in (8, 4, 2, 1)]
    dnums = lax.GatherDimensionNumbers(
        offset_dims=(), collapsed_slice_dims=(0,), start_index_map=(0,))

    def allsum(vec):
        for p in perms:
            vec = vec + lax.gather(
                vec, p[:, None], dnums, slice_sizes=(1,),
                mode=lax.GatherScatterMode.PROMISE_IN_BOUNDS)
        return vec

    def rsqrt_vec(x):
        i = lax.bitcast_convert_type(x, jnp.int32)
        i = jnp.int32(0x5F3759DF) - lax.shift_right_logical(i, 1)
        y = lax.bitcast_convert_type(i, jnp.float32)
        xh = x * jnp.float32(0.5)
        for _ in range(2):
            y = y * (jnp.float32(1.5) - xh * y * y)
        return y

    def fire_chunk(c, s):
        fbase = wid * _RPW + c * _CH
        pltpu.sync_copy(x_hbm.at[pl.ds(fbase, _CH)], xt_v.at[s])
        islot = idx_v.at[s]
        for t in range(_CH // 16):
            iv = xt_v[s, pl.ds(16 * t, 16)]
            pos = evens + (32 * t)
            plsc.store_scatter(islot, [pos], iv)
            plsc.store_scatter(islot, [pos + 1], iv)
        for w in range(_NWIN):
            pltpu.async_copy(table_hbm.at[idx_v.at[s, pl.ds(w * 128, 128)]],
                             rows_v.at[s, pl.ds(w * 128, 128)], sem_g.at[s])

    def drain_gathers(s):
        for w in range(_NWIN):
            pltpu.make_async_copy(
                table_hbm.at[idx_v.at[s, pl.ds(w * 128, 128)]],
                rows_v.at[s, pl.ds(w * 128, 128)], sem_g.at[s]).wait()

    def fire_out(c, s):
        base = wid * _RPW + c * _CH
        pltpu.async_copy(rows_v.at[s], out_hbm.at[pl.ds(2 * base, 2 * _CH)],
                         sem_o.at[s])
        pltpu.async_copy(mask_v.at[s], mask_hbm.at[pl.ds(base, _CH)],
                         sem_o.at[s])

    def drain_out(s):
        pltpu.make_async_copy(rows_v.at[s], out_hbm.at[pl.ds(0, 2 * _CH)],
                              sem_o.at[s]).wait()
        pltpu.make_async_copy(mask_v.at[s], mask_hbm.at[pl.ds(0, _CH)],
                              sem_o.at[s]).wait()

    def compute_chunk(s):
        for t in range(_CH // 16):
            iv = xt_v[s, pl.ds(16 * t, 16)]
            mask_v[s, pl.ds(16 * t, 16)] = jnp.where(iv > 0, one, zero)

        rslot = rows_v.at[s]

        def row_body(r, carry):
            r2 = r * 2
            v = [rslot[r2, pl.ds(16 * p, 16)] for p in range(4)]
            ssum = (v[0] + v[1]) + (v[2] + v[3])
            sq = (v[0] * v[0] + v[1] * v[1]) + (v[2] * v[2] + v[3] * v[3])
            mean = allsum(ssum) * jnp.float32(1.0 / 64.0)
            var = allsum(sq) * jnp.float32(1.0 / 64.0) - mean * mean
            inv = rsqrt_vec(var + jnp.float32(1e-5))
            for p in range(4):
                rslot[r2, pl.ds(16 * p, 16)] = \
                    (v[p] - mean) * (inv * g[p]) + b[p]
            return carry

        lax.fori_loop(0, _CH, row_body, 0, unroll=2)

    fire_chunk(0, 0)

    def chunk_loop(c, _):
        s = lax.rem(c, _NSLOT)
        drain_gathers(s)

        @pl.when(c + 1 < _NCHUNK)
        def _prefetch():
            ns = lax.rem(c + 1, _NSLOT)

            @pl.when(c >= _NSLOT - 1)
            def _wait_out():
                drain_out(ns)

            fire_chunk(c + 1, ns)

        compute_chunk(s)
        fire_out(c, s)
        return 0

    lax.fori_loop(0, _NCHUNK, chunk_loop, 0)

    for k in range(_NSLOT):
        drain_out(lax.rem(jnp.int32(_NCHUNK - _NSLOT + k), _NSLOT))


@jax.jit
def _lru_embed_sc(xf, table, gamma, beta):
    mesh = plsc.VectorSubcoreMesh(core_axis_name="c", subcore_axis_name="s",
                                  num_cores=_NC, num_subcores=_NS)
    return pl.kernel(
        _sc_body,
        out_type=(
            jax.ShapeDtypeStruct((2 * _N, _EMBED), jnp.float32),
            jax.ShapeDtypeStruct((_N,), jnp.int32),
        ),
        mesh=mesh,
        compiler_params=pltpu.CompilerParams(use_tc_tiling_on_sc=False,
                                             needs_layout_passes=False),
        scratch_types=[
            pltpu.VMEM((_NSLOT, _CH), jnp.int32),
            pltpu.VMEM((_NSLOT, 2 * _CH), jnp.int32),
            pltpu.VMEM((_NSLOT, 2 * _CH, _EMBED), jnp.float32),
            pltpu.VMEM((_NSLOT, _CH), jnp.int32),
            pltpu.VMEM((2, _EMBED), jnp.float32),
            pltpu.SemaphoreType.DMA((_NSLOT,)),
            pltpu.SemaphoreType.DMA((_NSLOT,)),
        ],
    )(xf, table, gamma, beta)


def kernel(x, table, ln_gamma, ln_beta):
    xf = x.reshape(_N)
    outp, mask_i32 = _lru_embed_sc(xf, table, ln_gamma, ln_beta)
    out = outp.reshape(_B, _L, 128)[:, :, :_EMBED]
    mask = mask_i32.reshape(_B, _L).astype(jnp.bool_)
    return out, mask

# --- scband reference (transcript-rebuilt; emitter-appended) ---
"""Pipeline reference for scband-lruembedding-50878182588530 (READ-ONLY COPY).

The authoritative reference and input builder live on the scoring server;
editing this copy changes nothing except your own understanding.
"""

import jax, jax.numpy as jnp
import numpy as np

VOCAB = 100000
EMBED = 64
B = 4096
L = 200

def setup_inputs(seed: int = 0) -> dict:
    key = jax.random.key(seed)
    k1, k2, k3, k4 = jax.random.split(key, 4)
    x = jax.random.randint(k1, (B, L), 0, VOCAB, dtype=jnp.int64 if jax.config.read('jax_enable_x64') else jnp.int32)
    table = jax.random.normal(k2, (VOCAB, EMBED), dtype=jnp.float32)
    ln_gamma = jnp.ones((EMBED,), dtype=jnp.float32)
    ln_beta = jnp.zeros((EMBED,), dtype=jnp.float32)
    return {"x": x, "table": table, "ln_gamma": ln_gamma, "ln_beta": ln_beta}

def _layer_norm(h, gamma, beta, eps=1e-5):
    mean = jnp.mean(h, axis=-1, keepdims=True)
    var = jnp.var(h, axis=-1, keepdims=True)
    return (h - mean) / jnp.sqrt(var + eps) * gamma + beta

def reference(x, table, ln_gamma, ln_beta):
    mask = x > 0
    h = jnp.take(table, x, axis=0)
    # dropout is identity in eval mode
    out = _layer_norm(h, ln_gamma, ln_beta)
    return (out, mask)

if __name__ == "__main__":
    import jax
    _d = setup_inputs()
    print(jax.jit(kernel)(*tuple(_d.values())))

</pallas_src>

<mosaic_0001>
#map = affine_map<(d0, d1) -> (0)>
#map1 = affine_map<(d0, d1) -> (0, 0)>
module attributes {stable_mosaic.version = 14 : i64} {
  func.func @_sc_body(%arg0: i32, %arg1: i32, %arg2: memref<819200xi32, #tpu.memory_space<hbm>>, %arg3: memref<100000x64xf32, #tpu.memory_space<hbm>>, %arg4: memref<64xf32, #tpu.memory_space<hbm>>, %arg5: memref<64xf32, #tpu.memory_space<hbm>>, %arg6: memref<1638400x64xf32, #tpu.memory_space<hbm>>, %arg7: memref<819200xi32, #tpu.memory_space<hbm>>, %arg8: memref<3x256xi32, #tpu.memory_space<vmem>>, %arg9: memref<3x512xi32, #tpu.memory_space<vmem>>, %arg10: memref<3x512x64xf32, #tpu.memory_space<vmem>>, %arg11: memref<3x256xi32, #tpu.memory_space<vmem>>, %arg12: memref<2x64xf32, #tpu.memory_space<vmem>>, %arg13: memref<3x!tpu.dma_semaphore, #tpu.memory_space<semaphore_mem>>, %arg14: memref<3x!tpu.dma_semaphore, #tpu.memory_space<semaphore_mem>>) attributes {dimension_semantics = [#tpu.dimension_semantics<core_parallel>, #tpu.dimension_semantics<subcore_parallel>], iteration_bounds = array<i64: 2, 16>, scalar_prefetch = 0 : i64, scratch_operands = 7 : i64, tpu.core_type = #tpu.core_type<sc_vector_subcore>, window_params = [{transform_indices = #map}, {transform_indices = #map1}, {transform_indices = #map}, {transform_indices = #map}, {transform_indices = #map1}, {transform_indices = #map}]} {
    %mul3A = arith.constant 2 : i32
    %mul3A_0 = arith.muli %arg1, %mul3A : i32
    %add3A = arith.addi %mul3A_0, %arg0 : i32
    %run_scoped3A = arith.constant 0 : i32
    "tpu.region"() ({
      %run_scoped3A_498 = tpu.sem_alloc : memref<!tpu.dma_semaphore, #tpu.memory_space<semaphore_mem>>
      %dma_start3A_499 = arith.constant 0 : i32
      %dma_start3A_500 = tpu.memref_slice %arg12[%run_scoped3A, %dma_start3A_499] : memref<2x64xf32, #tpu.memory_space<vmem>> -> memref<1x64xf32, #tpu.memory_space<vmem>>
      %dma_start3A_501 = tpu.memref_squeeze %dma_start3A_500 : memref<1x64xf32, #tpu.memory_space<vmem>> -> memref<64xf32, #tpu.memory_space<vmem>>
      %dma_start3A_502 = arith.constant 0 : i32
      %dma_start3A_503 = tpu.memref_slice %arg12[%run_scoped3A, %dma_start3A_502] : memref<2x64xf32, #tpu.memory_space<vmem>> -> memref<1x64xf32, #tpu.memory_space<vmem>>
      %dma_start3A_504 = tpu.memref_squeeze %dma_start3A_503 : memref<1x64xf32, #tpu.memory_space<vmem>> -> memref<64xf32, #tpu.memory_space<vmem>>
      tpu.enqueue_dma source(%arg4 : memref<64xf32, #tpu.memory_space<hbm>>) target(%dma_start3A_504 : memref<64xf32, #tpu.memory_space<vmem>>) target_semaphore(%run_scoped3A_498 : memref<!tpu.dma_semaphore, #tpu.memory_space<semaphore_mem>>)
      %dma_wait3A_505 = arith.constant 0 : i32
      %dma_wait3A_506 = tpu.memref_slice %arg12[%run_scoped3A, %dma_wait3A_505] : memref<2x64xf32, #tpu.memory_space<vmem>> -> memref<1x64xf32, #tpu.memory_space<vmem>>
      %dma_wait3A_507 = tpu.memref_squeeze %dma_wait3A_506 : memref<1x64xf32, #tpu.memory_space<vmem>> -> memref<64xf32, #tpu.memory_space<vmem>>
      %dma_wait3A_508 = arith.constant 0 : i32
      %dma_wait3A_509 = tpu.memref_slice %arg12[%run_scoped3A, %dma_wait3A_508] : memref<2x64xf32, #tpu.memory_space<vmem>> -> memref<1x64xf32, #tpu.memory_space<vmem>>
      %dma_wait3A_510 = tpu.memref_squeeze %dma_wait3A_509 : memref<1x64xf32, #tpu.memory_space<vmem>> -> memref<64xf32, #tpu.memory_space<vmem>>
      tpu.wait_dma2 semaphore(%run_scoped3A_498 : memref<!tpu.dma_semaphore, #tpu.memory_space<semaphore_mem>>) src(%arg4 : memref<64xf32, #tpu.memory_space<hbm>>) dst(%dma_wait3A_510 : memref<64xf32, #tpu.memory_space<vmem>>)
      tpu.yield
    }) : () -> ()
    %run_scoped3A_1 = arith.constant 1 : i32
    "tpu.region"() ({
      %run_scoped3A_498 = tpu.sem_alloc : memref<!tpu.dma_semaphore, #tpu.memory_space<semaphore_mem>>
      %dma_start3A_499 = arith.constant 0 : i32
      %dma_start3A_500 = tpu.memref_slice %arg12[%run_scoped3A_1, %dma_start3A_499] : memref<2x64xf32, #tpu.memory_space<vmem>> -> memref<1x64xf32, #tpu.memory_space<vmem>>
      %dma_start3A_501 = tpu.memref_squeeze %dma_start3A_500 : memref<1x64xf32, #tpu.memory_space<vmem>> -> memref<64xf32, #tpu.memory_space<vmem>>
      %dma_start3A_502 = arith.constant 0 : i32
      %dma_start3A_503 = tpu.memref_slice %arg12[%run_scoped3A_1, %dma_start3A_502] : memref<2x64xf32, #tpu.memory_space<vmem>> -> memref<1x64xf32, #tpu.memory_space<vmem>>
      %dma_start3A_504 = tpu.memref_squeeze %dma_start3A_503 : memref<1x64xf32, #tpu.memory_space<vmem>> -> memref<64xf32, #tpu.memory_space<vmem>>
      tpu.enqueue_dma source(%arg5 : memref<64xf32, #tpu.memory_space<hbm>>) target(%dma_start3A_504 : memref<64xf32, #tpu.memory_space<vmem>>) target_semaphore(%run_scoped3A_498 : memref<!tpu.dma_semaphore, #tpu.memory_space<semaphore_mem>>)
      %dma_wait3A_505 = arith.constant 0 : i32
      %dma_wait3A_506 = tpu.memref_slice %arg12[%run_scoped3A_1, %dma_wait3A_505] : memref<2x64xf32, #tpu.memory_space<vmem>> -> memref<1x64xf32, #tpu.memory_space<vmem>>
      %dma_wait3A_507 = tpu.memref_squeeze %dma_wait3A_506 : memref<1x64xf32, #tpu.memory_space<vmem>> -> memref<64xf32, #tpu.memory_space<vmem>>
      %dma_wait3A_508 = arith.constant 0 : i32
      %dma_wait3A_509 = tpu.memref_slice %arg12[%run_scoped3A_1, %dma_wait3A_508] : memref<2x64xf32, #tpu.memory_space<vmem>> -> memref<1x64xf32, #tpu.memory_space<vmem>>
      %dma_wait3A_510 = tpu.memref_squeeze %dma_wait3A_509 : memref<1x64xf32, #tpu.memory_space<vmem>> -> memref<64xf32, #tpu.memory_space<vmem>>
      tpu.wait_dma2 semaphore(%run_scoped3A_498 : memref<!tpu.dma_semaphore, #tpu.memory_space<semaphore_mem>>) src(%arg5 : memref<64xf32, #tpu.memory_space<hbm>>) dst(%dma_wait3A_510 : memref<64xf32, #tpu.memory_space<vmem>>)
      tpu.yield
    }) : () -> ()
    %get3A = arith.constant 0 : i32
    %get3A_2 = arith.index_cast %get3A : i32 to index
    %get3A_3 = arith.constant 0 : index
    %get3A_4 = tpu.vector_load %arg12[%get3A_2, %get3A_3] {strides = array<i32>} : memref<2x64xf32, #tpu.memory_space<vmem>>, vector<16xf32>,
    %get3A_5 = arith.constant 0 : i32
    %get3A_6 = arith.index_cast %get3A_5 : i32 to index
    %get3A_7 = arith.constant 16 : index
    %get3A_8 = tpu.vector_load %arg12[%get3A_6, %get3A_7] {strides = array<i32>} : memref<2x64xf32, #tpu.memory_space<vmem>>, vector<16xf32>,
    %get3A_9 = arith.constant 0 : i32
    %get3A_10 = arith.index_cast %get3A_9 : i32 to index
    %get3A_11 = arith.constant 32 : index
    %get3A_12 = tpu.vector_load %arg12[%get3A_10, %get3A_11] {strides = array<i32>} : memref<2x64xf32, #tpu.memory_space<vmem>>, vector<16xf32>,
    %get3A_13 = arith.constant 0 : i32
    %get3A_14 = arith.index_cast %get3A_13 : i32 to index
    %get3A_15 = arith.constant 48 : index
    %get3A_16 = tpu.vector_load %arg12[%get3A_14, %get3A_15] {strides = array<i32>} : memref<2x64xf32, #tpu.memory_space<vmem>>, vector<16xf32>,
    %get3A_17 = arith.constant 1 : i32
    %get3A_18 = arith.index_cast %get3A_17 : i32 to index
    %get3A_19 = arith.constant 0 : index
    %get3A_20 = tpu.vector_load %arg12[%get3A_18, %get3A_19] {strides = array<i32>} : memref<2x64xf32, #tpu.memory_space<vmem>>, vector<16xf32>,
    %get3A_21 = arith.constant 1 : i32
    %get3A_22 = arith.index_cast %get3A_21 : i32 to index
    %get3A_23 = arith.constant 16 : index
    %get3A_24 = tpu.vector_load %arg12[%get3A_22, %get3A_23] {strides = array<i32>} : memref<2x64xf32, #tpu.memory_space<vmem>>, vector<16xf32>,
    %get3A_25 = arith.constant 1 : i32
    %get3A_26 = arith.index_cast %get3A_25 : i32 to index
    %get3A_27 = arith.constant 32 : index
    %get3A_28 = tpu.vector_load %arg12[%get3A_26, %get3A_27] {strides = array<i32>} : memref<2x64xf32, #tpu.memory_space<vmem>>, vector<16xf32>,
    %get3A_29 = arith.constant 1 : i32
    %get3A_30 = arith.index_cast %get3A_29 : i32 to index
    %get3A_31 = arith.constant 48 : index
    %get3A_32 = tpu.vector_load %arg12[%get3A_30, %get3A_31] {strides = array<i32>} : memref<2x64xf32, #tpu.memory_space<vmem>>, vector<16xf32>,
    %broadcast_in_dim3A = arith.constant 1 : i32
    %broadcast_in_dim3A_33 = vector.broadcast %broadcast_in_dim3A : i32 to vector<16xi32>
    %broadcast_in_dim3A_34 = arith.constant 0 : i32
    %broadcast_in_dim3A_35 = vector.broadcast %broadcast_in_dim3A_34 : i32 to vector<16xi32>
    %iota3A = tpu.iota {dimensions = array<i32: 0>} : vector<16xi32>
    %mul3A_36 = arith.constant 2 : i32
    %mul3A_37 = vector.broadcast %mul3A_36 : i32 to vector<16xi32>
    %mul3A_38 = arith.muli %iota3A, %mul3A_37 : vector<16xi32>
    %xor3A = arith.constant 8 : i32
    %xor3A_39 = vector.broadcast %xor3A : i32 to vector<16xi32>
    %xor3A_40 = arith.xori %iota3A, %xor3A_39 : vector<16xi32>
    %xor3A_41 = arith.constant 4 : i32
    %xor3A_42 = vector.broadcast %xor3A_41 : i32 to vector<16xi32>
    %xor3A_43 = arith.xori %iota3A, %xor3A_42 : vector<16xi32>
    %xor3A_44 = arith.constant 2 : i32
    %xor3A_45 = vector.broadcast %xor3A_44 : i32 to vector<16xi32>
    %xor3A_46 = arith.xori %iota3A, %xor3A_45 : vector<16xi32>
    %xor3A_47 = arith.constant 1 : i32
    %xor3A_48 = vector.broadcast %xor3A_47 : i32 to vector<16xi32>
    %xor3A_49 = arith.xori %iota3A, %xor3A_48 : vector<16xi32>
    %mul3A_50 = arith.constant 25600 : i32
    %mul3A_51 = arith.muli %add3A, %mul3A_50 : i32
    %add3A_52 = arith.constant 0 : i32
    %add3A_53 = arith.addi %mul3A_51, %add3A_52 : i32
    %run_scoped3A_54 = arith.constant 0 : i32
    "tpu.region"() ({
      %run_scoped3A_498 = tpu.sem_alloc : memref<!tpu.dma_semaphore, #tpu.memory_space<semaphore_mem>>
      %dma_start3A_499 = arith.constant 0 : i32
      %dma_start3A_500 = tpu.memref_slice %arg8[%run_scoped3A_54, %dma_start3A_499] : memref<3x256xi32, #tpu.memory_space<vmem>> -> memref<1x256xi32, #tpu.memory_space<vmem>>
      %dma_start3A_501 = tpu.memref_squeeze %dma_start3A_500 : memref<1x256xi32, #tpu.memory_space<vmem>> -> memref<256xi32, #tpu.memory_space<vmem>>
      %dma_start3A_502 = tpu.memref_slice %arg2[%add3A_53] : memref<819200xi32, #tpu.memory_space<hbm>> -> memref<256xi32, #tpu.memory_space<hbm>>
      %dma_start3A_503 = arith.constant 0 : i32
      %dma_start3A_504 = tpu.memref_slice %arg8[%run_scoped3A_54, %dma_start3A_503] : memref<3x256xi32, #tpu.memory_space<vmem>> -> memref<1x256xi32, #tpu.memory_space<vmem>>
      %dma_start3A_505 = tpu.memref_squeeze %dma_start3A_504 : memref<1x256xi32, #tpu.memory_space<vmem>> -> memref<256xi32, #tpu.memory_space<vmem>>
      %dma_start3A_506 = tpu.memref_slice %arg2[%add3A_53] : memref<819200xi32, #tpu.memory_space<hbm>> -> memref<256xi32, #tpu.memory_space<hbm>>
      tpu.enqueue_dma source(%dma_start3A_506 : memref<256xi32, #tpu.memory_space<hbm>>) target(%dma_start3A_505 : memref<256xi32, #tpu.memory_space<vmem>>) target_semaphore(%run_scoped3A_498 : memref<!tpu.dma_semaphore, #tpu.memory_space<semaphore_mem>>)
      %dma_wait3A_507 = arith.constant 0 : i32
      %dma_wait3A_508 = tpu.memref_slice %arg8[%run_scoped3A_54, %dma_wait3A_507] : memref<3x256xi32, #tpu.memory_space<vmem>> -> memref<1x256xi32, #tpu.memory_space<vmem>>
      %dma_wait3A_509 = tpu.memref_squeeze %dma_wait3A_508 : memref<1x256xi32, #tpu.memory_space<vmem>> -> memref<256xi32, #tpu.memory_space<vmem>>
      %dma_wait3A_510 = tpu.memref_slice %arg2[%add3A_53] : memref<819200xi32, #tpu.memory_space<hbm>> -> memref<256xi32, #tpu.memory_space<hbm>>
      %dma_wait3A_511 = arith.constant 0 : i32
      %dma_wait3A_512 = tpu.memref_slice %arg8[%run_scoped3A_54, %dma_wait3A_511] : memref<3x256xi32, #tpu.memory_space<vmem>> -> memref<1x256xi32, #tpu.memory_space<vmem>>
      %dma_wait3A_513 = tpu.memref_squeeze %dma_wait3A_512 : memref<1x256xi32, #tpu.memory_space<vmem>> -> memref<256xi32, #tpu.memory_space<vmem>>
      %dma_wait3A_514 = tpu.memref_slice %arg2[%add3A_53] : memref<819200xi32, #tpu.memory_space<hbm>> -> memref<256xi32, #tpu.memory_space<hbm>>
      tpu.wait_dma2 semaphore(%run_scoped3A_498 : memref<!tpu.dma_semaphore, #tpu.memory_space<semaphore_mem>>) src(%dma_wait3A_514 : memref<256xi32, #tpu.memory_space<hbm>>) dst(%dma_wait3A_513 : memref<256xi32, #tpu.memory_space<vmem>>)
      tpu.yield
    }) : () -> ()
    %get3A_55 = arith.constant 0 : i32
    %get3A_56 = arith.index_cast %get3A_55 : i32 to index
    %get3A_57 = arith.constant 0 : index
    %get3A_58 = tpu.vector_load %arg8[%get3A_56, %get3A_57] {strides = array<i32>} : memref<3x256xi32, #tpu.memory_space<vmem>>, vector<16xi32>,
    %add3A_59 = arith.constant 0 : i32
    %add3A_60 = vector.broadcast %add3A_59 : i32 to vector<16xi32>
    %add3A_61 = arith.addi %mul3A_38, %add3A_60 : vector<16xi32>
    %scatter3A = arith.constant 0 : i32
    %scatter3A_62 = arith.constant 0 : i32
    %scatter3A_63 = tpu.memref_slice %arg9[%scatter3A, %scatter3A_62] : memref<3x512xi32, #tpu.memory_space<vmem>> -> memref<1x512xi32, #tpu.memory_space<vmem>>
    %scatter3A_64 = tpu.memref_squeeze %scatter3A_63 : memref<1x512xi32, #tpu.memory_space<vmem>> -> memref<512xi32, #tpu.memory_space<vmem>>
    tpu.vector_store_idx %scatter3A_64[%add3A_61], %get3A_58 : memref<512xi32, #tpu.memory_space<vmem>>[vector<16xi32>], vector<16xi32>,
    %add3A_65 = arith.constant 1 : i32
    %add3A_66 = vector.broadcast %add3A_65 : i32 to vector<16xi32>
    %add3A_67 = arith.addi %add3A_61, %add3A_66 : vector<16xi32>
    %scatter3A_68 = arith.constant 0 : i32
    %scatter3A_69 = arith.constant 0 : i32
    %scatter3A_70 = tpu.memref_slice %arg9[%scatter3A_68, %scatter3A_69] : memref<3x512xi32, #tpu.memory_space<vmem>> -> memref<1x512xi32, #tpu.memory_space<vmem>>
    %scatter3A_71 = tpu.memref_squeeze %scatter3A_70 : memref<1x512xi32, #tpu.memory_space<vmem>> -> memref<512xi32, #tpu.memory_space<vmem>>
    tpu.vector_store_idx %scatter3A_71[%add3A_67], %get3A_58 : memref<512xi32, #tpu.memory_space<vmem>>[vector<16xi32>], vector<16xi32>,
    %get3A_72 = arith.constant 0 : i32
    %get3A_73 = arith.index_cast %get3A_72 : i32 to index
    %get3A_74 = arith.constant 16 : index
    %get3A_75 = tpu.vector_load %arg8[%get3A_73, %get3A_74] {strides = array<i32>} : memref<3x256xi32, #tpu.memory_space<vmem>>, vector<16xi32>,
    %add3A_76 = arith.constant 32 : i32
    %add3A_77 = vector.broadcast %add3A_76 : i32 to vector<16xi32>
    %add3A_78 = arith.addi %mul3A_38, %add3A_77 : vector<16xi32>
    %scatter3A_79 = arith.constant 0 : i32
    %scatter3A_80 = arith.constant 0 : i32
    %scatter3A_81 = tpu.memref_slice %arg9[%scatter3A_79, %scatter3A_80] : memref<3x512xi32, #tpu.memory_space<vmem>> -> memref<1x512xi32, #tpu.memory_space<vmem>>
    %scatter3A_82 = tpu.memref_squeeze %scatter3A_81 : memref<1x512xi32, #tpu.memory_space<vmem>> -> memref<512xi32, #tpu.memory_space<vmem>>
    tpu.vector_store_idx %scatter3A_82[%add3A_78], %get3A_75 : memref<512xi32, #tpu.memory_space<vmem>>[vector<16xi32>], vector<16xi32>,
    %add3A_83 = arith.constant 1 : i32
    %add3A_84 = vector.broadcast %add3A_83 : i32 to vector<16xi32>
    %add3A_85 = arith.addi %add3A_78, %add3A_84 : vector<16xi32>
    %scatter3A_86 = arith.constant 0 : i32
    %scatter3A_87 = arith.constant 0 : i32
    %scatter3A_88 = tpu.memref_slice %arg9[%scatter3A_86, %scatter3A_87] : memref<3x512xi32, #tpu.memory_space<vmem>> -> memref<1x512xi32, #tpu.memory_space<vmem>>
    %scatter3A_89 = tpu.memref_squeeze %scatter3A_88 : memref<1x512xi32, #tpu.memory_space<vmem>> -> memref<512xi32, #tpu.memory_space<vmem>>
    tpu.vector_store_idx %scatter3A_89[%add3A_85], %get3A_75 : memref<512xi32, #tpu.memory_space<vmem>>[vector<16xi32>], vector<16xi32>,
    %get3A_90 = arith.constant 0 : i32
    %get3A_91 = arith.index_cast %get3A_90 : i32 to index
    %get3A_92 = arith.constant 32 : index
    %get3A_93 = tpu.vector_load %arg8[%get3A_91, %get3A_92] {strides = array<i32>} : memref<3x256xi32, #tpu.memory_space<vmem>>, vector<16xi32>,
    %add3A_94 = arith.constant 64 : i32
    %add3A_95 = vector.broadcast %add3A_94 : i32 to vector<16xi32>
    %add3A_96 = arith.addi %mul3A_38, %add3A_95 : vector<16xi32>
    %scatter3A_97 = arith.constant 0 : i32
    %scatter3A_98 = arith.constant 0 : i32
    %scatter3A_99 = tpu.memref_slice %arg9[%scatter3A_97, %scatter3A_98] : memref<3x512xi32, #tpu.memory_space<vmem>> -> memref<1x512xi32, #tpu.memory_space<vmem>>
    %scatter3A_100 = tpu.memref_squeeze %scatter3A_99 : memref<1x512xi32, #tpu.memory_space<vmem>> -> memref<512xi32, #tpu.memory_space<vmem>>
    tpu.vector_store_idx %scatter3A_100[%add3A_96], %get3A_93 : memref<512xi32, #tpu.memory_space<vmem>>[vector<16xi32>], vector<16xi32>,
    %add3A_101 = arith.constant 1 : i32
    %add3A_102 = vector.broadcast %add3A_101 : i32 to vector<16xi32>
    %add3A_103 = arith.addi %add3A_96, %add3A_102 : vector<16xi32>
    %scatter3A_104 = arith.constant 0 : i32
    %scatter3A_105 = arith.constant 0 : i32
    %scatter3A_106 = tpu.memref_slice %arg9[%scatter3A_104, %scatter3A_105] : memref<3x512xi32, #tpu.memory_space<vmem>> -> memref<1x512xi32, #tpu.memory_space<vmem>>
    %scatter3A_107 = tpu.memref_squeeze %scatter3A_106 : memref<1x512xi32, #tpu.memory_space<vmem>> -> memref<512xi32, #tpu.memory_space<vmem>>
    tpu.vector_store_idx %scatter3A_107[%add3A_103], %get3A_93 : memref<512xi32, #tpu.memory_space<vmem>>[vector<16xi32>], vector<16xi32>,
    %get3A_108 = arith.constant 0 : i32
    %get3A_109 = arith.index_cast %get3A_108 : i32 to index
    %get3A_110 = arith.constant 48 : index
    %get3A_111 = tpu.vector_load %arg8[%get3A_109, %get3A_110] {strides = array<i32>} : memref<3x256xi32, #tpu.memory_space<vmem>>, vector<16xi32>,
    %add3A_112 = arith.constant 96 : i32
    %add3A_113 = vector.broadcast %add3A_112 : i32 to vector<16xi32>
    %add3A_114 = arith.addi %mul3A_38, %add3A_113 : vector<16xi32>
    %scatter3A_115 = arith.constant 0 : i32
    %scatter3A_116 = arith.constant 0 : i32
    %scatter3A_117 = tpu.memref_slice %arg9[%scatter3A_115, %scatter3A_116] : memref<3x512xi32, #tpu.memory_space<vmem>> -> memref<1x512xi32, #tpu.memory_space<vmem>>
    %scatter3A_118 = tpu.memref_squeeze %scatter3A_117 : memref<1x512xi32, #tpu.memory_space<vmem>> -> memref<512xi32, #tpu.memory_space<vmem>>
    tpu.vector_store_idx %scatter3A_118[%add3A_114], %get3A_111 : memref<512xi32, #tpu.memory_space<vmem>>[vector<16xi32>], vector<16xi32>,
    %add3A_119 = arith.constant 1 : i32
    %add3A_120 = vector.broadcast %add3A_119 : i32 to vector<16xi32>
    %add3A_121 = arith.addi %add3A_114, %add3A_120 : vector<16xi32>
    %scatter3A_122 = arith.constant 0 : i32
    %scatter3A_123 = arith.constant 0 : i32
    %scatter3A_124 = tpu.memref_slice %arg9[%scatter3A_122, %scatter3A_123] : memref<3x512xi32, #tpu.memory_space<vmem>> -> memref<1x512xi32, #tpu.memory_space<vmem>>
    %scatter3A_125 = tpu.memref_squeeze %scatter3A_124 : memref<1x512xi32, #tpu.memory_space<vmem>> -> memref<512xi32, #tpu.memory_space<vmem>>
    tpu.vector_store_idx %scatter3A_125[%add3A_121], %get3A_111 : memref<512xi32, #tpu.memory_space<vmem>>[vector<16xi32>], vector<16xi32>,
    %get3A_126 = arith.constant 0 : i32
    %get3A_127 = arith.index_cast %get3A_126 : i32 to index
    %get3A_128 = arith.constant 64 : index
    %get3A_129 = tpu.vector_load %arg8[%get3A_127, %get3A_128] {strides = array<i32>} : memref<3x256xi32, #tpu.memory_space<vmem>>, vector<16xi32>,
    %add3A_130 = arith.constant 128 : i32
    %add3A_131 = vector.broadcast %add3A_130 : i32 to vector<16xi32>
    %add3A_132 = arith.addi %mul3A_38, %add3A_131 : vector<16xi32>
    %scatter3A_133 = arith.constant 0 : i32
    %scatter3A_134 = arith.constant 0 : i32
    %scatter3A_135 = tpu.memref_slice %arg9[%scatter3A_133, %scatter3A_134] : memref<3x512xi32, #tpu.memory_space<vmem>> -> memref<1x512xi32, #tpu.memory_space<vmem>>
    %scatter3A_136 = tpu.memref_squeeze %scatter3A_135 : memref<1x512xi32, #tpu.memory_space<vmem>> -> memref<512xi32, #tpu.memory_space<vmem>>
    tpu.vector_store_idx %scatter3A_136[%add3A_132], %get3A_129 : memref<512xi32, #tpu.memory_space<vmem>>[vector<16xi32>], vector<16xi32>,
    %add3A_137 = arith.constant 1 : i32
    %add3A_138 = vector.broadcast %add3A_137 : i32 to vector<16xi32>
    %add3A_139 = arith.addi %add3A_132, %add3A_138 : vector<16xi32>
    %scatter3A_140 = arith.constant 0 : i32
    %scatter3A_141 = arith.constant 0 : i32
    %scatter3A_142 = tpu.memref_slice %arg9[%scatter3A_140, %scatter3A_141] : memref<3x512xi32, #tpu.memory_space<vmem>> -> memref<1x512xi32, #tpu.memory_space<vmem>>
    %scatter3A_143 = tpu.memref_squeeze %scatter3A_142 : memref<1x512xi32, #tpu.memory_space<vmem>> -> memref<512xi32, #tpu.memory_space<vmem>>
    tpu.vector_store_idx %scatter3A_143[%add3A_139], %get3A_129 : memref<512xi32, #tpu.memory_space<vmem>>[vector<16xi32>], vector<16xi32>,
    %get3A_144 = arith.constant 0 : i32
    %get3A_145 = arith.index_cast %get3A_144 : i32 to index
    %get3A_146 = arith.constant 80 : index
    %get3A_147 = tpu.vector_load %arg8[%get3A_145, %get3A_146] {strides = array<i32>} : memref<3x256xi32, #tpu.memory_space<vmem>>, vector<16xi32>,
    %add3A_148 = arith.constant 160 : i32
    %add3A_149 = vector.broadcast %add3A_148 : i32 to vector<16xi32>
    %add3A_150 = arith.addi %mul3A_38, %add3A_149 : vector<16xi32>
    %scatter3A_151 = arith.constant 0 : i32
    %scatter3A_152 = arith.constant 0 : i32
    %scatter3A_153 = tpu.memref_slice %arg9[%scatter3A_151, %scatter3A_152] : memref<3x512xi32, #tpu.memory_space<vmem>> -> memref<1x512xi32, #tpu.memory_space<vmem>>
    %scatter3A_154 = tpu.memref_squeeze %scatter3A_153 : memref<1x512xi32, #tpu.memory_space<vmem>> -> memref<512xi32, #tpu.memory_space<vmem>>
    tpu.vector_store_idx %scatter3A_154[%add3A_150], %get3A_147 : memref<512xi32, #tpu.memory_space<vmem>>[vector<16xi32>], vector<16xi32>,
    %add3A_155 = arith.constant 1 : i32
    %add3A_156 = vector.broadcast %add3A_155 : i32 to vector<16xi32>
    %add3A_157 = arith.addi %add3A_150, %add3A_156 : vector<16xi32>
    %scatter3A_158 = arith.constant 0 : i32
    %scatter3A_159 = arith.constant 0 : i32
    %scatter3A_160 = tpu.memref_slice %arg9[%scatter3A_158, %scatter3A_159] : memref<3x512xi32, #tpu.memory_space<vmem>> -> memref<1x512xi32, #tpu.memory_space<vmem>>
    %scatter3A_161 = tpu.memref_squeeze %scatter3A_160 : memref<1x512xi32, #tpu.memory_space<vmem>> -> memref<512xi32, #tpu.memory_space<vmem>>
    tpu.vector_store_idx %scatter3A_161[%add3A_157], %get3A_147 : memref<512xi32, #tpu.memory_space<vmem>>[vector<16xi32>], vector<16xi32>,
    %get3A_162 = arith.constant 0 : i32
    %get3A_163 = arith.index_cast %get3A_162 : i32 to index
    %get3A_164 = arith.constant 96 : index
    %get3A_165 = tpu.vector_load %arg8[%get3A_163, %get3A_164] {strides = array<i32>} : memref<3x256xi32, #tpu.memory_space<vmem>>, vector<16xi32>,
    %add3A_166 = arith.constant 192 : i32
    %add3A_167 = vector.broadcast %add3A_166 : i32 to vector<16xi32>
    %add3A_168 = arith.addi %mul3A_38, %add3A_167 : vector<16xi32>
    %scatter3A_169 = arith.constant 0 : i32
    %scatter3A_170 = arith.constant 0 : i32
    %scatter3A_171 = tpu.memref_slice %arg9[%scatter3A_169, %scatter3A_170] : memref<3x512xi32, #tpu.memory_space<vmem>> -> memref<1x512xi32, #tpu.memory_space<vmem>>
    %scatter3A_172 = tpu.memref_squeeze %scatter3A_171 : memref<1x512xi32, #tpu.memory_space<vmem>> -> memref<512xi32, #tpu.memory_space<vmem>>
    tpu.vector_store_idx %scatter3A_172[%add3A_168], %get3A_165 : memref<512xi32, #tpu.memory_space<vmem>>[vector<16xi32>], vector<16xi32>,
    %add3A_173 = arith.constant 1 : i32
    %add3A_174 = vector.broadcast %add3A_173 : i32 to vector<16xi32>
    %add3A_175 = arith.addi %add3A_168, %add3A_174 : vector<16xi32>
    %scatter3A_176 = arith.constant 0 : i32
    %scatter3A_177 = arith.constant 0 : i32
    %scatter3A_178 = tpu.memref_slice %arg9[%scatter3A_176, %scatter3A_177] : memref<3x512xi32, #tpu.memory_space<vmem>> -> memref<1x512xi32, #tpu.memory_space<vmem>>
    %scatter3A_179 = tpu.memref_squeeze %scatter3A_178 : memref<1x512xi32, #tpu.memory_space<vmem>> -> memref<512xi32, #tpu.memory_space<vmem>>
    tpu.vector_store_idx %scatter3A_179[%add3A_175], %get3A_165 : memref<512xi32, #tpu.memory_space<vmem>>[vector<16xi32>], vector<16xi32>,
    %get3A_180 = arith.constant 0 : i32
    %get3A_181 = arith.index_cast %get3A_180 : i32 to index
    %get3A_182 = arith.constant 112 : index
    %get3A_183 = tpu.vector_load %arg8[%get3A_181, %get3A_182] {strides = array<i32>} : memref<3x256xi32, #tpu.memory_space<vmem>>, vector<16xi32>,
    %add3A_184 = arith.constant 224 : i32
    %add3A_185 = vector.broadcast %add3A_184 : i32 to vector<16xi32>
    %add3A_186 = arith.addi %mul3A_38, %add3A_185 : vector<16xi32>
    %scatter3A_187 = arith.constant 0 : i32
    %scatter3A_188 = arith.constant 0 : i32
    %scatter3A_189 = tpu.memref_slice %arg9[%scatter3A_187, %scatter3A_188] : memref<3x512xi32, #tpu.memory_space<vmem>> -> memref<1x512xi32, #tpu.memory_space<vmem>>
    %scatter3A_190 = tpu.memref_squeeze %scatter3A_189 : memref<1x512xi32, #tpu.memory_space<vmem>> -> memref<512xi32, #tpu.memory_space<vmem>>
    tpu.vector_store_idx %scatter3A_190[%add3A_186], %get3A_183 : memref<512xi32, #tpu.memory_space<vmem>>[vector<16xi32>], vector<16xi32>,
    %add3A_191 = arith.constant 1 : i32
    %add3A_192 = vector.broadcast %add3A_191 : i32 to vector<16xi32>
    %add3A_193 = arith.addi %add3A_186, %add3A_192 : vector<16xi32>
    %scatter3A_194 = arith.constant 0 : i32
    %scatter3A_195 = arith.constant 0 : i32
    %scatter3A_196 = tpu.memref_slice %arg9[%scatter3A_194, %scatter3A_195] : memref<3x512xi32, #tpu.memory_space<vmem>> -> memref<1x512xi32, #tpu.memory_space<vmem>>
    %scatter3A_197 = tpu.memref_squeeze %scatter3A_196 : memref<1x512xi32, #tpu.memory_space<vmem>> -> memref<512xi32, #tpu.memory_space<vmem>>
    tpu.vector_store_idx %scatter3A_197[%add3A_193], %get3A_183 : memref<512xi32, #tpu.memory_space<vmem>>[vector<16xi32>], vector<16xi32>,
    %get3A_198 = arith.constant 0 : i32
    %get3A_199 = arith.index_cast %get3A_198 : i32 to index
    %get3A_200 = arith.constant 128 : index
    %get3A_201 = tpu.vector_load %arg8[%get3A_199, %get3A_200] {strides = array<i32>} : memref<3x256xi32, #tpu.memory_space<vmem>>, vector<16xi32>,
    %add3A_202 = arith.constant 256 : i32
    %add3A_203 = vector.broadcast %add3A_202 : i32 to vector<16xi32>
    %add3A_204 = arith.addi %mul3A_38, %add3A_203 : vector<16xi32>
    %scatter3A_205 = arith.constant 0 : i32
    %scatter3A_206 = arith.constant 0 : i32
    %scatter3A_207 = tpu.memref_slice %arg9[%scatter3A_205, %scatter3A_206] : memref<3x512xi32, #tpu.memory_space<vmem>> -> memref<1x512xi32, #tpu.memory_space<vmem>>
    %scatter3A_208 = tpu.memref_squeeze %scatter3A_207 : memref<1x512xi32, #tpu.memory_space<vmem>> -> memref<512xi32, #tpu.memory_space<vmem>>
    tpu.vector_store_idx %scatter3A_208[%add3A_204], %get3A_201 : memref<512xi32, #tpu.memory_space<vmem>>[vector<16xi32>], vector<16xi32>,
    %add3A_209 = arith.constant 1 : i32
    %add3A_210 = vector.broadcast %add3A_209 : i32 to vector<16xi32>
    %add3A_211 = arith.addi %add3A_204, %add3A_210 : vector<16xi32>
    %scatter3A_212 = arith.constant 0 : i32
    %scatter3A_213 = arith.constant 0 : i32
    %scatter3A_214 = tpu.memref_slice %arg9[%scatter3A_212, %scatter3A_213] : memref<3x512xi32, #tpu.memory_space<vmem>> -> memref<1x512xi32, #tpu.memory_space<vmem>>
    %scatter3A_215 = tpu.memref_squeeze %scatter3A_214 : memref<1x512xi32, #tpu.memory_space<vmem>> -> memref<512xi32, #tpu.memory_space<vmem>>
    tpu.vector_store_idx %scatter3A_215[%add3A_211], %get3A_201 : memref<512xi32, #tpu.memory_space<vmem>>[vector<16xi32>], vector<16xi32>,
    %get3A_216 = arith.constant 0 : i32
    %get3A_217 = arith.index_cast %get3A_216 : i32 to index
    %get3A_218 = arith.constant 144 : index
    %get3A_219 = tpu.vector_load %arg8[%get3A_217, %get3A_218] {strides = array<i32>} : memref<3x256xi32, #tpu.memory_space<vmem>>, vector<16xi32>,
    %add3A_220 = arith.constant 288 : i32
    %add3A_221 = vector.broadcast %add3A_220 : i32 to vector<16xi32>
    %add3A_222 = arith.addi %mul3A_38, %add3A_221 : vector<16xi32>
    %scatter3A_223 = arith.constant 0 : i32
    %scatter3A_224 = arith.constant 0 : i32
    %scatter3A_225 = tpu.memref_slice %arg9[%scatter3A_223, %scatter3A_224] : memref<3x512xi32, #tpu.memory_space<vmem>> -> memref<1x512xi32, #tpu.memory_space<vmem>>
    %scatter3A_226 = tpu.memref_squeeze %scatter3A_225 : memref<1x512xi32, #tpu.memory_space<vmem>> -> memref<512xi32, #tpu.memory_space<vmem>>
    tpu.vector_store_idx %scatter3A_226[%add3A_222], %get3A_219 : memref<512xi32, #tpu.memory_space<vmem>>[vector<16xi32>], vector<16xi32>,
    %add3A_227 = arith.constant 1 : i32
    %add3A_228 = vector.broadcast %add3A_227 : i32 to vector<16xi32>
    %add3A_229 = arith.addi %add3A_222, %add3A_228 : vector<16xi32>
    %scatter3A_230 = arith.constant 0 : i32
    %scatter3A_231 = arith.constant 0 : i32
    %scatter3A_232 = tpu.memref_slice %arg9[%scatter3A_230, %scatter3A_231] : memref<3x512xi32, #tpu.memory_space<vmem>> -> memref<1x512xi32, #tpu.memory_space<vmem>>
    %scatter3A_233 = tpu.memref_squeeze %scatter3A_232 : memref<1x512xi32, #tpu.memory_space<vmem>> -> memref<512xi32, #tpu.memory_space<vmem>>
    tpu.vector_store_idx %scatter3A_233[%add3A_229], %get3A_219 : memref<512xi32, #tpu.memory_space<vmem>>[vector<16xi32>], vector<16xi32>,
    %get3A_234 = arith.constant 0 : i32
    %get3A_235 = arith.index_cast %get3A_234 : i32 to index
    %get3A_236 = arith.constant 160 : index
    %get3A_237 = tpu.vector_load %arg8[%get3A_235, %get3A_236] {strides = array<i32>} : memref<3x256xi32, #tpu.memory_space<vmem>>, vector<16xi32>,
    %add3A_238 = arith.constant 320 : i32
    %add3A_239 = vector.broadcast %add3A_238 : i32 to vector<16xi32>
    %add3A_240 = arith.addi %mul3A_38, %add3A_239 : vector<16xi32>
    %scatter3A_241 = arith.constant 0 : i32
    %scatter3A_242 = arith.constant 0 : i32
    %scatter3A_243 = tpu.memref_slice %arg9[%scatter3A_241, %scatter3A_242] : memref<3x512xi32, #tpu.memory_space<vmem>> -> memref<1x512xi32, #tpu.memory_space<vmem>>
    %scatter3A_244 = tpu.memref_squeeze %scatter3A_243 : memref<1x512xi32, #tpu.memory_space<vmem>> -> memref<512xi32, #tpu.memory_space<vmem>>
    tpu.vector_store_idx %scatter3A_244[%add3A_240], %get3A_237 : memref<512xi32, #tpu.memory_space<vmem>>[vector<16xi32>], vector<16xi32>,
    %add3A_245 = arith.constant 1 : i32
    %add3A_246 = vector.broadcast %add3A_245 : i32 to vector<16xi32>
    %add3A_247 = arith.addi %add3A_240, %add3A_246 : vector<16xi32>
    %scatter3A_248 = arith.constant 0 : i32
    %scatter3A_249 = arith.constant 0 : i32
    %scatter3A_250 = tpu.memref_slice %arg9[%scatter3A_248, %scatter3A_249] : memref<3x512xi32, #tpu.memory_space<vmem>> -> memref<1x512xi32, #tpu.memory_space<vmem>>
    %scatter3A_251 = tpu.memref_squeeze %scatter3A_250 : memref<1x512xi32, #tpu.memory_space<vmem>> -> memref<512xi32, #tpu.memory_space<vmem>>
    tpu.vector_store_idx %scatter3A_251[%add3A_247], %get3A_237 : memref<512xi32, #tpu.memory_space<vmem>>[vector<16xi32>], vector<16xi32>,
    %get3A_252 = arith.constant 0 : i32
    %get3A_253 = arith.index_cast %get3A_252 : i32 to index
    %get3A_254 = arith.constant 176 : index
    %get3A_255 = tpu.vector_load %arg8[%get3A_253, %get3A_254] {strides = array<i32>} : memref<3x256xi32, #tpu.memory_space<vmem>>, vector<16xi32>,
    %add3A_256 = arith.constant 352 : i32
    %add3A_257 = vector.broadcast %add3A_256 : i32 to vector<16xi32>
    %add3A_258 = arith.addi %mul3A_38, %add3A_257 : vector<16xi32>
    %scatter3A_259 = arith.constant 0 : i32
    %scatter3A_260 = arith.constant 0 : i32
    %scatter3A_261 = tpu.memref_slice %arg9[%scatter3A_259, %scatter3A_260] : memref<3x512xi32, #tpu.memory_space<vmem>> -> memref<1x512xi32, #tpu.memory_space<vmem>>
    %scatter3A_262 = tpu.memref_squeeze %scatter3A_261 : memref<1x512xi32, #tpu.memory_space<vmem>> -> memref<512xi32, #tpu.memory_space<vmem>>
    tpu.vector_store_idx %scatter3A_262[%add3A_258], %get3A_255 : memref<512xi32, #tpu.memory_space<vmem>>[vector<16xi32>], vector<16xi32>,
    %add3A_263 = arith.constant 1 : i32
    %add3A_264 = vector.broadcast %add3A_263 : i32 to vector<16xi32>
    %add3A_265 = arith.addi %add3A_258, %add3A_264 : vector<16xi32>
    %scatter3A_266 = arith.constant 0 : i32
    %scatter3A_267 = arith.constant 0 : i32
    %scatter3A_268 = tpu.memref_slice %arg9[%scatter3A_266, %scatter3A_267] : memref<3x512xi32, #tpu.memory_space<vmem>> -> memref<1x512xi32, #tpu.memory_space<vmem>>
    %scatter3A_269 = tpu.memref_squeeze %scatter3A_268 : memref<1x512xi32, #tpu.memory_space<vmem>> -> memref<512xi32, #tpu.memory_space<vmem>>
    tpu.vector_store_idx %scatter3A_269[%add3A_265], %get3A_255 : memref<512xi32, #tpu.memory_space<vmem>>[vector<16xi32>], vector<16xi32>,
    %get3A_270 = arith.constant 0 : i32
    %get3A_271 = arith.index_cast %get3A_270 : i32 to index
    %get3A_272 = arith.constant 192 : index
    %get3A_273 = tpu.vector_load %arg8[%get3A_271, %get3A_272] {strides = array<i32>} : memref<3x256xi32, #tpu.memory_space<vmem>>, vector<16xi32>,
    %add3A_274 = arith.constant 384 : i32
    %add3A_275 = vector.broadcast %add3A_274 : i32 to vector<16xi32>
    %add3A_276 = arith.addi %mul3A_38, %add3A_275 : vector<16xi32>
    %scatter3A_277 = arith.constant 0 : i32
    %scatter3A_278 = arith.constant 0 : i32
    %scatter3A_279 = tpu.memref_slice %arg9[%scatter3A_277, %scatter3A_278] : memref<3x512xi32, #tpu.memory_space<vmem>> -> memref<1x512xi32, #tpu.memory_space<vmem>>
    %scatter3A_280 = tpu.memref_squeeze %scatter3A_279 : memref<1x512xi32, #tpu.memory_space<vmem>> -> memref<512xi32, #tpu.memory_space<vmem>>
    tpu.vector_store_idx %scatter3A_280[%add3A_276], %get3A_273 : memref<512xi32, #tpu.memory_space<vmem>>[vector<16xi32>], vector<16xi32>,
    %add3A_281 = arith.constant 1 : i32
    %add3A_282 = vector.broadcast %add3A_281 : i32 to vector<16xi32>
    %add3A_283 = arith.addi %add3A_276, %add3A_282 : vector<16xi32>
    %scatter3A_284 = arith.constant 0 : i32
    %scatter3A_285 = arith.constant 0 : i32
    %scatter3A_286 = tpu.memref_slice %arg9[%scatter3A_284, %scatter3A_285] : memref<3x512xi32, #tpu.memory_space<vmem>> -> memref<1x512xi32, #tpu.memory_space<vmem>>
    %scatter3A_287 = tpu.memref_squeeze %scatter3A_286 : memref<1x512xi32, #tpu.memory_space<vmem>> -> memref<512xi32, #tpu.memory_space<vmem>>
    tpu.vector_store_idx %scatter3A_287[%add3A_283], %get3A_273 : memref<512xi32, #tpu.memory_space<vmem>>[vector<16xi32>], vector<16xi32>,
    %get3A_288 = arith.constant 0 : i32
    %get3A_289 = arith.index_cast %get3A_288 : i32 to index
    %get3A_290 = arith.constant 208 : index
    %get3A_291 = tpu.vector_load %arg8[%get3A_289, %get3A_290] {strides = array<i32>} : memref<3x256xi32, #tpu.memory_space<vmem>>, vector<16xi32>,
    %add3A_292 = arith.constant 416 : i32
    %add3A_293 = vector.broadcast %add3A_292 : i32 to vector<16xi32>
    %add3A_294 = arith.addi %mul3A_38, %add3A_293 : vector<16xi32>
    %scatter3A_295 = arith.constant 0 : i32
    %scatter3A_296 = arith.constant 0 : i32
    %scatter3A_297 = tpu.memref_slice %arg9[%scatter3A_295, %scatter3A_296] : memref<3x512xi32, #tpu.memory_space<vmem>> -> memref<1x512xi32, #tpu.memory_space<vmem>>
    %scatter3A_298 = tpu.memref_squeeze %scatter3A_297 : memref<1x512xi32, #tpu.memory_space<vmem>> -> memref<512xi32, #tpu.memory_space<vmem>>
    tpu.vector_store_idx %scatter3A_298[%add3A_294], %get3A_291 : memref<512xi32, #tpu.memory_space<vmem>>[vector<16xi32>], vector<16xi32>,
    %add3A_299 = arith.constant 1 : i32
    %add3A_300 = vector.broadcast %add3A_299 : i32 to vector<16xi32>
    %add3A_301 = arith.addi %add3A_294, %add3A_300 : vector<16xi32>
    %scatter3A_302 = arith.constant 0 : i32
    %scatter3A_303 = arith.constant 0 : i32
    %scatter3A_304 = tpu.memref_slice %arg9[%scatter3A_302, %scatter3A_303] : memref<3x512xi32, #tpu.memory_space<vmem>> -> memref<1x512xi32, #tpu.memory_space<vmem>>
    %scatter3A_305 = tpu.memref_squeeze %scatter3A_304 : memref<1x512xi32, #tpu.memory_space<vmem>> -> memref<512xi32, #tpu.memory_space<vmem>>
    tpu.vector_store_idx %scatter3A_305[%add3A_301], %get3A_291 : memref<512xi32, #tpu.memory_space<vmem>>[vector<16xi32>], vector<16xi32>,
    %get3A_306 = arith.constant 0 : i32
    %get3A_307 = arith.index_cast %get3A_306 : i32 to index
    %get3A_308 = arith.constant 224 : index
    %get3A_309 = tpu.vector_load %arg8[%get3A_307, %get3A_308] {strides = array<i32>} : memref<3x256xi32, #tpu.memory_space<vmem>>, vector<16xi32>,
    %add3A_310 = arith.constant 448 : i32
    %add3A_311 = vector.broadcast %add3A_310 : i32 to vector<16xi32>
    %add3A_312 = arith.addi %mul3A_38, %add3A_311 : vector<16xi32>
    %scatter3A_313 = arith.constant 0 : i32
    %scatter3A_314 = arith.constant 0 : i32
    %scatter3A_315 = tpu.memref_slice %arg9[%scatter3A_313, %scatter3A_314] : memref<3x512xi32, #tpu.memory_space<vmem>> -> memref<1x512xi32, #tpu.memory_space<vmem>>
    %scatter3A_316 = tpu.memref_squeeze %scatter3A_315 : memref<1x512xi32, #tpu.memory_space<vmem>> -> memref<512xi32, #tpu.memory_space<vmem>>
    tpu.vector_store_idx %scatter3A_316[%add3A_312], %get3A_309 : memref<512xi32, #tpu.memory_space<vmem>>[vector<16xi32>], vector<16xi32>,
    %add3A_317 = arith.constant 1 : i32
    %add3A_318 = vector.broadcast %add3A_317 : i32 to vector<16xi32>
    %add3A_319 = arith.addi %add3A_312, %add3A_318 : vector<16xi32>
    %scatter3A_320 = arith.constant 0 : i32
    %scatter3A_321 = arith.constant 0 : i32
    %scatter3A_322 = tpu.memref_slice %arg9[%scatter3A_320, %scatter3A_321] : memref<3x512xi32, #tpu.memory_space<vmem>> -> memref<1x512xi32, #tpu.memory_space<vmem>>
    %scatter3A_323 = tpu.memref_squeeze %scatter3A_322 : memref<1x512xi32, #tpu.memory_space<vmem>> -> memref<512xi32, #tpu.memory_space<vmem>>
    tpu.vector_store_idx %scatter3A_323[%add3A_319], %get3A_309 : memref<512xi32, #tpu.memory_space<vmem>>[vector<16xi32>], vector<16xi32>,
    %get3A_324 = arith.constant 0 : i32
    %get3A_325 = arith.index_cast %get3A_324 : i32 to index
    %get3A_326 = arith.constant 240 : index
    %get3A_327 = tpu.vector_load %arg8[%get3A_325, %get3A_326] {strides = array<i32>} : memref<3x256xi32, #tpu.memory_space<vmem>>, vector<16xi32>,
    %add3A_328 = arith.constant 480 : i32
    %add3A_329 = vector.broadcast %add3A_328 : i32 to vector<16xi32>
    %add3A_330 = arith.addi %mul3A_38, %add3A_329 : vector<16xi32>
    %scatter3A_331 = arith.constant 0 : i32
    %scatter3A_332 = arith.constant 0 : i32
    %scatter3A_333 = tpu.memref_slice %arg9[%scatter3A_331, %scatter3A_332] : memref<3x512xi32, #tpu.memory_space<vmem>> -> memref<1x512xi32, #tpu.memory_space<vmem>>
    %scatter3A_334 = tpu.memref_squeeze %scatter3A_333 : memref<1x512xi32, #tpu.memory_space<vmem>> -> memref<512xi32, #tpu.memory_space<vmem>>
    tpu.vector_store_idx %scatter3A_334[%add3A_330], %get3A_327 : memref<512xi32, #tpu.memory_space<vmem>>[vector<16xi32>], vector<16xi32>,
    %add3A_335 = arith.constant 1 : i32
    %add3A_336 = vector.broadcast %add3A_335 : i32 to vector<16xi32>
    %add3A_337 = arith.addi %add3A_330, %add3A_336 : vector<16xi32>
    %scatter3A_338 = arith.constant 0 : i32
    %scatter3A_339 = arith.constant 0 : i32
    %scatter3A_340 = tpu.memref_slice %arg9[%scatter3A_338, %scatter3A_339] : memref<3x512xi32, #tpu.memory_space<vmem>> -> memref<1x512xi32, #tpu.memory_space<vmem>>
    %scatter3A_341 = tpu.memref_squeeze %scatter3A_340 : memref<1x512xi32, #tpu.memory_space<vmem>> -> memref<512xi32, #tpu.memory_space<vmem>>
    tpu.vector_store_idx %scatter3A_341[%add3A_337], %get3A_327 : memref<512xi32, #tpu.memory_space<vmem>>[vector<16xi32>], vector<16xi32>,
    %dma_start3A = arith.constant 0 : i32
    %dma_start3A_342 = arith.constant 0 : i32
    %dma_start3A_343 = arith.constant 0 : i32
    %dma_start3A_344 = arith.constant 0 : i32
    %dma_start3A_345 = arith.constant 0 : i32
    %dma_start3A_346 = tpu.memref_slice %arg10[%dma_start3A_342, %dma_start3A_344, %dma_start3A_345] : memref<3x512x64xf32, #tpu.memory_space<vmem>> -> memref<1x128x64xf32, #tpu.memory_space<vmem>>
    %dma_start3A_347 = tpu.memref_squeeze %dma_start3A_346 : memref<1x128x64xf32, #tpu.memory_space<vmem>> -> memref<128x64xf32, #tpu.memory_space<vmem>>
    %dma_start3A_348 = arith.constant 0 : i32
    %dma_start3A_349 = tpu.memref_slice %arg9[%dma_start3A, %dma_start3A_348] : memref<3x512xi32, #tpu.memory_space<vmem>> -> memref<1x128xi32, #tpu.memory_space<vmem>>
    %dma_start3A_350 = tpu.memref_squeeze %dma_start3A_349 : memref<1x128xi32, #tpu.memory_space<vmem>> -> memref<128xi32, #tpu.memory_space<vmem>>
    %dma_start3A_351 = arith.constant 0 : i32
    %dma_start3A_352 = arith.constant 0 : i32
    %dma_start3A_353 = tpu.memref_slice %arg3[%dma_start3A_351, %dma_start3A_352] : memref<100000x64xf32, #tpu.memory_space<hbm>> -> memref<100000x64xf32, #tpu.memory_space<hbm>>
    %dma_start3A_354 = tpu.memref_slice %arg13[%dma_start3A_343] : memref<3x!tpu.dma_semaphore, #tpu.memory_space<semaphore_mem>> -> memref<1x!tpu.dma_semaphore, #tpu.memory_space<semaphore_mem>>
    %dma_start3A_355 = tpu.memref_squeeze %dma_start3A_354 : memref<1x!tpu.dma_semaphore, #tpu.memory_space<semaphore_mem>> -> memref<!tpu.dma_semaphore, #tpu.memory_space<semaphore_mem>>
    tpu.enqueue_indirect_dma source(%dma_start3A_353 : memref<100000x64xf32, #tpu.memory_space<hbm>>) target(%dma_start3A_347 : memref<128x64xf32, #tpu.memory_space<vmem>>) offsets(%dma_start3A_350 : memref<128xi32, #tpu.memory_space<vmem>>) semaphore(%dma_start3A_355 : memref<!tpu.dma_semaphore, #tpu.memory_space<semaphore_mem>>)
    %dma_start3A_356 = arith.constant 0 : i32
    %dma_start3A_357 = arith.constant 0 : i32
    %dma_start3A_358 = arith.constant 0 : i32
    %dma_start3A_359 = arith.constant 128 : i32
    %dma_start3A_360 = arith.constant 0 : i32
    %dma_start3A_361 = tpu.memref_slice %arg10[%dma_start3A_357, %dma_start3A_359, %dma_start3A_360] : memref<3x512x64xf32, #tpu.memory_space<vmem>> -> memref<1x128x64xf32, #tpu.memory_space<vmem>>
    %dma_start3A_362 = tpu.memref_squeeze %dma_start3A_361 : memref<1x128x64xf32, #tpu.memory_space<vmem>> -> memref<128x64xf32, #tpu.memory_space<vmem>>
    %dma_start3A_363 = arith.constant 128 : i32
    %dma_start3A_364 = tpu.memref_slice %arg9[%dma_start3A_356, %dma_start3A_363] : memref<3x512xi32, #tpu.memory_space<vmem>> -> memref<1x128xi32, #tpu.memory_space<vmem>>
    %dma_start3A_365 = tpu.memref_squeeze %dma_start3A_364 : memref<1x128xi32, #tpu.memory_space<vmem>> -> memref<128xi32, #tpu.memory_space<vmem>>
    %dma_start3A_366 = arith.constant 0 : i32
    %dma_start3A_367 = arith.constant 0 : i32
    %dma_start3A_368 = tpu.memref_slice %arg3[%dma_start3A_366, %dma_start3A_367] : memref<100000x64xf32, #tpu.memory_space<hbm>> -> memref<100000x64xf32, #tpu.memory_space<hbm>>
    %dma_start3A_369 = tpu.memref_slice %arg13[%dma_start3A_358] : memref<3x!tpu.dma_semaphore, #tpu.memory_space<semaphore_mem>> -> memref<1x!tpu.dma_semaphore, #tpu.memory_space<semaphore_mem>>
    %dma_start3A_370 = tpu.memref_squeeze %dma_start3A_369 : memref<1x!tpu.dma_semaphore, #tpu.memory_space<semaphore_mem>> -> memref<!tpu.dma_semaphore, #tpu.memory_space<semaphore_mem>>
    tpu.enqueue_indirect_dma source(%dma_start3A_368 : memref<100000x64xf32, #tpu.memory_space<hbm>>) target(%dma_start3A_362 : memref<128x64xf32, #tpu.memory_space<vmem>>) offsets(%dma_start3A_365 : memref<128xi32, #tpu.memory_space<vmem>>) semaphore(%dma_start3A_370 : memref<!tpu.dma_semaphore, #tpu.memory_space<semaphore_mem>>)
    %dma_start3A_371 = arith.constant 0 : i32
    %dma_start3A_372 = arith.constant 0 : i32
    %dma_start3A_373 = arith.constant 0 : i32
    %dma_start3A_374 = arith.constant 256 : i32
    %dma_start3A_375 = arith.constant 0 : i32
    %dma_start3A_376 = tpu.memref_slice %arg10[%dma_start3A_372, %dma_start3A_374, %dma_start3A_375] : memref<3x512x64xf32, #tpu.memory_space<vmem>> -> memref<1x128x64xf32, #tpu.memory_space<vmem>>
    %dma_start3A_377 = tpu.memref_squeeze %dma_start3A_376 : memref<1x128x64xf32, #tpu.memory_space<vmem>> -> memref<128x64xf32, #tpu.memory_space<vmem>>
    %dma_start3A_378 = arith.constant 256 : i32
    %dma_start3A_379 = tpu.memref_slice %arg9[%dma_start3A_371, %dma_start3A_378] : memref<3x512xi32, #tpu.memory_space<vmem>> -> memref<1x128xi32, #tpu.memory_space<vmem>>
    %dma_start3A_380 = tpu.memref_squeeze %dma_start3A_379 : memref<1x128xi32, #tpu.memory_space<vmem>> -> memref<128xi32, #tpu.memory_space<vmem>>
    %dma_start3A_381 = arith.constant 0 : i32
    %dma_start3A_382 = arith.constant 0 : i32
    %dma_start3A_383 = tpu.memref_slice %arg3[%dma_start3A_381, %dma_start3A_382] : memref<100000x64xf32, #tpu.memory_space<hbm>> -> memref<100000x64xf32, #tpu.memory_space<hbm>>
    %dma_start3A_384 = tpu.memref_slice %arg13[%dma_start3A_373] : memref<3x!tpu.dma_semaphore, #tpu.memory_space<semaphore_mem>> -> memref<1x!tpu.dma_semaphore, #tpu.memory_space<semaphore_mem>>
    %dma_start3A_385 = tpu.memref_squeeze %dma_start3A_384 : memref<1x!tpu.dma_semaphore, #tpu.memory_space<semaphore_mem>> -> memref<!tpu.dma_semaphore, #tpu.memory_space<semaphore_mem>>
    tpu.enqueue_indirect_dma source(%dma_start3A_383 : memref<100000x64xf32, #tpu.memory_space<hbm>>) target(%dma_start3A_377 : memref<128x64xf32, #tpu.memory_space<vmem>>) offsets(%dma_start3A_380 : memref<128xi32, #tpu.memory_space<vmem>>) semaphore(%dma_start3A_385 : memref<!tpu.dma_semaphore, #tpu.memory_space<semaphore_mem>>)
    %dma_start3A_386 = arith.constant 0 : i32
    %dma_start3A_387 = arith.constant 0 : i32
    %dma_start3A_388 = arith.constant 0 : i32
    %dma_start3A_389 = arith.constant 384 : i32
    %dma_start3A_390 = arith.constant 0 : i32
    %dma_start3A_391 = tpu.memref_slice %arg10[%dma_start3A_387, %dma_start3A_389, %dma_start3A_390] : memref<3x512x64xf32, #tpu.memory_space<vmem>> -> memref<1x128x64xf32, #tpu.memory_space<vmem>>
    %dma_start3A_392 = tpu.memref_squeeze %dma_start3A_391 : memref<1x128x64xf32, #tpu.memory_space<vmem>> -> memref<128x64xf32, #tpu.memory_space<vmem>>
    %dma_start3A_393 = arith.constant 384 : i32
    %dma_start3A_394 = tpu.memref_slice %arg9[%dma_start3A_386, %dma_start3A_393] : memref<3x512xi32, #tpu.memory_space<vmem>> -> memref<1x128xi32, #tpu.memory_space<vmem>>
    %dma_start3A_395 = tpu.memref_squeeze %dma_start3A_394 : memref<1x128xi32, #tpu.memory_space<vmem>> -> memref<128xi32, #tpu.memory_space<vmem>>
    %dma_start3A_396 = arith.constant 0 : i32
    %dma_start3A_397 = arith.constant 0 : i32
    %dma_start3A_398 = tpu.memref_slice %arg3[%dma_start3A_396, %dma_start3A_397] : memref<100000x64xf32, #tpu.memory_space<hbm>> -> memref<100000x64xf32, #tpu.memory_space<hbm>>
    %dma_start3A_399 = tpu.memref_slice %arg13[%dma_start3A_388] : memref<3x!tpu.dma_semaphore, #tpu.memory_space<semaphore_mem>> -> memref<1x!tpu.dma_semaphore, #tpu.memory_space<semaphore_mem>>
    %dma_start3A_400 = tpu.memref_squeeze %dma_start3A_399 : memref<1x!tpu.dma_semaphore, #tpu.memory_space<semaphore_mem>> -> memref<!tpu.dma_semaphore, #tpu.memory_space<semaphore_mem>>
    tpu.enqueue_indirect_dma source(%dma_start3A_398 : memref<100000x64xf32, #tpu.memory_space<hbm>>) target(%dma_start3A_392 : memref<128x64xf32, #tpu.memory_space<vmem>>) offsets(%dma_start3A_395 : memref<128xi32, #tpu.memory_space<vmem>>) semaphore(%dma_start3A_400 : memref<!tpu.dma_semaphore, #tpu.memory_space<semaphore_mem>>)
    %scan3A = arith.constant 0 : i32
    %scan3A_401 = arith.constant 0 : i32
    %scan3A_402 = arith.constant 100 : i32
    %scan3A_403 = arith.addi %scan3A_401, %scan3A_402 : i32
    %scan3A_404 = arith.constant 1 : i32
    %scan3A_405 = scf.for %scan3A_498 = %scan3A_401 to %scan3A_403 step %scan3A_404 iter_args(%scan3A_499 = %scan3A) -> (i32)  : i32 {
      %rem3A_500 = arith.constant 3 : i32
      %rem3A_501 = arith.remsi %scan3A_498, %rem3A_500 : i32
      %dma_wait3A_502 = arith.constant 0 : i32
      %dma_wait3A_503 = arith.constant 0 : i32
      %dma_wait3A_504 = tpu.memref_slice %arg10[%rem3A_501, %dma_wait3A_502, %dma_wait3A_503] : memref<3x512x64xf32, #tpu.memory_space<vmem>> -> memref<1x128x64xf32, #tpu.memory_space<vmem>>
      %dma_wait3A_505 = tpu.memref_squeeze %dma_wait3A_504 : memref<1x128x64xf32, #tpu.memory_space<vmem>> -> memref<128x64xf32, #tpu.memory_space<vmem>>
      %dma_wait3A_506 = arith.constant 0 : i32
      %dma_wait3A_507 = tpu.memref_slice %arg9[%rem3A_501, %dma_wait3A_506] : memref<3x512xi32, #tpu.memory_space<vmem>> -> memref<1x128xi32, #tpu.memory_space<vmem>>
      %dma_wait3A_508 = tpu.memref_squeeze %dma_wait3A_507 : memref<1x128xi32, #tpu.memory_space<vmem>> -> memref<128xi32, #tpu.memory_space<vmem>>
      %dma_wait3A_509 = arith.constant 0 : i32
      %dma_wait3A_510 = arith.constant 0 : i32
      %dma_wait3A_511 = tpu.memref_slice %arg3[%dma_wait3A_509, %dma_wait3A_510] : memref<100000x64xf32, #tpu.memory_space<hbm>> -> memref<100000x64xf32, #tpu.memory_space<hbm>>
      %dma_wait3A_512 = tpu.memref_slice %arg13[%rem3A_501] : memref<3x!tpu.dma_semaphore, #tpu.memory_space<semaphore_mem>> -> memref<1x!tpu.dma_semaphore, #tpu.memory_space<semaphore_mem>>
      %dma_wait3A_513 = tpu.memref_squeeze %dma_wait3A_512 : memref<1x!tpu.dma_semaphore, #tpu.memory_space<semaphore_mem>> -> memref<!tpu.dma_semaphore, #tpu.memory_space<semaphore_mem>>
      tpu.wait_indirect_dma semaphore(%dma_wait3A_513 : memref<!tpu.dma_semaphore, #tpu.memory_space<semaphore_mem>>) src(%dma_wait3A_511 : memref<100000x64xf32, #tpu.memory_space<hbm>>) dst(%dma_wait3A_505 : memref<128x64xf32, #tpu.memory_space<vmem>>)
      %dma_wait3A_514 = arith.constant 128 : i32
      %dma_wait3A_515 = arith.constant 0 : i32
      %dma_wait3A_516 = tpu.memref_slice %arg10[%rem3A_501, %dma_wait3A_514, %dma_wait3A_515] : memref<3x512x64xf32, #tpu.memory_space<vmem>> -> memref<1x128x64xf32, #tpu.memory_space<vmem>>
      %dma_wait3A_517 = tpu.memref_squeeze %dma_wait3A_516 : memref<1x128x64xf32, #tpu.memory_space<vmem>> -> memref<128x64xf32, #tpu.memory_space<vmem>>
      %dma_wait3A_518 = arith.constant 128 : i32
      %dma_wait3A_519 = tpu.memref_slice %arg9[%rem3A_501, %dma_wait3A_518] : memref<3x512xi32, #tpu.memory_space<vmem>> -> memref<1x128xi32, #tpu.memory_space<vmem>>
      %dma_wait3A_520 = tpu.memref_squeeze %dma_wait3A_519 : memref<1x128xi32, #tpu.memory_space<vmem>> -> memref<128xi32, #tpu.memory_space<vmem>>
      %dma_wait3A_521 = arith.constant 0 : i32
      %dma_wait3A_522 = arith.constant 0 : i32
      %dma_wait3A_523 = tpu.memref_slice %arg3[%dma_wait3A_521, %dma_wait3A_522] : memref<100000x64xf32, #tpu.memory_space<hbm>> -> memref<100000x64xf32, #tpu.memory_space<hbm>>
      %dma_wait3A_524 = tpu.memref_slice %arg13[%rem3A_501] : memref<3x!tpu.dma_semaphore, #tpu.memory_space<semaphore_mem>> -> memref<1x!tpu.dma_semaphore, #tpu.memory_space<semaphore_mem>>
      %dma_wait3A_525 = tpu.memref_squeeze %dma_wait3A_524 : memref<1x!tpu.dma_semaphore, #tpu.memory_space<semaphore_mem>> -> memref<!tpu.dma_semaphore, #tpu.memory_space<semaphore_mem>>
      tpu.wait_indirect_dma semaphore(%dma_wait3A_525 : memref<!tpu.dma_semaphore, #tpu.memory_space<semaphore_mem>>) src(%dma_wait3A_523 : memref<100000x64xf32, #tpu.memory_space<hbm>>) dst(%dma_wait3A_517 : memref<128x64xf32, #tpu.memory_space<vmem>>)
      %dma_wait3A_526 = arith.constant 256 : i32
      %dma_wait3A_527 = arith.constant 0 : i32
      %dma_wait3A_528 = tpu.memref_slice %arg10[%rem3A_501, %dma_wait3A_526, %dma_wait3A_527] : memref<3x512x64xf32, #tpu.memory_space<vmem>> -> memref<1x128x64xf32, #tpu.memory_space<vmem>>
      %dma_wait3A_529 = tpu.memref_squeeze %dma_wait3A_528 : memref<1x128x64xf32, #tpu.memory_space<vmem>> -> memref<128x64xf32, #tpu.memory_space<vmem>>
      %dma_wait3A_530 = arith.constant 256 : i32
      %dma_wait3A_531 = tpu.memref_slice %arg9[%rem3A_501, %dma_wait3A_530] : memref<3x512xi32, #tpu.memory_space<vmem>> -> memref<1x128xi32, #tpu.memory_space<vmem>>
      %dma_wait3A_532 = tpu.memref_squeeze %dma_wait3A_531 : memref<1x128xi32, #tpu.memory_space<vmem>> -> memref<128xi32, #tpu.memory_space<vmem>>
      %dma_wait3A_533 = arith.constant 0 : i32
      %dma_wait3A_534 = arith.constant 0 : i32
      %dma_wait3A_535 = tpu.memref_slice %arg3[%dma_wait3A_533, %dma_wait3A_534] : memref<100000x64xf32, #tpu.memory_space<hbm>> -> memref<100000x64xf32, #tpu.memory_space<hbm>>
      %dma_wait3A_536 = tpu.memref_slice %arg13[%rem3A_501] : memref<3x!tpu.dma_semaphore, #tpu.memory_space<semaphore_mem>> -> memref<1x!tpu.dma_semaphore, #tpu.memory_space<semaphore_mem>>
      %dma_wait3A_537 = tpu.memref_squeeze %dma_wait3A_536 : memref<1x!tpu.dma_semaphore, #tpu.memory_space<semaphore_mem>> -> memref<!tpu.dma_semaphore, #tpu.memory_space<semaphore_mem>>
      tpu.wait_indirect_dma semaphore(%dma_wait3A_537 : memref<!tpu.dma_semaphore, #tpu.memory_space<semaphore_mem>>) src(%dma_wait3A_535 : memref<100000x64xf32, #tpu.memory_space<hbm>>) dst(%dma_wait3A_529 : memref<128x64xf32, #tpu.memory_space<vmem>>)
      %dma_wait3A_538 = arith.constant 384 : i32
      %dma_wait3A_539 = arith.constant 0 : i32
      %dma_wait3A_540 = tpu.memref_slice %arg10[%rem3A_501, %dma_wait3A_538, %dma_wait3A_539] : memref<3x512x64xf32, #tpu.memory_space<vmem>> -> memref<1x128x64xf32, #tpu.memory_space<vmem>>
      %dma_wait3A_541 = tpu.memref_squeeze %dma_wait3A_540 : memref<1x128x64xf32, #tpu.memory_space<vmem>> -> memref<128x64xf32, #tpu.memory_space<vmem>>
      %dma_wait3A_542 = arith.constant 384 : i32
      %dma_wait3A_543 = tpu.memref_slice %arg9[%rem3A_501, %dma_wait3A_542] : memref<3x512xi32, #tpu.memory_space<vmem>> -> memref<1x128xi32, #tpu.memory_space<vmem>>
      %dma_wait3A_544 = tpu.memref_squeeze %dma_wait3A_543 : memref<1x128xi32, #tpu.memory_space<vmem>> -> memref<128xi32, #tpu.memory_space<vmem>>
      %dma_wait3A_545 = arith.constant 0 : i32
      %dma_wait3A_546 = arith.constant 0 : i32
      %dma_wait3A_547 = tpu.memref_slice %arg3[%dma_wait3A_545, %dma_wait3A_546] : memref<100000x64xf32, #tpu.memory_space<hbm>> -> memref<100000x64xf32, #tpu.memory_space<hbm>>
      %dma_wait3A_548 = tpu.memref_slice %arg13[%rem3A_501] : memref<3x!tpu.dma_semaphore, #tpu.memory_space<semaphore_mem>> -> memref<1x!tpu.dma_semaphore, #tpu.memory_space<semaphore_mem>>
      %dma_wait3A_549 = tpu.memref_squeeze %dma_wait3A_548 : memref<1x!tpu.dma_semaphore, #tpu.memory_space<semaphore_mem>> -> memref<!tpu.dma_semaphore, #tpu.memory_space<semaphore_mem>>
      tpu.wait_indirect_dma semaphore(%dma_wait3A_549 : memref<!tpu.dma_semaphore, #tpu.memory_space<semaphore_mem>>) src(%dma_wait3A_547 : memref<100000x64xf32, #tpu.memory_space<hbm>>) dst(%dma_wait3A_541 : memref<128x64xf32, #tpu.memory_space<vmem>>)
      %add3A_550 = arith.constant 1 : i32
      %add3A_551 = arith.addi %scan3A_498, %add3A_550 : i32
      %lt3A = arith.constant 100 : i32
      %lt3A_552 = arith.cmpi slt, %add3A_551, %lt3A : i32
      %convert_element_type3A = arith.extui %lt3A_552 : i1 to i32
      %cond3A = arith.constant 0 : i32
      %cond3A_553 = arith.cmpi ne, %convert_element_type3A, %cond3A : i32
      scf.if %cond3A_553 {
        %add3A_749 = arith.constant 1 : i32
        %add3A_750 = arith.addi %scan3A_498, %add3A_749 : i32
        %rem3A_751 = arith.constant 3 : i32
        %rem3A_752 = arith.remsi %add3A_750, %rem3A_751 : i32
        %ge3A = arith.constant 2 : i32
        %ge3A_753 = arith.cmpi sge, %scan3A_498, %ge3A : i32
        %convert_element_type3A_754 = arith.extui %ge3A_753 : i1 to i32
        %cond3A_755 = arith.constant 0 : i32
        %cond3A_756 = arith.cmpi ne, %convert_element_type3A_754, %cond3A_755 : i32
        scf.if %cond3A_756 {
          %dma_wait3A_1052 = arith.constant 0 : i32
          %dma_wait3A_1053 = arith.constant 0 : i32
          %dma_wait3A_1054 = tpu.memref_slice %arg10[%rem3A_752, %dma_wait3A_1052, %dma_wait3A_1053] : memref<3x512x64xf32, #tpu.memory_space<vmem>> -> memref<1x512x64xf32, #tpu.memory_space<vmem>>
          %dma_wait3A_1055 = tpu.memref_squeeze %dma_wait3A_1054 : memref<1x512x64xf32, #tpu.memory_space<vmem>> -> memref<512x64xf32, #tpu.memory_space<vmem>>
          %dma_wait3A_1056 = arith.constant 0 : i32
          %dma_wait3A_1057 = arith.constant 0 : i32
          %dma_wait3A_1058 = tpu.memref_slice %arg6[%dma_wait3A_1056, %dma_wait3A_1057] : memref<1638400x64xf32, #tpu.memory_space<hbm>> -> memref<512x64xf32, #tpu.memory_space<hbm>>
          %dma_wait3A_1059 = tpu.memref_slice %arg14[%rem3A_752] : memref<3x!tpu.dma_semaphore, #tpu.memory_space<semaphore_mem>> -> memref<1x!tpu.dma_semaphore, #tpu.memory_space<semaphore_mem>>
          %dma_wait3A_1060 = tpu.memref_squeeze %dma_wait3A_1059 : memref<1x!tpu.dma_semaphore, #tpu.memory_space<semaphore_mem>> -> memref<!tpu.dma_semaphore, #tpu.memory_space<semaphore_mem>>
          %dma_wait3A_1061 = arith.constant 0 : i32
          %dma_wait3A_1062 = arith.constant 0 : i32
          %dma_wait3A_1063 = tpu.memref_slice %arg6[%dma_wait3A_1061, %dma_wait3A_1062] : memref<1638400x64xf32, #tpu.memory_space<hbm>> -> memref<512x64xf32, #tpu.memory_space<hbm>>
          %dma_wait3A_1064 = arith.constant 0 : i32
          %dma_wait3A_1065 = arith.constant 0 : i32
          %dma_wait3A_1066 = tpu.memref_slice %arg10[%rem3A_752, %dma_wait3A_1064, %dma_wait3A_1065] : memref<3x512x64xf32, #tpu.memory_space<vmem>> -> memref<1x512x64xf32, #tpu.memory_space<vmem>>
          %dma_wait3A_1067 = tpu.memref_squeeze %dma_wait3A_1066 : memref<1x512x64xf32, #tpu.memory_space<vmem>> -> memref<512x64xf32, #tpu.memory_space<vmem>>
          tpu.wait_dma2 semaphore(%dma_wait3A_1060 : memref<!tpu.dma_semaphore, #tpu.memory_space<semaphore_mem>>) src(%dma_wait3A_1067 : memref<512x64xf32, #tpu.memory_space<vmem>>) dst(%dma_wait3A_1063 : memref<512x64xf32, #tpu.memory_space<hbm>>)
          %dma_wait3A_1068 = arith.constant 0 : i32
          %dma_wait3A_1069 = tpu.memref_slice %arg11[%rem3A_752, %dma_wait3A_1068] : memref<3x256xi32, #tpu.memory_space<vmem>> -> memref<1x256xi32, #tpu.memory_space<vmem>>
          %dma_wait3A_1070 = tpu.memref_squeeze %dma_wait3A_1069 : memref<1x256xi32, #tpu.memory_space<vmem>> -> memref<256xi32, #tpu.memory_space<vmem>>
          %dma_wait3A_1071 = arith.constant 0 : i32
          %dma_wait3A_1072 = tpu.memref_slice %arg7[%dma_wait3A_1071] : memref<819200xi32, #tpu.memory_space<hbm>> -> memref<256xi32, #tpu.memory_space<hbm>>
          %dma_wait3A_1073 = tpu.memref_slice %arg14[%rem3A_752] : memref<3x!tpu.dma_semaphore, #tpu.memory_space<semaphore_mem>> -> memref<1x!tpu.dma_semaphore, #tpu.memory_space<semaphore_mem>>
          %dma_wait3A_1074 = tpu.memref_squeeze %dma_wait3A_1073 : memref<1x!tpu.dma_semaphore, #tpu.memory_space<semaphore_mem>> -> memref<!tpu.dma_semaphore, #tpu.memory_space<semaphore_mem>>
          %dma_wait3A_1075 = arith.constant 0 : i32
          %dma_wait3A_1076 = tpu.memref_slice %arg7[%dma_wait3A_1075] : memref<819200xi32, #tpu.memory_space<hbm>> -> memref<256xi32, #tpu.memory_space<hbm>>
          %dma_wait3A_1077 = arith.constant 0 : i32
          %dma_wait3A_1078 = tpu.memref_slice %arg11[%rem3A_752, %dma_wait3A_1077] : memref<3x256xi32, #tpu.memory_space<vmem>> -> memref<1x256xi32, #tpu.memory_space<vmem>>
          %dma_wait3A_1079 = tpu.memref_squeeze %dma_wait3A_1078 : memref<1x256xi32, #tpu.memory_space<vmem>> -> memref<256xi32, #tpu.memory_space<vmem>>
          tpu.wait_dma2 semaphore(%dma_wait3A_1074 : memref<!tpu.dma_semaphore, #tpu.memory_space<semaphore_mem>>) src(%dma_wait3A_1079 : memref<256xi32, #tpu.memory_space<vmem>>) dst(%dma_wait3A_1076 : memref<256xi32, #tpu.memory_space<hbm>>)
        } else {
        }
        %add3A_757 = arith.constant 1 : i32
        %add3A_758 = arith.addi %scan3A_498, %add3A_757 : i32
        %mul3A_759 = arith.constant 25600 : i32
        %mul3A_760 = arith.muli %add3A, %mul3A_759 : i32
        %mul3A_761 = arith.constant 256 : i32
        %mul3A_762 = arith.muli %add3A_758, %mul3A_761 : i32
        %add3A_763 = arith.addi %mul3A_760, %mul3A_762 : i32
        "tpu.region"() ({
          %run_scoped3A_1052 = tpu.sem_alloc : memref<!tpu.dma_semaphore, #tpu.memory_space<semaphore_mem>>
          %dma_start3A_1053 = arith.constant 0 : i32
          %dma_start3A_1054 = tpu.memref_slice %arg8[%rem3A_752, %dma_start3A_1053] : memref<3x256xi32, #tpu.memory_space<vmem>> -> memref<1x256xi32, #tpu.memory_space<vmem>>
          %dma_start3A_1055 = tpu.memref_squeeze %dma_start3A_1054 : memref<1x256xi32, #tpu.memory_space<vmem>> -> memref<256xi32, #tpu.memory_space<vmem>>
          %dma_start3A_1056 = tpu.memref_slice %arg2[%add3A_763] : memref<819200xi32, #tpu.memory_space<hbm>> -> memref<256xi32, #tpu.memory_space<hbm>>
          %dma_start3A_1057 = arith.constant 0 : i32
          %dma_start3A_1058 = tpu.memref_slice %arg8[%rem3A_752, %dma_start3A_1057] : memref<3x256xi32, #tpu.memory_space<vmem>> -> memref<1x256xi32, #tpu.memory_space<vmem>>
          %dma_start3A_1059 = tpu.memref_squeeze %dma_start3A_1058 : memref<1x256xi32, #tpu.memory_space<vmem>> -> memref<256xi32, #tpu.memory_space<vmem>>
          %dma_start3A_1060 = tpu.memref_slice %arg2[%add3A_763] : memref<819200xi32, #tpu.memory_space<hbm>> -> memref<256xi32, #tpu.memory_space<hbm>>
          tpu.enqueue_dma source(%dma_start3A_1060 : memref<256xi32, #tpu.memory_space<hbm>>) target(%dma_start3A_1059 : memref<256xi32, #tpu.memory_space<vmem>>) target_semaphore(%run_scoped3A_1052 : memref<!tpu.dma_semaphore, #tpu.memory_space<semaphore_mem>>)
          %dma_wait3A_1061 = arith.constant 0 : i32
          %dma_wait3A_1062 = tpu.memref_slice %arg8[%rem3A_752, %dma_wait3A_1061] : memref<3x256xi32, #tpu.memory_space<vmem>> -> memref<1x256xi32, #tpu.memory_space<vmem>>
          %dma_wait3A_1063 = tpu.memref_squeeze %dma_wait3A_1062 : memref<1x256xi32, #tpu.memory_space<vmem>> -> memref<256xi32, #tpu.memory_space<vmem>>
          %dma_wait3A_1064 = tpu.memref_slice %arg2[%add3A_763] : memref<819200xi32, #tpu.memory_space<hbm>> -> memref<256xi32, #tpu.memory_space<hbm>>
          %dma_wait3A_1065 = arith.constant 0 : i32
          %dma_wait3A_1066 = tpu.memref_slice %arg8[%rem3A_752, %dma_wait3A_1065] : memref<3x256xi32, #tpu.memory_space<vmem>> -> memref<1x256xi32, #tpu.memory_space<vmem>>
          %dma_wait3A_1067 = tpu.memref_squeeze %dma_wait3A_1066 : memref<1x256xi32, #tpu.memory_space<vmem>> -> memref<256xi32, #tpu.memory_space<vmem>>
          %dma_wait3A_1068 = tpu.memref_slice %arg2[%add3A_763] : memref<819200xi32, #tpu.memory_space<hbm>> -> memref<256xi32, #tpu.memory_space<hbm>>
          tpu.wait_dma2 semaphore(%run_scoped3A_1052 : memref<!tpu.dma_semaphore, #tpu.memory_space<semaphore_mem>>) src(%dma_wait3A_1068 : memref<256xi32, #tpu.memory_space<hbm>>) dst(%dma_wait3A_1067 : memref<256xi32, #tpu.memory_space<vmem>>)
          tpu.yield
        }) : () -> ()
        %get3A_764 = arith.index_cast %rem3A_752 : i32 to index
        %get3A_765 = arith.constant 0 : index
        %get3A_766 = tpu.vector_load %arg8[%get3A_764, %get3A_765] {strides = array<i32>} : memref<3x256xi32, #tpu.memory_space<vmem>>, vector<16xi32>,
        %add3A_767 = arith.constant 0 : i32
        %add3A_768 = vector.broadcast %add3A_767 : i32 to vector<16xi32>
        %add3A_769 = arith.addi %mul3A_38, %add3A_768 : vector<16xi32>
        %scatter3A_770 = arith.constant 0 : i32
        %scatter3A_771 = tpu.memref_slice %arg9[%rem3A_752, %scatter3A_770] : memref<3x512xi32, #tpu.memory_space<vmem>> -> memref<1x512xi32, #tpu.memory_space<vmem>>
        %scatter3A_772 = tpu.memref_squeeze %scatter3A_771 : memref<1x512xi32, #tpu.memory_space<vmem>> -> memref<512xi32, #tpu.memory_space<vmem>>
        tpu.vector_store_idx %scatter3A_772[%add3A_769], %get3A_766 : memref<512xi32, #tpu.memory_space<vmem>>[vector<16xi32>], vector<16xi32>,
        %add3A_773 = arith.constant 1 : i32
        %add3A_774 = vector.broadcast %add3A_773 : i32 to vector<16xi32>
        %add3A_775 = arith.addi %add3A_769, %add3A_774 : vector<16xi32>
        %scatter3A_776 = arith.constant 0 : i32
        %scatter3A_777 = tpu.memref_slice %arg9[%rem3A_752, %scatter3A_776] : memref<3x512xi32, #tpu.memory_space<vmem>> -> memref<1x512xi32, #tpu.memory_space<vmem>>
        %scatter3A_778 = tpu.memref_squeeze %scatter3A_777 : memref<1x512xi32, #tpu.memory_space<vmem>> -> memref<512xi32, #tpu.memory_space<vmem>>
        tpu.vector_store_idx %scatter3A_778[%add3A_775], %get3A_766 : memref<512xi32, #tpu.memory_space<vmem>>[vector<16xi32>], vector<16xi32>,
        %get3A_779 = arith.index_cast %rem3A_752 : i32 to index
        %get3A_780 = arith.constant 16 : index
        %get3A_781 = tpu.vector_load %arg8[%get3A_779, %get3A_780] {strides = array<i32>} : memref<3x256xi32, #tpu.memory_space<vmem>>, vector<16xi32>,
        %add3A_782 = arith.constant 32 : i32
        %add3A_783 = vector.broadcast %add3A_782 : i32 to vector<16xi32>
        %add3A_784 = arith.addi %mul3A_38, %add3A_783 : vector<16xi32>
        %scatter3A_785 = arith.constant 0 : i32
        %scatter3A_786 = tpu.memref_slice %arg9[%rem3A_752, %scatter3A_785] : memref<3x512xi32, #tpu.memory_space<vmem>> -> memref<1x512xi32, #tpu.memory_space<vmem>>
        %scatter3A_787 = tpu.memref_squeeze %scatter3A_786 : memref<1x512xi32, #tpu.memory_space<vmem>> -> memref<512xi32, #tpu.memory_space<vmem>>
        tpu.vector_store_idx %scatter3A_787[%add3A_784], %get3A_781 : memref<512xi32, #tpu.memory_space<vmem>>[vector<16xi32>], vector<16xi32>,
        %add3A_788 = arith.constant 1 : i32
        %add3A_789 = vector.broadcast %add3A_788 : i32 to vector<16xi32>
        %add3A_790 = arith.addi %add3A_784, %add3A_789 : vector<16xi32>
        %scatter3A_791 = arith.constant 0 : i32
        %scatter3A_792 = tpu.memref_slice %arg9[%rem3A_752, %scatter3A_791] : memref<3x512xi32, #tpu.memory_space<vmem>> -> memref<1x512xi32, #tpu.memory_space<vmem>>
        %scatter3A_793 = tpu.memref_squeeze %scatter3A_792 : memref<1x512xi32, #tpu.memory_space<vmem>> -> memref<512xi32, #tpu.memory_space<vmem>>
        tpu.vector_store_idx %scatter3A_793[%add3A_790], %get3A_781 : memref<512xi32, #tpu.memory_space<vmem>>[vector<16xi32>], vector<16xi32>,
        %get3A_794 = arith.index_cast %rem3A_752 : i32 to index
        %get3A_795 = arith.constant 32 : index
        %get3A_796 = tpu.vector_load %arg8[%get3A_794, %get3A_795] {strides = array<i32>} : memref<3x256xi32, #tpu.memory_space<vmem>>, vector<16xi32>,
        %add3A_797 = arith.constant 64 : i32
        %add3A_798 = vector.broadcast %add3A_797 : i32 to vector<16xi32>
        %add3A_799 = arith.addi %mul3A_38, %add3A_798 : vector<16xi32>
        %scatter3A_800 = arith.constant 0 : i32
        %scatter3A_801 = tpu.memref_slice %arg9[%rem3A_752, %scatter3A_800] : memref<3x512xi32, #tpu.memory_space<vmem>> -> memref<1x512xi32, #tpu.memory_space<vmem>>
        %scatter3A_802 = tpu.memref_squeeze %scatter3A_801 : memref<1x512xi32, #tpu.memory_space<vmem>> -> memref<512xi32, #tpu.memory_space<vmem>>
        tpu.vector_store_idx %scatter3A_802[%add3A_799], %get3A_796 : memref<512xi32, #tpu.memory_space<vmem>>[vector<16xi32>], vector<16xi32>,
        %add3A_803 = arith.constant 1 : i32
        %add3A_804 = vector.broadcast %add3A_803 : i32 to vector<16xi32>
        %add3A_805 = arith.addi %add3A_799, %add3A_804 : vector<16xi32>
        %scatter3A_806 = arith.constant 0 : i32
        %scatter3A_807 = tpu.memref_slice %arg9[%rem3A_752, %scatter3A_806] : memref<3x512xi32, #tpu.memory_space<vmem>> -> memref<1x512xi32, #tpu.memory_space<vmem>>
        %scatter3A_808 = tpu.memref_squeeze %scatter3A_807 : memref<1x512xi32, #tpu.memory_space<vmem>> -> memref<512xi32, #tpu.memory_space<vmem>>
        tpu.vector_store_idx %scatter3A_808[%add3A_805], %get3A_796 : memref<512xi32, #tpu.memory_space<vmem>>[vector<16xi32>], vector<16xi32>,
        %get3A_809 = arith.index_cast %rem3A_752 : i32 to index
        %get3A_810 = arith.constant 48 : index
        %get3A_811 = tpu.vector_load %arg8[%get3A_809, %get3A_810] {strides = array<i32>} : memref<3x256xi32, #tpu.memory_space<vmem>>, vector<16xi32>,
        %add3A_812 = arith.constant 96 : i32
        %add3A_813 = vector.broadcast %add3A_812 : i32 to vector<16xi32>
        %add3A_814 = arith.addi %mul3A_38, %add3A_813 : vector<16xi32>
        %scatter3A_815 = arith.constant 0 : i32
        %scatter3A_816 = tpu.memref_slice %arg9[%rem3A_752, %scatter3A_815] : memref<3x512xi32, #tpu.memory_space<vmem>> -> memref<1x512xi32, #tpu.memory_space<vmem>>
        %scatter3A_817 = tpu.memref_squeeze %scatter3A_816 : memref<1x512xi32, #tpu.memory_space<vmem>> -> memref<512xi32, #tpu.memory_space<vmem>>
        tpu.vector_store_idx %scatter3A_817[%add3A_814], %get3A_811 : memref<512xi32, #tpu.memory_space<vmem>>[vector<16xi32>], vector<16xi32>,
        %add3A_818 = arith.constant 1 : i32
        %add3A_819 = vector.broadcast %add3A_818 : i32 to vector<16xi32>
        %add3A_820 = arith.addi %add3A_814, %add3A_819 : vector<16xi32>
        %scatter3A_821 = arith.constant 0 : i32
        %scatter3A_822 = tpu.memref_slice %arg9[%rem3A_752, %scatter3A_821] : memref<3x512xi32, #tpu.memory_space<vmem>> -> memref<1x512xi32, #tpu.memory_space<vmem>>
        %scatter3A_823 = tpu.memref_squeeze %scatter3A_822 : memref<1x512xi32, #tpu.memory_space<vmem>> -> memref<512xi32, #tpu.memory_space<vmem>>
        tpu.vector_store_idx %scatter3A_823[%add3A_820], %get3A_811 : memref<512xi32, #tpu.memory_space<vmem>>[vector<16xi32>], vector<16xi32>,
        %get3A_824 = arith.index_cast %rem3A_752 : i32 to index
        %get3A_825 = arith.constant 64 : index
        %get3A_826 = tpu.vector_load %arg8[%get3A_824, %get3A_825] {strides = array<i32>} : memref<3x256xi32, #tpu.memory_space<vmem>>, vector<16xi32>,
        %add3A_827 = arith.constant 128 : i32
        %add3A_828 = vector.broadcast %add3A_827 : i32 to vector<16xi32>
        %add3A_829 = arith.addi %mul3A_38, %add3A_828 : vector<16xi32>
        %scatter3A_830 = arith.constant 0 : i32
        %scatter3A_831 = tpu.memref_slice %arg9[%rem3A_752, %scatter3A_830] : memref<3x512xi32, #tpu.memory_space<vmem>> -> memref<1x512xi32, #tpu.memory_space<vmem>>
        %scatter3A_832 = tpu.memref_squeeze %scatter3A_831 : memref<1x512xi32, #tpu.memory_space<vmem>> -> memref<512xi32, #tpu.memory_space<vmem>>
        tpu.vector_store_idx %scatter3A_832[%add3A_829], %get3A_826 : memref<512xi32, #tpu.memory_space<vmem>>[vector<16xi32>], vector<16xi32>,
        %add3A_833 = arith.constant 1 : i32
        %add3A_834 = vector.broadcast %add3A_833 : i32 to vector<16xi32>
        %add3A_835 = arith.addi %add3A_829, %add3A_834 : vector<16xi32>
        %scatter3A_836 = arith.constant 0 : i32
        %scatter3A_837 = tpu.memref_slice %arg9[%rem3A_752, %scatter3A_836] : memref<3x512xi32, #tpu.memory_space<vmem>> -> memref<1x512xi32, #tpu.memory_space<vmem>>
        %scatter3A_838 = tpu.memref_squeeze %scatter3A_837 : memref<1x512xi32, #tpu.memory_space<vmem>> -> memref<512xi32, #tpu.memory_space<vmem>>
        tpu.vector_store_idx %scatter3A_838[%add3A_835], %get3A_826 : memref<512xi32, #tpu.memory_space<vmem>>[vector<16xi32>], vector<16xi32>,
        %get3A_839 = arith.index_cast %rem3A_752 : i32 to index
        %get3A_840 = arith.constant 80 : index
        %get3A_841 = tpu.vector_load %arg8[%get3A_839, %get3A_840] {strides = array<i32>} : memref<3x256xi32, #tpu.memory_space<vmem>>, vector<16xi32>,
        %add3A_842 = arith.constant 160 : i32
        %add3A_843 = vector.broadcast %add3A_842 : i32 to vector<16xi32>
        %add3A_844 = arith.addi %mul3A_38, %add3A_843 : vector<16xi32>
        %scatter3A_845 = arith.constant 0 : i32
        %scatter3A_846 = tpu.memref_slice %arg9[%rem3A_752, %scatter3A_845] : memref<3x512xi32, #tpu.memory_space<vmem>> -> memref<1x512xi32, #tpu.memory_space<vmem>>
        %scatter3A_847 = tpu.memref_squeeze %scatter3A_846 : memref<1x512xi32, #tpu.memory_space<vmem>> -> memref<512xi32, #tpu.memory_space<vmem>>
        tpu.vector_store_idx %scatter3A_847[%add3A_844], %get3A_841 : memref<512xi32, #tpu.memory_space<vmem>>[vector<16xi32>], vector<16xi32>,
        %add3A_848 = arith.constant 1 : i32
        %add3A_849 = vector.broadcast %add3A_848 : i32 to vector<16xi32>
        %add3A_850 = arith.addi %add3A_844, %add3A_849 : vector<16xi32>
        %scatter3A_851 = arith.constant 0 : i32
        %scatter3A_852 = tpu.memref_slice %arg9[%rem3A_752, %scatter3A_851] : memref<3x512xi32, #tpu.memory_space<vmem>> -> memref<1x512xi32, #tpu.memory_space<vmem>>
        %scatter3A_853 = tpu.memref_squeeze %scatter3A_852 : memref<1x512xi32, #tpu.memory_space<vmem>> -> memref<512xi32, #tpu.memory_space<vmem>>
        tpu.vector_store_idx %scatter3A_853[%add3A_850], %get3A_841 : memref<512xi32, #tpu.memory_space<vmem>>[vector<16xi32>], vector<16xi32>,
        %get3A_854 = arith.index_cast %rem3A_752 : i32 to index
        %get3A_855 = arith.constant 96 : index
        %get3A_856 = tpu.vector_load %arg8[%get3A_854, %get3A_855] {strides = array<i32>} : memref<3x256xi32, #tpu.memory_space<vmem>>, vector<16xi32>,
        %add3A_857 = arith.constant 192 : i32
        %add3A_858 = vector.broadcast %add3A_857 : i32 to vector<16xi32>
        %add3A_859 = arith.addi %mul3A_38, %add3A_858 : vector<16xi32>
        %scatter3A_860 = arith.constant 0 : i32
        %scatter3A_861 = tpu.memref_slice %arg9[%rem3A_752, %scatter3A_860] : memref<3x512xi32, #tpu.memory_space<vmem>> -> memref<1x512xi32, #tpu.memory_space<vmem>>
        %scatter3A_862 = tpu.memref_squeeze %scatter3A_861 : memref<1x512xi32, #tpu.memory_space<vmem>> -> memref<512xi32, #tpu.memory_space<vmem>>
        tpu.vector_store_idx %scatter3A_862[%add3A_859], %get3A_856 : memref<512xi32, #tpu.memory_space<vmem>>[vector<16xi32>], vector<16xi32>,
        %add3A_863 = arith.constant 1 : i32
        %add3A_864 = vector.broadcast %add3A_863 : i32 to vector<16xi32>
        %add3A_865 = arith.addi %add3A_859, %add3A_864 : vector<16xi32>
        %scatter3A_866 = arith.constant 0 : i32
        %scatter3A_867 = tpu.memref_slice %arg9[%rem3A_752, %scatter3A_866] : memref<3x512xi32, #tpu.memory_space<vmem>> -> memref<1x512xi32, #tpu.memory_space<vmem>>
        %scatter3A_868 = tpu.memref_squeeze %scatter3A_867 : memref<1x512xi32, #tpu.memory_space<vmem>> -> memref<512xi32, #tpu.memory_space<vmem>>
        tpu.vector_store_idx %scatter3A_868[%add3A_865], %get3A_856 : memref<512xi32, #tpu.memory_space<vmem>>[vector<16xi32>], vector<16xi32>,
        %get3A_869 = arith.index_cast %rem3A_752 : i32 to index
        %get3A_870 = arith.constant 112 : index
        %get3A_871 = tpu.vector_load %arg8[%get3A_869, %get3A_870] {strides = array<i32>} : memref<3x256xi32, #tpu.memory_space<vmem>>, vector<16xi32>,
        %add3A_872 = arith.constant 224 : i32
        %add3A_873 = vector.broadcast %add3A_872 : i32 to vector<16xi32>
        %add3A_874 = arith.addi %mul3A_38, %add3A_873 : vector<16xi32>
        %scatter3A_875 = arith.constant 0 : i32
        %scatter3A_876 = tpu.memref_slice %arg9[%rem3A_752, %scatter3A_875] : memref<3x512xi32, #tpu.memory_space<vmem>> -> memref<1x512xi32, #tpu.memory_space<vmem>>
        %scatter3A_877 = tpu.memref_squeeze %scatter3A_876 : memref<1x512xi32, #tpu.memory_space<vmem>> -> memref<512xi32, #tpu.memory_space<vmem>>
        tpu.vector_store_idx %scatter3A_877[%add3A_874], %get3A_871 : memref<512xi32, #tpu.memory_space<vmem>>[vector<16xi32>], vector<16xi32>,
        %add3A_878 = arith.constant 1 : i32
        %add3A_879 = vector.broadcast %add3A_878 : i32 to vector<16xi32>
        %add3A_880 = arith.addi %add3A_874, %add3A_879 : vector<16xi32>
        %scatter3A_881 = arith.constant 0 : i32
        %scatter3A_882 = tpu.memref_slice %arg9[%rem3A_752, %scatter3A_881] : memref<3x512xi32, #tpu.memory_space<vmem>> -> memref<1x512xi32, #tpu.memory_space<vmem>>
        %scatter3A_883 = tpu.memref_squeeze %scatter3A_882 : memref<1x512xi32, #tpu.memory_space<vmem>> -> memref<512xi32, #tpu.memory_space<vmem>>
        tpu.vector_store_idx %scatter3A_883[%add3A_880], %get3A_871 : memref<512xi32, #tpu.memory_space<vmem>>[vector<16xi32>], vector<16xi32>,
        %get3A_884 = arith.index_cast %rem3A_752 : i32 to index
        %get3A_885 = arith.constant 128 : index
        %get3A_886 = tpu.vector_load %arg8[%get3A_884, %get3A_885] {strides = array<i32>} : memref<3x256xi32, #tpu.memory_space<vmem>>, vector<16xi32>,
        %add3A_887 = arith.constant 256 : i32
        %add3A_888 = vector.broadcast %add3A_887 : i32 to vector<16xi32>
        %add3A_889 = arith.addi %mul3A_38, %add3A_888 : vector<16xi32>
        %scatter3A_890 = arith.constant 0 : i32
        %scatter3A_891 = tpu.memref_slice %arg9[%rem3A_752, %scatter3A_890] : memref<3x512xi32, #tpu.memory_space<vmem>> -> memref<1x512xi32, #tpu.memory_space<vmem>>
        %scatter3A_892 = tpu.memref_squeeze %scatter3A_891 : memref<1x512xi32, #tpu.memory_space<vmem>> -> memref<512xi32, #tpu.memory_space<vmem>>
        tpu.vector_store_idx %scatter3A_892[%add3A_889], %get3A_886 : memref<512xi32, #tpu.memory_space<vmem>>[vector<16xi32>], vector<16xi32>,
        %add3A_893 = arith.constant 1 : i32
        %add3A_894 = vector.broadcast %add3A_893 : i32 to vector<16xi32>
        %add3A_895 = arith.addi %add3A_889, %add3A_894 : vector<16xi32>
        %scatter3A_896 = arith.constant 0 : i32
        %scatter3A_897 = tpu.memref_slice %arg9[%rem3A_752, %scatter3A_896] : memref<3x512xi32, #tpu.memory_space<vmem>> -> memref<1x512xi32, #tpu.memory_space<vmem>>
        %scatter3A_898 = tpu.memref_squeeze %scatter3A_897 : memref<1x512xi32, #tpu.memory_space<vmem>> -> memref<512xi32, #tpu.memory_space<vmem>>
        tpu.vector_store_idx %scatter3A_898[%add3A_895], %get3A_886 : memref<512xi32, #tpu.memory_space<vmem>>[vector<16xi32>], vector<16xi32>,
        %get3A_899 = arith.index_cast %rem3A_752 : i32 to index
        %get3A_900 = arith.constant 144 : index
        %get3A_901 = tpu.vector_load %arg8[%get3A_899, %get3A_900] {strides = array<i32>} : memref<3x256xi32, #tpu.memory_space<vmem>>, vector<16xi32>,
        %add3A_902 = arith.constant 288 : i32
        %add3A_903 = vector.broadcast %add3A_902 : i32 to vector<16xi32>
        %add3A_904 = arith.addi %mul3A_38, %add3A_903 : vector<16xi32>
        %scatter3A_905 = arith.constant 0 : i32
        %scatter3A_906 = tpu.memref_slice %arg9[%rem3A_752, %scatter3A_905] : memref<3x512xi32, #tpu.memory_space<vmem>> -> memref<1x512xi32, #tpu.memory_space<vmem>>
        %scatter3A_907 = tpu.memref_squeeze %scatter3A_906 : memref<1x512xi32, #tpu.memory_space<vmem>> -> memref<512xi32, #tpu.memory_space<vmem>>
        tpu.vector_store_idx %scatter3A_907[%add3A_904], %get3A_901 : memref<512xi32, #tpu.memory_space<vmem>>[vector<16xi32>], vector<16xi32>,
        %add3A_908 = arith.constant 1 : i32
        %add3A_909 = vector.broadcast %add3A_908 : i32 to vector<16xi32>
        %add3A_910 = arith.addi %add3A_904, %add3A_909 : vector<16xi32>
        %scatter3A_911 = arith.constant 0 : i32
        %scatter3A_912 = tpu.memref_slice %arg9[%rem3A_752, %scatter3A_911] : memref<3x512xi32, #tpu.memory_space<vmem>> -> memref<1x512xi32, #tpu.memory_space<vmem>>
        %scatter3A_913 = tpu.memref_squeeze %scatter3A_912 : memref<1x512xi32, #tpu.memory_space<vmem>> -> memref<512xi32, #tpu.memory_space<vmem>>
        tpu.vector_store_idx %scatter3A_913[%add3A_910], %get3A_901 : memref<512xi32, #tpu.memory_space<vmem>>[vector<16xi32>], vector<16xi32>,
        %get3A_914 = arith.index_cast %rem3A_752 : i32 to index
        %get3A_915 = arith.constant 160 : index
        %get3A_916 = tpu.vector_load %arg8[%get3A_914, %get3A_915] {strides = array<i32>} : memref<3x256xi32, #tpu.memory_space<vmem>>, vector<16xi32>,
        %add3A_917 = arith.constant 320 : i32
        %add3A_918 = vector.broadcast %add3A_917 : i32 to vector<16xi32>
        %add3A_919 = arith.addi %mul3A_38, %add3A_918 : vector<16xi32>
        %scatter3A_920 = arith.constant 0 : i32
        %scatter3A_921 = tpu.memref_slice %arg9[%rem3A_752, %scatter3A_920] : memref<3x512xi32, #tpu.memory_space<vmem>> -> memref<1x512xi32, #tpu.memory_space<vmem>>
        %scatter3A_922 = tpu.memref_squeeze %scatter3A_921 : memref<1x512xi32, #tpu.memory_space<vmem>> -> memref<512xi32, #tpu.memory_space<vmem>>
        tpu.vector_store_idx %scatter3A_922[%add3A_919], %get3A_916 : memref<512xi32, #tpu.memory_space<vmem>>[vector<16xi32>], vector<16xi32>,
        %add3A_923 = arith.constant 1 : i32
        %add3A_924 = vector.broadcast %add3A_923 : i32 to vector<16xi32>
        %add3A_925 = arith.addi %add3A_919, %add3A_924 : vector<16xi32>
        %scatter3A_926 = arith.constant 0 : i32
        %scatter3A_927 = tpu.memref_slice %arg9[%rem3A_752, %scatter3A_926] : memref<3x512xi32, #tpu.memory_space<vmem>> -> memref<1x512xi32, #tpu.memory_space<vmem>>
        %scatter3A_928 = tpu.memref_squeeze %scatter3A_927 : memref<1x512xi32, #tpu.memory_space<vmem>> -> memref<512xi32, #tpu.memory_space<vmem>>
        tpu.vector_store_idx %scatter3A_928[%add3A_925], %get3A_916 : memref<512xi32, #tpu.memory_space<vmem>>[vector<16xi32>], vector<16xi32>,
        %get3A_929 = arith.index_cast %rem3A_752 : i32 to index
        %get3A_930 = arith.constant 176 : index
        %get3A_931 = tpu.vector_load %arg8[%get3A_929, %get3A_930] {strides = array<i32>} : memref<3x256xi32, #tpu.memory_space<vmem>>, vector<16xi32>,
        %add3A_932 = arith.constant 352 : i32
        %add3A_933 = vector.broadcast %add3A_932 : i32 to vector<16xi32>
        %add3A_934 = arith.addi %mul3A_38, %add3A_933 : vector<16xi32>
        %scatter3A_935 = arith.constant 0 : i32
        %scatter3A_936 = tpu.memref_slice %arg9[%rem3A_752, %scatter3A_935] : memref<3x512xi32, #tpu.memory_space<vmem>> -> memref<1x512xi32, #tpu.memory_space<vmem>>
        %scatter3A_937 = tpu.memref_squeeze %scatter3A_936 : memref<1x512xi32, #tpu.memory_space<vmem>> -> memref<512xi32, #tpu.memory_space<vmem>>
        tpu.vector_store_idx %scatter3A_937[%add3A_934], %get3A_931 : memref<512xi32, #tpu.memory_space<vmem>>[vector<16xi32>], vector<16xi32>,
        %add3A_938 = arith.constant 1 : i32
        %add3A_939 = vector.broadcast %add3A_938 : i32 to vector<16xi32>
        %add3A_940 = arith.addi %add3A_934, %add3A_939 : vector<16xi32>
        %scatter3A_941 = arith.constant 0 : i32
        %scatter3A_942 = tpu.memref_slice %arg9[%rem3A_752, %scatter3A_941] : memref<3x512xi32, #tpu.memory_space<vmem>> -> memref<1x512xi32, #tpu.memory_space<vmem>>
        %scatter3A_943 = tpu.memref_squeeze %scatter3A_942 : memref<1x512xi32, #tpu.memory_space<vmem>> -> memref<512xi32, #tpu.memory_space<vmem>>
        tpu.vector_store_idx %scatter3A_943[%add3A_940], %get3A_931 : memref<512xi32, #tpu.memory_space<vmem>>[vector<16xi32>], vector<16xi32>,
        %get3A_944 = arith.index_cast %rem3A_752 : i32 to index
        %get3A_945 = arith.constant 192 : index
        %get3A_946 = tpu.vector_load %arg8[%get3A_944, %get3A_945] {strides = array<i32>} : memref<3x256xi32, #tpu.memory_space<vmem>>, vector<16xi32>,
        %add3A_947 = arith.constant 384 : i32
        %add3A_948 = vector.broadcast %add3A_947 : i32 to vector<16xi32>
        %add3A_949 = arith.addi %mul3A_38, %add3A_948 : vector<16xi32>
        %scatter3A_950 = arith.constant 0 : i32
        %scatter3A_951 = tpu.memref_slice %arg9[%rem3A_752, %scatter3A_950] : memref<3x512xi32, #tpu.memory_space<vmem>> -> memref<1x512xi32, #tpu.memory_space<vmem>>
        %scatter3A_952 = tpu.memref_squeeze %scatter3A_951 : memref<1x512xi32, #tpu.memory_space<vmem>> -> memref<512xi32, #tpu.memory_space<vmem>>
        tpu.vector_store_idx %scatter3A_952[%add3A_949], %get3A_946 : memref<512xi32, #tpu.memory_space<vmem>>[vector<16xi32>], vector<16xi32>,
        %add3A_953 = arith.constant 1 : i32
        %add3A_954 = vector.broadcast %add3A_953 : i32 to vector<16xi32>
        %add3A_955 = arith.addi %add3A_949, %add3A_954 : vector<16xi32>
        %scatter3A_956 = arith.constant 0 : i32
        %scatter3A_957 = tpu.memref_slice %arg9[%rem3A_752, %scatter3A_956] : memref<3x512xi32, #tpu.memory_space<vmem>> -> memref<1x512xi32, #tpu.memory_space<vmem>>
        %scatter3A_958 = tpu.memref_squeeze %scatter3A_957 : memref<1x512xi32, #tpu.memory_space<vmem>> -> memref<512xi32, #tpu.memory_space<vmem>>
        tpu.vector_store_idx %scatter3A_958[%add3A_955], %get3A_946 : memref<512xi32, #tpu.memory_space<vmem>>[vector<16xi32>], vector<16xi32>,
        %get3A_959 = arith.index_cast %rem3A_752 : i32 to index
        %get3A_960 = arith.constant 208 : index
        %get3A_961 = tpu.vector_load %arg8[%get3A_959, %get3A_960] {strides = array<i32>} : memref<3x256xi32, #tpu.memory_space<vmem>>, vector<16xi32>,
        %add3A_962 = arith.constant 416 : i32
        %add3A_963 = vector.broadcast %add3A_962 : i32 to vector<16xi32>
        %add3A_964 = arith.addi %mul3A_38, %add3A_963 : vector<16xi32>
        %scatter3A_965 = arith.constant 0 : i32
        %scatter3A_966 = tpu.memref_slice %arg9[%rem3A_752, %scatter3A_965] : memref<3x512xi32, #tpu.memory_space<vmem>> -> memref<1x512xi32, #tpu.memory_space<vmem>>
        %scatter3A_967 = tpu.memref_squeeze %scatter3A_966 : memref<1x512xi32, #tpu.memory_space<vmem>> -> memref<512xi32, #tpu.memory_space<vmem>>
        tpu.vector_store_idx %scatter3A_967[%add3A_964], %get3A_961 : memref<512xi32, #tpu.memory_space<vmem>>[vector<16xi32>], vector<16xi32>,
        %add3A_968 = arith.constant 1 : i32
        %add3A_969 = vector.broadcast %add3A_968 : i32 to vector<16xi32>
        %add3A_970 = arith.addi %add3A_964, %add3A_969 : vector<16xi32>
        %scatter3A_971 = arith.constant 0 : i32
        %scatter3A_972 = tpu.memref_slice %arg9[%rem3A_752, %scatter3A_971] : memref<3x512xi32, #tpu.memory_space<vmem>> -> memref<1x512xi32, #tpu.memory_space<vmem>>
        %scatter3A_973 = tpu.memref_squeeze %scatter3A_972 : memref<1x512xi32, #tpu.memory_space<vmem>> -> memref<512xi32, #tpu.memory_space<vmem>>
        tpu.vector_store_idx %scatter3A_973[%add3A_970], %get3A_961 : memref<512xi32, #tpu.memory_space<vmem>>[vector<16xi32>], vector<16xi32>,
        %get3A_974 = arith.index_cast %rem3A_752 : i32 to index
        %get3A_975 = arith.constant 224 : index
        %get3A_976 = tpu.vector_load %arg8[%get3A_974, %get3A_975] {strides = array<i32>} : memref<3x256xi32, #tpu.memory_space<vmem>>, vector<16xi32>,
        %add3A_977 = arith.constant 448 : i32
        %add3A_978 = vector.broadcast %add3A_977 : i32 to vector<16xi32>
        %add3A_979 = arith.addi %mul3A_38, %add3A_978 : vector<16xi32>
        %scatter3A_980 = arith.constant 0 : i32
        %scatter3A_981 = tpu.memref_slice %arg9[%rem3A_752, %scatter3A_980] : memref<3x512xi32, #tpu.memory_space<vmem>> -> memref<1x512xi32, #tpu.memory_space<vmem>>
        %scatter3A_982 = tpu.memref_squeeze %scatter3A_981 : memref<1x512xi32, #tpu.memory_space<vmem>> -> memref<512xi32, #tpu.memory_space<vmem>>
        tpu.vector_store_idx %scatter3A_982[%add3A_979], %get3A_976 : memref<512xi32, #tpu.memory_space<vmem>>[vector<16xi32>], vector<16xi32>,
        %add3A_983 = arith.constant 1 : i32
        %add3A_984 = vector.broadcast %add3A_983 : i32 to vector<16xi32>
        %add3A_985 = arith.addi %add3A_979, %add3A_984 : vector<16xi32>
        %scatter3A_986 = arith.constant 0 : i32
        %scatter3A_987 = tpu.memref_slice %arg9[%rem3A_752, %scatter3A_986] : memref<3x512xi32, #tpu.memory_space<vmem>> -> memref<1x512xi32, #tpu.memory_space<vmem>>
        %scatter3A_988 = tpu.memref_squeeze %scatter3A_987 : memref<1x512xi32, #tpu.memory_space<vmem>> -> memref<512xi32, #tpu.memory_space<vmem>>
        tpu.vector_store_idx %scatter3A_988[%add3A_985], %get3A_976 : memref<512xi32, #tpu.memory_space<vmem>>[vector<16xi32>], vector<16xi32>,
        %get3A_989 = arith.index_cast %rem3A_752 : i32 to index
        %get3A_990 = arith.constant 240 : index
        %get3A_991 = tpu.vector_load %arg8[%get3A_989, %get3A_990] {strides = array<i32>} : memref<3x256xi32, #tpu.memory_space<vmem>>, vector<16xi32>,
        %add3A_992 = arith.constant 480 : i32
        %add3A_993 = vector.broadcast %add3A_992 : i32 to vector<16xi32>
        %add3A_994 = arith.addi %mul3A_38, %add3A_993 : vector<16xi32>
        %scatter3A_995 = arith.constant 0 : i32
        %scatter3A_996 = tpu.memref_slice %arg9[%rem3A_752, %scatter3A_995] : memref<3x512xi32, #tpu.memory_space<vmem>> -> memref<1x512xi32, #tpu.memory_space<vmem>>
        %scatter3A_997 = tpu.memref_squeeze %scatter3A_996 : memref<1x512xi32, #tpu.memory_space<vmem>> -> memref<512xi32, #tpu.memory_space<vmem>>
        tpu.vector_store_idx %scatter3A_997[%add3A_994], %get3A_991 : memref<512xi32, #tpu.memory_space<vmem>>[vector<16xi32>], vector<16xi32>,
        %add3A_998 = arith.constant 1 : i32
        %add3A_999 = vector.broadcast %add3A_998 : i32 to vector<16xi32>
        %add3A_1000 = arith.addi %add3A_994, %add3A_999 : vector<16xi32>
        %scatter3A_1001 = arith.constant 0 : i32
        %scatter3A_1002 = tpu.memref_slice %arg9[%rem3A_752, %scatter3A_1001] : memref<3x512xi32, #tpu.memory_space<vmem>> -> memref<1x512xi32, #tpu.memory_space<vmem>>
        %scatter3A_1003 = tpu.memref_squeeze %scatter3A_1002 : memref<1x512xi32, #tpu.memory_space<vmem>> -> memref<512xi32, #tpu.memory_space<vmem>>
        tpu.vector_store_idx %scatter3A_1003[%add3A_1000], %get3A_991 : memref<512xi32, #tpu.memory_space<vmem>>[vector<16xi32>], vector<16xi32>,
        %dma_start3A_1004 = arith.constant 0 : i32
        %dma_start3A_1005 = arith.constant 0 : i32
        %dma_start3A_1006 = tpu.memref_slice %arg10[%rem3A_752, %dma_start3A_1004, %dma_start3A_1005] : memref<3x512x64xf32, #tpu.memory_space<vmem>> -> memref<1x128x64xf32, #tpu.memory_space<vmem>>
        %dma_start3A_1007 = tpu.memref_squeeze %dma_start3A_1006 : memref<1x128x64xf32, #tpu.memory_space<vmem>> -> memref<128x64xf32, #tpu.memory_space<vmem>>
        %dma_start3A_1008 = arith.constant 0 : i32
        %dma_start3A_1009 = tpu.memref_slice %arg9[%rem3A_752, %dma_start3A_1008] : memref<3x512xi32, #tpu.memory_space<vmem>> -> memref<1x128xi32, #tpu.memory_space<vmem>>
        %dma_start3A_1010 = tpu.memref_squeeze %dma_start3A_1009 : memref<1x128xi32, #tpu.memory_space<vmem>> -> memref<128xi32, #tpu.memory_space<vmem>>
        %dma_start3A_1011 = arith.constant 0 : i32
        %dma_start3A_1012 = arith.constant 0 : i32
        %dma_start3A_1013 = tpu.memref_slice %arg3[%dma_start3A_1011, %dma_start3A_1012] : memref<100000x64xf32, #tpu.memory_space<hbm>> -> memref<100000x64xf32, #tpu.memory_space<hbm>>
        %dma_start3A_1014 = tpu.memref_slice %arg13[%rem3A_752] : memref<3x!tpu.dma_semaphore, #tpu.memory_space<semaphore_mem>> -> memref<1x!tpu.dma_semaphore, #tpu.memory_space<semaphore_mem>>
        %dma_start3A_1015 = tpu.memref_squeeze %dma_start3A_1014 : memref<1x!tpu.dma_semaphore, #tpu.memory_space<semaphore_mem>> -> memref<!tpu.dma_semaphore, #tpu.memory_space<semaphore_mem>>
        tpu.enqueue_indirect_dma source(%dma_start3A_1013 : memref<100000x64xf32, #tpu.memory_space<hbm>>) target(%dma_start3A_1007 : memref<128x64xf32, #tpu.memory_space<vmem>>) offsets(%dma_start3A_1010 : memref<128xi32, #tpu.memory_space<vmem>>) semaphore(%dma_start3A_1015 : memref<!tpu.dma_semaphore, #tpu.memory_space<semaphore_mem>>)
        %dma_start3A_1016 = arith.constant 128 : i32
        %dma_start3A_1017 = arith.constant 0 : i32
        %dma_start3A_1018 = tpu.memref_slice %arg10[%rem3A_752, %dma_start3A_1016, %dma_start3A_1017] : memref<3x512x64xf32, #tpu.memory_space<vmem>> -> memref<1x128x64xf32, #tpu.memory_space<vmem>>
        %dma_start3A_1019 = tpu.memref_squeeze %dma_start3A_1018 : memref<1x128x64xf32, #tpu.memory_space<vmem>> -> memref<128x64xf32, #tpu.memory_space<vmem>>
        %dma_start3A_1020 = arith.constant 128 : i32
        %dma_start3A_1021 = tpu.memref_slice %arg9[%rem3A_752, %dma_start3A_1020] : memref<3x512xi32, #tpu.memory_space<vmem>> -> memref<1x128xi32, #tpu.memory_space<vmem>>
        %dma_start3A_1022 = tpu.memref_squeeze %dma_start3A_1021 : memref<1x128xi32, #tpu.memory_space<vmem>> -> memref<128xi32, #tpu.memory_space<vmem>>
        %dma_start3A_1023 = arith.constant 0 : i32
        %dma_start3A_1024 = arith.constant 0 : i32
        %dma_start3A_1025 = tpu.memref_slice %arg3[%dma_start3A_1023, %dma_start3A_1024] : memref<100000x64xf32, #tpu.memory_space<hbm>> -> memref<100000x64xf32, #tpu.memory_space<hbm>>
        %dma_start3A_1026 = tpu.memref_slice %arg13[%rem3A_752] : memref<3x!tpu.dma_semaphore, #tpu.memory_space<semaphore_mem>> -> memref<1x!tpu.dma_semaphore, #tpu.memory_space<semaphore_mem>>
        %dma_start3A_1027 = tpu.memref_squeeze %dma_start3A_1026 : memref<1x!tpu.dma_semaphore, #tpu.memory_space<semaphore_mem>> -> memref<!tpu.dma_semaphore, #tpu.memory_space<semaphore_mem>>
        tpu.enqueue_indirect_dma source(%dma_start3A_1025 : memref<100000x64xf32, #tpu.memory_space<hbm>>) target(%dma_start3A_1019 : memref<128x64xf32, #tpu.memory_space<vmem>>) offsets(%dma_start3A_1022 : memref<128xi32, #tpu.memory_space<vmem>>) semaphore(%dma_start3A_1027 : memref<!tpu.dma_semaphore, #tpu.memory_space<semaphore_mem>>)
        %dma_start3A_1028 = arith.constant 256 : i32
        %dma_start3A_1029 = arith.constant 0 : i32
        %dma_start3A_1030 = tpu.memref_slice %arg10[%rem3A_752, %dma_start3A_1028, %dma_start3A_1029] : memref<3x512x64xf32, #tpu.memory_space<vmem>> -> memref<1x128x64xf32, #tpu.memory_space<vmem>>
        %dma_start3A_1031 = tpu.memref_squeeze %dma_start3A_1030 : memref<1x128x64xf32, #tpu.memory_space<vmem>> -> memref<128x64xf32, #tpu.memory_space<vmem>>
        %dma_start3A_1032 = arith.constant 256 : i32
        %dma_start3A_1033 = tpu.memref_slice %arg9[%rem3A_752, %dma_start3A_1032] : memref<3x512xi32, #tpu.memory_space<vmem>> -> memref<1x128xi32, #tpu.memory_space<vmem>>
        %dma_start3A_1034 = tpu.memref_squeeze %dma_start3A_1033 : memref<1x128xi32, #tpu.memory_space<vmem>> -> memref<128xi32, #tpu.memory_space<vmem>>
        %dma_start3A_1035 = arith.constant 0 : i32
        %dma_start3A_1036 = arith.constant 0 : i32
        %dma_start3A_1037 = tpu.memref_slice %arg3[%dma_start3A_1035, %dma_start3A_1036] : memref<100000x64xf32, #tpu.memory_space<hbm>> -> memref<100000x64xf32, #tpu.memory_space<hbm>>
        %dma_start3A_1038 = tpu.memref_slice %arg13[%rem3A_752] : memref<3x!tpu.dma_semaphore, #tpu.memory_space<semaphore_mem>> -> memref<1x!tpu.dma_semaphore, #tpu.memory_space<semaphore_mem>>
        %dma_start3A_1039 = tpu.memref_squeeze %dma_start3A_1038 : memref<1x!tpu.dma_semaphore, #tpu.memory_space<semaphore_mem>> -> memref<!tpu.dma_semaphore, #tpu.memory_space<semaphore_mem>>
        tpu.enqueue_indirect_dma source(%dma_start3A_1037 : memref<100000x64xf32, #tpu.memory_space<hbm>>) target(%dma_start3A_1031 : memref<128x64xf32, #tpu.memory_space<vmem>>) offsets(%dma_start3A_1034 : memref<128xi32, #tpu.memory_space<vmem>>) semaphore(%dma_start3A_1039 : memref<!tpu.dma_semaphore, #tpu.memory_space<semaphore_mem>>)
        %dma_start3A_1040 = arith.constant 384 : i32
        %dma_start3A_1041 = arith.constant 0 : i32
        %dma_start3A_1042 = tpu.memref_slice %arg10[%rem3A_752, %dma_start3A_1040, %dma_start3A_1041] : memref<3x512x64xf32, #tpu.memory_space<vmem>> -> memref<1x128x64xf32, #tpu.memory_space<vmem>>
        %dma_start3A_1043 = tpu.memref_squeeze %dma_start3A_1042 : memref<1x128x64xf32, #tpu.memory_space<vmem>> -> memref<128x64xf32, #tpu.memory_space<vmem>>
        %dma_start3A_1044 = arith.constant 384 : i32
        %dma_start3A_1045 = tpu.memref_slice %arg9[%rem3A_752, %dma_start3A_1044] : memref<3x512xi32, #tpu.memory_space<vmem>> -> memref<1x128xi32, #tpu.memory_space<vmem>>
        %dma_start3A_1046 = tpu.memref_squeeze %dma_start3A_1045 : memref<1x128xi32, #tpu.memory_space<vmem>> -> memref<128xi32, #tpu.memory_space<vmem>>
        %dma_start3A_1047 = arith.constant 0 : i32
        %dma_start3A_1048 = arith.constant 0 : i32
        %dma_start3A_1049 = tpu.memref_slice %arg3[%dma_start3A_1047, %dma_start3A_1048] : memref<100000x64xf32, #tpu.memory_space<hbm>> -> memref<100000x64xf32, #tpu.memory_space<hbm>>
        %dma_start3A_1050 = tpu.memref_slice %arg13[%rem3A_752] : memref<3x!tpu.dma_semaphore, #tpu.memory_space<semaphore_mem>> -> memref<1x!tpu.dma_semaphore, #tpu.memory_space<semaphore_mem>>
        %dma_start3A_1051 = tpu.memref_squeeze %dma_start3A_1050 : memref<1x!tpu.dma_semaphore, #tpu.memory_space<semaphore_mem>> -> memref<!tpu.dma_semaphore, #tpu.memory_space<semaphore_mem>>
        tpu.enqueue_indirect_dma source(%dma_start3A_1049 : memref<100000x64xf32, #tpu.memory_space<hbm>>) target(%dma_start3A_1043 : memref<128x64xf32, #tpu.memory_space<vmem>>) offsets(%dma_start3A_1046 : memref<128xi32, #tpu.memory_space<vmem>>) semaphore(%dma_start3A_1051 : memref<!tpu.dma_semaphore, #tpu.memory_space<semaphore_mem>>)
      } else {
      }
      %get3A_554 = arith.index_cast %rem3A_501 : i32 to index
      %get3A_555 = arith.constant 0 : index
      %get3A_556 = tpu.vector_load %arg8[%get3A_554, %get3A_555] {strides = array<i32>} : memref<3x256xi32, #tpu.memory_space<vmem>>, vector<16xi32>,
      %gt3A = arith.constant 0 : i32
      %gt3A_557 = vector.broadcast %gt3A : i32 to vector<16xi32>
      %gt3A_558 = arith.cmpi sgt, %get3A_556, %gt3A_557 : vector<16xi32>
      %select_n3A = arith.select %gt3A_558, %broadcast_in_dim3A_33, %broadcast_in_dim3A_35 : vector<16xi1>, vector<16xi32>
      %swap3A = arith.index_cast %rem3A_501 : i32 to index
      %swap3A_559 = arith.constant 0 : index
      %swap3A_560 = tpu.vector_load %arg11[%swap3A, %swap3A_559] {strides = array<i32>} : memref<3x256xi32, #tpu.memory_space<vmem>>, vector<16xi32>,
      tpu.vector_store %arg11[%swap3A, %swap3A_559], %select_n3A {strides = array<i32>} : memref<3x256xi32, #tpu.memory_space<vmem>>, vector<16xi32>,
      %get3A_561 = arith.index_cast %rem3A_501 : i32 to index
      %get3A_562 = arith.constant 16 : index
      %get3A_563 = tpu.vector_load %arg8[%get3A_561, %get3A_562] {strides = array<i32>} : memref<3x256xi32, #tpu.memory_space<vmem>>, vector<16xi32>,
      %gt3A_564 = arith.constant 0 : i32
      %gt3A_565 = vector.broadcast %gt3A_564 : i32 to vector<16xi32>
      %gt3A_566 = arith.cmpi sgt, %get3A_563, %gt3A_565 : vector<16xi32>
      %select_n3A_567 = arith.select %gt3A_566, %broadcast_in_dim3A_33, %broadcast_in_dim3A_35 : vector<16xi1>, vector<16xi32>
      %swap3A_568 = arith.index_cast %rem3A_501 : i32 to index
      %swap3A_569 = arith.constant 16 : index
      %swap3A_570 = tpu.vector_load %arg11[%swap3A_568, %swap3A_569] {strides = array<i32>} : memref<3x256xi32, #tpu.memory_space<vmem>>, vector<16xi32>,
      tpu.vector_store %arg11[%swap3A_568, %swap3A_569], %select_n3A_567 {strides = array<i32>} : memref<3x256xi32, #tpu.memory_space<vmem>>, vector<16xi32>,
      %get3A_571 = arith.index_cast %rem3A_501 : i32 to index
      %get3A_572 = arith.constant 32 : index
      %get3A_573 = tpu.vector_load %arg8[%get3A_571, %get3A_572] {strides = array<i32>} : memref<3x256xi32, #tpu.memory_space<vmem>>, vector<16xi32>,
      %gt3A_574 = arith.constant 0 : i32
      %gt3A_575 = vector.broadcast %gt3A_574 : i32 to vector<16xi32>
      %gt3A_576 = arith.cmpi sgt, %get3A_573, %gt3A_575 : vector<16xi32>
      %select_n3A_577 = arith.select %gt3A_576, %broadcast_in_dim3A_33, %broadcast_in_dim3A_35 : vector<16xi1>, vector<16xi32>
      %swap3A_578 = arith.index_cast %rem3A_501 : i32 to index
      %swap3A_579 = arith.constant 32 : index
      %swap3A_580 = tpu.vector_load %arg11[%swap3A_578, %swap3A_579] {strides = array<i32>} : memref<3x256xi32, #tpu.memory_space<vmem>>, vector<16xi32>,
      tpu.vector_store %arg11[%swap3A_578, %swap3A_579], %select_n3A_577 {strides = array<i32>} : memref<3x256xi32, #tpu.memory_space<vmem>>, vector<16xi32>,
      %get3A_581 = arith.index_cast %rem3A_501 : i32 to index
      %get3A_582 = arith.constant 48 : index
      %get3A_583 = tpu.vector_load %arg8[%get3A_581, %get3A_582] {strides = array<i32>} : memref<3x256xi32, #tpu.memory_space<vmem>>, vector<16xi32>,
      %gt3A_584 = arith.constant 0 : i32
      %gt3A_585 = vector.broadcast %gt3A_584 : i32 to vector<16xi32>
      %gt3A_586 = arith.cmpi sgt, %get3A_583, %gt3A_585 : vector<16xi32>
      %select_n3A_587 = arith.select %gt3A_586, %broadcast_in_dim3A_33, %broadcast_in_dim3A_35 : vector<16xi1>, vector<16xi32>
      %swap3A_588 = arith.index_cast %rem3A_501 : i32 to index
      %swap3A_589 = arith.constant 48 : index
      %swap3A_590 = tpu.vector_load %arg11[%swap3A_588, %swap3A_589] {strides = array<i32>} : memref<3x256xi32, #tpu.memory_space<vmem>>, vector<16xi32>,
      tpu.vector_store %arg11[%swap3A_588, %swap3A_589], %select_n3A_587 {strides = array<i32>} : memref<3x256xi32, #tpu.memory_space<vmem>>, vector<16xi32>,
      %get3A_591 = arith.index_cast %rem3A_501 : i32 to index
      %get3A_592 = arith.constant 64 : index
      %get3A_593 = tpu.vector_load %arg8[%get3A_591, %get3A_592] {strides = array<i32>} : memref<3x256xi32, #tpu.memory_space<vmem>>, vector<16xi32>,
      %gt3A_594 = arith.constant 0 : i32
      %gt3A_595 = vector.broadcast %gt3A_594 : i32 to vector<16xi32>
      %gt3A_596 = arith.cmpi sgt, %get3A_593, %gt3A_595 : vector<16xi32>
      %select_n3A_597 = arith.select %gt3A_596, %broadcast_in_dim3A_33, %broadcast_in_dim3A_35 : vector<16xi1>, vector<16xi32>
      %swap3A_598 = arith.index_cast %rem3A_501 : i32 to index
      %swap3A_599 = arith.constant 64 : index
      %swap3A_600 = tpu.vector_load %arg11[%swap3A_598, %swap3A_599] {strides = array<i32>} : memref<3x256xi32, #tpu.memory_space<vmem>>, vector<16xi32>,
      tpu.vector_store %arg11[%swap3A_598, %swap3A_599], %select_n3A_597 {strides = array<i32>} : memref<3x256xi32, #tpu.memory_space<vmem>>, vector<16xi32>,
      %get3A_601 = arith.index_cast %rem3A_501 : i32 to index
      %get3A_602 = arith.constant 80 : index
      %get3A_603 = tpu.vector_load %arg8[%get3A_601, %get3A_602] {strides = array<i32>} : memref<3x256xi32, #tpu.memory_space<vmem>>, vector<16xi32>,
      %gt3A_604 = arith.constant 0 : i32
      %gt3A_605 = vector.broadcast %gt3A_604 : i32 to vector<16xi32>
      %gt3A_606 = arith.cmpi sgt, %get3A_603, %gt3A_605 : vector<16xi32>
      %select_n3A_607 = arith.select %gt3A_606, %broadcast_in_dim3A_33, %broadcast_in_dim3A_35 : vector<16xi1>, vector<16xi32>
      %swap3A_608 = arith.index_cast %rem3A_501 : i32 to index
      %swap3A_609 = arith.constant 80 : index
      %swap3A_610 = tpu.vector_load %arg11[%swap3A_608, %swap3A_609] {strides = array<i32>} : memref<3x256xi32, #tpu.memory_space<vmem>>, vector<16xi32>,
      tpu.vector_store %arg11[%swap3A_608, %swap3A_609], %select_n3A_607 {strides = array<i32>} : memref<3x256xi32, #tpu.memory_space<vmem>>, vector<16xi32>,
      %get3A_611 = arith.index_cast %rem3A_501 : i32 to index
      %get3A_612 = arith.constant 96 : index
      %get3A_613 = tpu.vector_load %arg8[%get3A_611, %get3A_612] {strides = array<i32>} : memref<3x256xi32, #tpu.memory_space<vmem>>, vector<16xi32>,
      %gt3A_614 = arith.constant 0 : i32
      %gt3A_615 = vector.broadcast %gt3A_614 : i32 to vector<16xi32>
      %gt3A_616 = arith.cmpi sgt, %get3A_613, %gt3A_615 : vector<16xi32>
      %select_n3A_617 = arith.select %gt3A_616, %broadcast_in_dim3A_33, %broadcast_in_dim3A_35 : vector<16xi1>, vector<16xi32>
      %swap3A_618 = arith.index_cast %rem3A_501 : i32 to index
      %swap3A_619 = arith.constant 96 : index
      %swap3A_620 = tpu.vector_load %arg11[%swap3A_618, %swap3A_619] {strides = array<i32>} : memref<3x256xi32, #tpu.memory_space<vmem>>, vector<16xi32>,
      tpu.vector_store %arg11[%swap3A_618, %swap3A_619], %select_n3A_617 {strides = array<i32>} : memref<3x256xi32, #tpu.memory_space<vmem>>, vector<16xi32>,
      %get3A_621 = arith.index_cast %rem3A_501 : i32 to index
      %get3A_622 = arith.constant 112 : index
      %get3A_623 = tpu.vector_load %arg8[%get3A_621, %get3A_622] {strides = array<i32>} : memref<3x256xi32, #tpu.memory_space<vmem>>, vector<16xi32>,
      %gt3A_624 = arith.constant 0 : i32
      %gt3A_625 = vector.broadcast %gt3A_624 : i32 to vector<16xi32>
      %gt3A_626 = arith.cmpi sgt, %get3A_623, %gt3A_625 : vector<16xi32>
      %select_n3A_627 = arith.select %gt3A_626, %broadcast_in_dim3A_33, %broadcast_in_dim3A_35 : vector<16xi1>, vector<16xi32>
      %swap3A_628 = arith.index_cast %rem3A_501 : i32 to index
      %swap3A_629 = arith.constant 112 : index
      %swap3A_630 = tpu.vector_load %arg11[%swap3A_628, %swap3A_629] {strides = array<i32>} : memref<3x256xi32, #tpu.memory_space<vmem>>, vector<16xi32>,
      tpu.vector_store %arg11[%swap3A_628, %swap3A_629], %select_n3A_627 {strides = array<i32>} : memref<3x256xi32, #tpu.memory_space<vmem>>, vector<16xi32>,
      %get3A_631 = arith.index_cast %rem3A_501 : i32 to index
      %get3A_632 = arith.constant 128 : index
      %get3A_633 = tpu.vector_load %arg8[%get3A_631, %get3A_632] {strides = array<i32>} : memref<3x256xi32, #tpu.memory_space<vmem>>, vector<16xi32>,
      %gt3A_634 = arith.constant 0 : i32
      %gt3A_635 = vector.broadcast %gt3A_634 : i32 to vector<16xi32>
      %gt3A_636 = arith.cmpi sgt, %get3A_633, %gt3A_635 : vector<16xi32>
      %select_n3A_637 = arith.select %gt3A_636, %broadcast_in_dim3A_33, %broadcast_in_dim3A_35 : vector<16xi1>, vector<16xi32>
      %swap3A_638 = arith.index_cast %rem3A_501 : i32 to index
      %swap3A_639 = arith.constant 128 : index
      %swap3A_640 = tpu.vector_load %arg11[%swap3A_638, %swap3A_639] {strides = array<i32>} : memref<3x256xi32, #tpu.memory_space<vmem>>, vector<16xi32>,
      tpu.vector_store %arg11[%swap3A_638, %swap3A_639], %select_n3A_637 {strides = array<i32>} : memref<3x256xi32, #tpu.memory_space<vmem>>, vector<16xi32>,
      %get3A_641 = arith.index_cast %rem3A_501 : i32 to index
      %get3A_642 = arith.constant 144 : index
      %get3A_643 = tpu.vector_load %arg8[%get3A_641, %get3A_642] {strides = array<i32>} : memref<3x256xi32, #tpu.memory_space<vmem>>, vector<16xi32>,
      %gt3A_644 = arith.constant 0 : i32
      %gt3A_645 = vector.broadcast %gt3A_644 : i32 to vector<16xi32>
      %gt3A_646 = arith.cmpi sgt, %get3A_643, %gt3A_645 : vector<16xi32>
      %select_n3A_647 = arith.select %gt3A_646, %broadcast_in_dim3A_33, %broadcast_in_dim3A_35 : vector<16xi1>, vector<16xi32>
      %swap3A_648 = arith.index_cast %rem3A_501 : i32 to index
      %swap3A_649 = arith.constant 144 : index
      %swap3A_650 = tpu.vector_load %arg11[%swap3A_648, %swap3A_649] {strides = array<i32>} : memref<3x256xi32, #tpu.memory_space<vmem>>, vector<16xi32>,
      tpu.vector_store %arg11[%swap3A_648, %swap3A_649], %select_n3A_647 {strides = array<i32>} : memref<3x256xi32, #tpu.memory_space<vmem>>, vector<16xi32>,
      %get3A_651 = arith.index_cast %rem3A_501 : i32 to index
      %get3A_652 = arith.constant 160 : index
      %get3A_653 = tpu.vector_load %arg8[%get3A_651, %get3A_652] {strides = array<i32>} : memref<3x256xi32, #tpu.memory_space<vmem>>, vector<16xi32>,
      %gt3A_654 = arith.constant 0 : i32
      %gt3A_655 = vector.broadcast %gt3A_654 : i32 to vector<16xi32>
      %gt3A_656 = arith.cmpi sgt, %get3A_653, %gt3A_655 : vector<16xi32>
      %select_n3A_657 = arith.select %gt3A_656, %broadcast_in_dim3A_33, %broadcast_in_dim3A_35 : vector<16xi1>, vector<16xi32>
      %swap3A_658 = arith.index_cast %rem3A_501 : i32 to index
      %swap3A_659 = arith.constant 160 : index
      %swap3A_660 = tpu.vector_load %arg11[%swap3A_658, %swap3A_659] {strides = array<i32>} : memref<3x256xi32, #tpu.memory_space<vmem>>, vector<16xi32>,
      tpu.vector_store %arg11[%swap3A_658, %swap3A_659], %select_n3A_657 {strides = array<i32>} : memref<3x256xi32, #tpu.memory_space<vmem>>, vector<16xi32>,
      %get3A_661 = arith.index_cast %rem3A_501 : i32 to index
      %get3A_662 = arith.constant 176 : index
      %get3A_663 = tpu.vector_load %arg8[%get3A_661, %get3A_662] {strides = array<i32>} : memref<3x256xi32, #tpu.memory_space<vmem>>, vector<16xi32>,
      %gt3A_664 = arith.constant 0 : i32
      %gt3A_665 = vector.broadcast %gt3A_664 : i32 to vector<16xi32>
      %gt3A_666 = arith.cmpi sgt, %get3A_663, %gt3A_665 : vector<16xi32>
      %select_n3A_667 = arith.select %gt3A_666, %broadcast_in_dim3A_33, %broadcast_in_dim3A_35 : vector<16xi1>, vector<16xi32>
      %swap3A_668 = arith.index_cast %rem3A_501 : i32 to index
      %swap3A_669 = arith.constant 176 : index
      %swap3A_670 = tpu.vector_load %arg11[%swap3A_668, %swap3A_669] {strides = array<i32>} : memref<3x256xi32, #tpu.memory_space<vmem>>, vector<16xi32>,
      tpu.vector_store %arg11[%swap3A_668, %swap3A_669], %select_n3A_667 {strides = array<i32>} : memref<3x256xi32, #tpu.memory_space<vmem>>, vector<16xi32>,
      %get3A_671 = arith.index_cast %rem3A_501 : i32 to index
      %get3A_672 = arith.constant 192 : index
      %get3A_673 = tpu.vector_load %arg8[%get3A_671, %get3A_672] {strides = array<i32>} : memref<3x256xi32, #tpu.memory_space<vmem>>, vector<16xi32>,
      %gt3A_674 = arith.constant 0 : i32
      %gt3A_675 = vector.broadcast %gt3A_674 : i32 to vector<16xi32>
      %gt3A_676 = arith.cmpi sgt, %get3A_673, %gt3A_675 : vector<16xi32>
      %select_n3A_677 = arith.select %gt3A_676, %broadcast_in_dim3A_33, %broadcast_in_dim3A_35 : vector<16xi1>, vector<16xi32>
      %swap3A_678 = arith.index_cast %rem3A_501 : i32 to index
      %swap3A_679 = arith.constant 192 : index
      %swap3A_680 = tpu.vector_load %arg11[%swap3A_678, %swap3A_679] {strides = array<i32>} : memref<3x256xi32, #tpu.memory_space<vmem>>, vector<16xi32>,
      tpu.vector_store %arg11[%swap3A_678, %swap3A_679], %select_n3A_677 {strides = array<i32>} : memref<3x256xi32, #tpu.memory_space<vmem>>, vector<16xi32>,
      %get3A_681 = arith.index_cast %rem3A_501 : i32 to index
      %get3A_682 = arith.constant 208 : index
      %get3A_683 = tpu.vector_load %arg8[%get3A_681, %get3A_682] {strides = array<i32>} : memref<3x256xi32, #tpu.memory_space<vmem>>, vector<16xi32>,
      %gt3A_684 = arith.constant 0 : i32
      %gt3A_685 = vector.broadcast %gt3A_684 : i32 to vector<16xi32>
      %gt3A_686 = arith.cmpi sgt, %get3A_683, %gt3A_685 : vector<16xi32>
      %select_n3A_687 = arith.select %gt3A_686, %broadcast_in_dim3A_33, %broadcast_in_dim3A_35 : vector<16xi1>, vector<16xi32>
      %swap3A_688 = arith.index_cast %rem3A_501 : i32 to index
      %swap3A_689 = arith.constant 208 : index
      %swap3A_690 = tpu.vector_load %arg11[%swap3A_688, %swap3A_689] {strides = array<i32>} : memref<3x256xi32, #tpu.memory_space<vmem>>, vector<16xi32>,
      tpu.vector_store %arg11[%swap3A_688, %swap3A_689], %select_n3A_687 {strides = array<i32>} : memref<3x256xi32, #tpu.memory_space<vmem>>, vector<16xi32>,
      %get3A_691 = arith.index_cast %rem3A_501 : i32 to index
      %get3A_692 = arith.constant 224 : index
      %get3A_693 = tpu.vector_load %arg8[%get3A_691, %get3A_692] {strides = array<i32>} : memref<3x256xi32, #tpu.memory_space<vmem>>, vector<16xi32>,
      %gt3A_694 = arith.constant 0 : i32
      %gt3A_695 = vector.broadcast %gt3A_694 : i32 to vector<16xi32>
      %gt3A_696 = arith.cmpi sgt, %get3A_693, %gt3A_695 : vector<16xi32>
      %select_n3A_697 = arith.select %gt3A_696, %broadcast_in_dim3A_33, %broadcast_in_dim3A_35 : vector<16xi1>, vector<16xi32>
      %swap3A_698 = arith.index_cast %rem3A_501 : i32 to index
      %swap3A_699 = arith.constant 224 : index
      %swap3A_700 = tpu.vector_load %arg11[%swap3A_698, %swap3A_699] {strides = array<i32>} : memref<3x256xi32, #tpu.memory_space<vmem>>, vector<16xi32>,
      tpu.vector_store %arg11[%swap3A_698, %swap3A_699], %select_n3A_697 {strides = array<i32>} : memref<3x256xi32, #tpu.memory_space<vmem>>, vector<16xi32>,
      %get3A_701 = arith.index_cast %rem3A_501 : i32 to index
      %get3A_702 = arith.constant 240 : index
      %get3A_703 = tpu.vector_load %arg8[%get3A_701, %get3A_702] {strides = array<i32>} : memref<3x256xi32, #tpu.memory_space<vmem>>, vector<16xi32>,
      %gt3A_704 = arith.constant 0 : i32
      %gt3A_705 = vector.broadcast %gt3A_704 : i32 to vector<16xi32>
      %gt3A_706 = arith.cmpi sgt, %get3A_703, %gt3A_705 : vector<16xi32>
      %select_n3A_707 = arith.select %gt3A_706, %broadcast_in_dim3A_33, %broadcast_in_dim3A_35 : vector<16xi1>, vector<16xi32>
      %swap3A_708 = arith.index_cast %rem3A_501 : i32 to index
      %swap3A_709 = arith.constant 240 : index
      %swap3A_710 = tpu.vector_load %arg11[%swap3A_708, %swap3A_709] {strides = array<i32>} : memref<3x256xi32, #tpu.memory_space<vmem>>, vector<16xi32>,
      tpu.vector_store %arg11[%swap3A_708, %swap3A_709], %select_n3A_707 {strides = array<i32>} : memref<3x256xi32, #tpu.memory_space<vmem>>, vector<16xi32>,
      %scan3A_711 = arith.constant 0 : i32
      %scan3A_712 = arith.constant 0 : i32
      %scan3A_713 = arith.constant 256 : i32
      %scan3A_714 = arith.addi %scan3A_712, %scan3A_713 : i32
      %scan3A_715 = arith.constant 2 : i32
      scf.for %scan3A_749 = %scan3A_712 to %scan3A_714 step %scan3A_715  : i32 {
        %mul3A_750 = arith.constant 2 : i32
        %mul3A_751 = arith.muli %scan3A_749, %mul3A_750 : i32
        %get3A_752 = arith.constant 0 : i32
        %get3A_753 = arith.constant 0 : i32
        %get3A_754 = tpu.memref_slice %arg10[%rem3A_501, %get3A_752, %get3A_753] : memref<3x512x64xf32, #tpu.memory_space<vmem>> -> memref<1x512x64xf32, #tpu.memory_space<vmem>>
        %get3A_755 = tpu.memref_squeeze %get3A_754 : memref<1x512x64xf32, #tpu.memory_space<vmem>> -> memref<512x64xf32, #tpu.memory_space<vmem>>
        %get3A_756 = arith.index_cast %mul3A_751 : i32 to index
        %get3A_757 = arith.constant 0 : index
        %get3A_758 = tpu.vector_load %get3A_755[%get3A_756, %get3A_757] {strides = array<i32>} : memref<512x64xf32, #tpu.memory_space<vmem>>, vector<16xf32>,
        %get3A_759 = arith.constant 0 : i32
        %get3A_760 = arith.constant 0 : i32
        %get3A_761 = tpu.memref_slice %arg10[%rem3A_501, %get3A_759, %get3A_760] : memref<3x512x64xf32, #tpu.memory_space<vmem>> -> memref<1x512x64xf32, #tpu.memory_space<vmem>>
        %get3A_762 = tpu.memref_squeeze %get3A_761 : memref<1x512x64xf32, #tpu.memory_space<vmem>> -> memref<512x64xf32, #tpu.memory_space<vmem>>
        %get3A_763 = arith.index_cast %mul3A_751 : i32 to index
        %get3A_764 = arith.constant 16 : index
        %get3A_765 = tpu.vector_load %get3A_762[%get3A_763, %get3A_764] {strides = array<i32>} : memref<512x64xf32, #tpu.memory_space<vmem>>, vector<16xf32>,
        %get3A_766 = arith.constant 0 : i32
        %get3A_767 = arith.constant 0 : i32
        %get3A_768 = tpu.memref_slice %arg10[%rem3A_501, %get3A_766, %get3A_767] : memref<3x512x64xf32, #tpu.memory_space<vmem>> -> memref<1x512x64xf32, #tpu.memory_space<vmem>>
        %get3A_769 = tpu.memref_squeeze %get3A_768 : memref<1x512x64xf32, #tpu.memory_space<vmem>> -> memref<512x64xf32, #tpu.memory_space<vmem>>
        %get3A_770 = arith.index_cast %mul3A_751 : i32 to index
        %get3A_771 = arith.constant 32 : index
        %get3A_772 = tpu.vector_load %get3A_769[%get3A_770, %get3A_771] {strides = array<i32>} : memref<512x64xf32, #tpu.memory_space<vmem>>, vector<16xf32>,
        %get3A_773 = arith.constant 0 : i32
        %get3A_774 = arith.constant 0 : i32
        %get3A_775 = tpu.memref_slice %arg10[%rem3A_501, %get3A_773, %get3A_774] : memref<3x512x64xf32, #tpu.memory_space<vmem>> -> memref<1x512x64xf32, #tpu.memory_space<vmem>>
        %get3A_776 = tpu.memref_squeeze %get3A_775 : memref<1x512x64xf32, #tpu.memory_space<vmem>> -> memref<512x64xf32, #tpu.memory_space<vmem>>
        %get3A_777 = arith.index_cast %mul3A_751 : i32 to index
        %get3A_778 = arith.constant 48 : index
        %get3A_779 = tpu.vector_load %get3A_776[%get3A_777, %get3A_778] {strides = array<i32>} : memref<512x64xf32, #tpu.memory_space<vmem>>, vector<16xf32>,
        %add3A_780 = arith.addf %get3A_758, %get3A_765 : vector<16xf32>
        %add3A_781 = arith.addf %get3A_772, %get3A_779 : vector<16xf32>
        %add3A_782 = arith.addf %add3A_780, %add3A_781 : vector<16xf32>
        %mul3A_783 = arith.mulf %get3A_758, %get3A_758 : vector<16xf32>
        %mul3A_784 = arith.mulf %get3A_765, %get3A_765 : vector<16xf32>
        %add3A_785 = arith.addf %mul3A_783, %mul3A_784 : vector<16xf32>
        %mul3A_786 = arith.mulf %get3A_772, %get3A_772 : vector<16xf32>
        %mul3A_787 = arith.mulf %get3A_779, %get3A_779 : vector<16xf32>
        %add3A_788 = arith.addf %mul3A_786, %mul3A_787 : vector<16xf32>
        %add3A_789 = arith.addf %add3A_785, %add3A_788 : vector<16xf32>
        %broadcast_in_dim3A_790 = vector.shape_cast %xor3A_40 : vector<16xi32> to vector<16x1xi32>
        %gather3A = vector.shape_cast %broadcast_in_dim3A_790 : vector<16x1xi32> to vector<16xi32>
        %gather3A_791 = tpu.dynamic_gather %add3A_782[%gather3A] in [0] : vector<16xf32>, vector<16xi32> -> vector<16xf32>
        %add3A_792 = arith.addf %add3A_782, %gather3A_791 : vector<16xf32>
        %broadcast_in_dim3A_793 = vector.shape_cast %xor3A_43 : vector<16xi32> to vector<16x1xi32>
        %gather3A_794 = vector.shape_cast %broadcast_in_dim3A_793 : vector<16x1xi32> to vector<16xi32>
        %gather3A_795 = tpu.dynamic_gather %add3A_792[%gather3A_794] in [0] : vector<16xf32>, vector<16xi32> -> vector<16xf32>
        %add3A_796 = arith.addf %add3A_792, %gather3A_795 : vector<16xf32>
        %broadcast_in_dim3A_797 = vector.shape_cast %xor3A_46 : vector<16xi32> to vector<16x1xi32>
        %gather3A_798 = vector.shape_cast %broadcast_in_dim3A_797 : vector<16x1xi32> to vector<16xi32>
        %gather3A_799 = tpu.dynamic_gather %add3A_796[%gather3A_798] in [0] : vector<16xf32>, vector<16xi32> -> vector<16xf32>
        %add3A_800 = arith.addf %add3A_796, %gather3A_799 : vector<16xf32>
        %broadcast_in_dim3A_801 = vector.shape_cast %xor3A_49 : vector<16xi32> to vector<16x1xi32>
        %gather3A_802 = vector.shape_cast %broadcast_in_dim3A_801 : vector<16x1xi32> to vector<16xi32>
        %gather3A_803 = tpu.dynamic_gather %add3A_800[%gather3A_802] in [0] : vector<16xf32>, vector<16xi32> -> vector<16xf32>
        %add3A_804 = arith.addf %add3A_800, %gather3A_803 : vector<16xf32>
        %mul3A_805 = arith.constant 1.562500e-02 : f32
        %mul3A_806 = vector.broadcast %mul3A_805 : f32 to vector<16xf32>
        %mul3A_807 = arith.mulf %add3A_804, %mul3A_806 : vector<16xf32>
        %broadcast_in_dim3A_808 = vector.shape_cast %xor3A_40 : vector<16xi32> to vector<16x1xi32>
        %gather3A_809 = vector.shape_cast %broadcast_in_dim3A_808 : vector<16x1xi32> to vector<16xi32>
        %gather3A_810 = tpu.dynamic_gather %add3A_789[%gather3A_809] in [0] : vector<16xf32>, vector<16xi32> -> vector<16xf32>
        %add3A_811 = arith.addf %add3A_789, %gather3A_810 : vector<16xf32>
        %broadcast_in_dim3A_812 = vector.shape_cast %xor3A_43 : vector<16xi32> to vector<16x1xi32>
        %gather3A_813 = vector.shape_cast %broadcast_in_dim3A_812 : vector<16x1xi32> to vector<16xi32>
        %gather3A_814 = tpu.dynamic_gather %add3A_811[%gather3A_813] in [0] : vector<16xf32>, vector<16xi32> -> vector<16xf32>
        %add3A_815 = arith.addf %add3A_811, %gather3A_814 : vector<16xf32>
        %broadcast_in_dim3A_816 = vector.shape_cast %xor3A_46 : vector<16xi32> to vector<16x1xi32>
        %gather3A_817 = vector.shape_cast %broadcast_in_dim3A_816 : vector<16x1xi32> to vector<16xi32>
        %gather3A_818 = tpu.dynamic_gather %add3A_815[%gather3A_817] in [0] : vector<16xf32>, vector<16xi32> -> vector<16xf32>
        %add3A_819 = arith.addf %add3A_815, %gather3A_818 : vector<16xf32>
        %broadcast_in_dim3A_820 = vector.shape_cast %xor3A_49 : vector<16xi32> to vector<16x1xi32>
        %gather3A_821 = vector.shape_cast %broadcast_in_dim3A_820 : vector<16x1xi32> to vector<16xi32>
        %gather3A_822 = tpu.dynamic_gather %add3A_819[%gather3A_821] in [0] : vector<16xf32>, vector<16xi32> -> vector<16xf32>
        %add3A_823 = arith.addf %add3A_819, %gather3A_822 : vector<16xf32>
        %mul3A_824 = arith.constant 1.562500e-02 : f32
        %mul3A_825 = vector.broadcast %mul3A_824 : f32 to vector<16xf32>
        %mul3A_826 = arith.mulf %add3A_823, %mul3A_825 : vector<16xf32>
        %mul3A_827 = arith.mulf %mul3A_807, %mul3A_807 : vector<16xf32>
        %sub3A = arith.subf %mul3A_826, %mul3A_827 : vector<16xf32>
        %add3A_828 = arith.constant 9.99999974E-6 : f32
        %add3A_829 = vector.broadcast %add3A_828 : f32 to vector<16xf32>
        %add3A_830 = arith.addf %sub3A, %add3A_829 : vector<16xf32>
        %bitcast_convert_type3A = tpu.bitcast %add3A_830 : vector<16xf32> -> vector<16xi32>
        %shift_right_logical3A = arith.constant 1 : i32
        %shift_right_logical3A_831 = vector.broadcast %shift_right_logical3A : i32 to vector<16xi32>
        %shift_right_logical3A_832 = arith.shrui %bitcast_convert_type3A, %shift_right_logical3A_831 : vector<16xi32>
        %sub3A_833 = arith.constant 1597463007 : i32
        %sub3A_834 = vector.broadcast %sub3A_833 : i32 to vector<16xi32>
        %sub3A_835 = arith.subi %sub3A_834, %shift_right_logical3A_832 : vector<16xi32>
        %bitcast_convert_type3A_836 = tpu.bitcast %sub3A_835 : vector<16xi32> -> vector<16xf32>
        %mul3A_837 = arith.constant 5.000000e-01 : f32
        %mul3A_838 = vector.broadcast %mul3A_837 : f32 to vector<16xf32>
        %mul3A_839 = arith.mulf %add3A_830, %mul3A_838 : vector<16xf32>
        %mul3A_840 = arith.mulf %mul3A_839, %bitcast_convert_type3A_836 : vector<16xf32>
        %mul3A_841 = arith.mulf %mul3A_840, %bitcast_convert_type3A_836 : vector<16xf32>
        %sub3A_842 = arith.constant 1.500000e+00 : f32
        %sub3A_843 = vector.broadcast %sub3A_842 : f32 to vector<16xf32>
        %sub3A_844 = arith.subf %sub3A_843, %mul3A_841 : vector<16xf32>
        %mul3A_845 = arith.mulf %bitcast_convert_type3A_836, %sub3A_844 : vector<16xf32>
        %mul3A_846 = arith.mulf %mul3A_839, %mul3A_845 : vector<16xf32>
        %mul3A_847 = arith.mulf %mul3A_846, %mul3A_845 : vector<16xf32>
        %sub3A_848 = arith.constant 1.500000e+00 : f32
        %sub3A_849 = vector.broadcast %sub3A_848 : f32 to vector<16xf32>
        %sub3A_850 = arith.subf %sub3A_849, %mul3A_847 : vector<16xf32>
        %mul3A_851 = arith.mulf %mul3A_845, %sub3A_850 : vector<16xf32>
        %sub3A_852 = arith.subf %get3A_758, %mul3A_807 : vector<16xf32>
        %mul3A_853 = arith.mulf %mul3A_851, %get3A_4 : vector<16xf32>
        %mul3A_854 = arith.mulf %sub3A_852, %mul3A_853 : vector<16xf32>
        %add3A_855 = arith.addf %mul3A_854, %get3A_20 : vector<16xf32>
        %swap3A_856 = arith.constant 0 : i32
        %swap3A_857 = arith.constant 0 : i32
        %swap3A_858 = tpu.memref_slice %arg10[%rem3A_501, %swap3A_856, %swap3A_857] : memref<3x512x64xf32, #tpu.memory_space<vmem>> -> memref<1x512x64xf32, #tpu.memory_space<vmem>>
        %swap3A_859 = tpu.memref_squeeze %swap3A_858 : memref<1x512x64xf32, #tpu.memory_space<vmem>> -> memref<512x64xf32, #tpu.memory_space<vmem>>
        %swap3A_860 = arith.index_cast %mul3A_751 : i32 to index
        %swap3A_861 = arith.constant 0 : index
        %swap3A_862 = tpu.vector_load %swap3A_859[%swap3A_860, %swap3A_861] {strides = array<i32>} : memref<512x64xf32, #tpu.memory_space<vmem>>, vector<16xf32>,
        tpu.vector_store %swap3A_859[%swap3A_860, %swap3A_861], %add3A_855 {strides = array<i32>} : memref<512x64xf32, #tpu.memory_space<vmem>>, vector<16xf32>,
        %sub3A_863 = arith.subf %get3A_765, %mul3A_807 : vector<16xf32>
        %mul3A_864 = arith.mulf %mul3A_851, %get3A_8 : vector<16xf32>
        %mul3A_865 = arith.mulf %sub3A_863, %mul3A_864 : vector<16xf32>
        %add3A_866 = arith.addf %mul3A_865, %get3A_24 : vector<16xf32>
        %swap3A_867 = arith.constant 0 : i32
        %swap3A_868 = arith.constant 0 : i32
        %swap3A_869 = tpu.memref_slice %arg10[%rem3A_501, %swap3A_867, %swap3A_868] : memref<3x512x64xf32, #tpu.memory_space<vmem>> -> memref<1x512x64xf32, #tpu.memory_space<vmem>>
        %swap3A_870 = tpu.memref_squeeze %swap3A_869 : memref<1x512x64xf32, #tpu.memory_space<vmem>> -> memref<512x64xf32, #tpu.memory_space<vmem>>
        %swap3A_871 = arith.index_cast %mul3A_751 : i32 to index
        %swap3A_872 = arith.constant 16 : index
        %swap3A_873 = tpu.vector_load %swap3A_870[%swap3A_871, %swap3A_872] {strides = array<i32>} : memref<512x64xf32, #tpu.memory_space<vmem>>, vector<16xf32>,
        tpu.vector_store %swap3A_870[%swap3A_871, %swap3A_872], %add3A_866 {strides = array<i32>} : memref<512x64xf32, #tpu.memory_space<vmem>>, vector<16xf32>,
        %sub3A_874 = arith.subf %get3A_772, %mul3A_807 : vector<16xf32>
        %mul3A_875 = arith.mulf %mul3A_851, %get3A_12 : vector<16xf32>
        %mul3A_876 = arith.mulf %sub3A_874, %mul3A_875 : vector<16xf32>
        %add3A_877 = arith.addf %mul3A_876, %get3A_28 : vector<16xf32>
        %swap3A_878 = arith.constant 0 : i32
        %swap3A_879 = arith.constant 0 : i32
        %swap3A_880 = tpu.memref_slice %arg10[%rem3A_501, %swap3A_878, %swap3A_879] : memref<3x512x64xf32, #tpu.memory_space<vmem>> -> memref<1x512x64xf32, #tpu.memory_space<vmem>>
        %swap3A_881 = tpu.memref_squeeze %swap3A_880 : memref<1x512x64xf32, #tpu.memory_space<vmem>> -> memref<512x64xf32, #tpu.memory_space<vmem>>
        %swap3A_882 = arith.index_cast %mul3A_751 : i32 to index
        %swap3A_883 = arith.constant 32 : index
        %swap3A_884 = tpu.vector_load %swap3A_881[%swap3A_882, %swap3A_883] {strides = array<i32>} : memref<512x64xf32, #tpu.memory_space<vmem>>, vector<16xf32>,
        tpu.vector_store %swap3A_881[%swap3A_882, %swap3A_883], %add3A_877 {strides = array<i32>} : memref<512x64xf32, #tpu.memory_space<vmem>>, vector<16xf32>,
        %sub3A_885 = arith.subf %get3A_779, %mul3A_807 : vector<16xf32>
        %mul3A_886 = arith.mulf %mul3A_851, %get3A_16 : vector<16xf32>
        %mul3A_887 = arith.mulf %sub3A_885, %mul3A_886 : vector<16xf32>
        %add3A_888 = arith.addf %mul3A_887, %get3A_32 : vector<16xf32>
        %swap3A_889 = arith.constant 0 : i32
        %swap3A_890 = arith.constant 0 : i32
        %swap3A_891 = tpu.memref_slice %arg10[%rem3A_501, %swap3A_889, %swap3A_890] : memref<3x512x64xf32, #tpu.memory_space<vmem>> -> memref<1x512x64xf32, #tpu.memory_space<vmem>>
        %swap3A_892 = tpu.memref_squeeze %swap3A_891 : memref<1x512x64xf32, #tpu.memory_space<vmem>> -> memref<512x64xf32, #tpu.memory_space<vmem>>
        %swap3A_893 = arith.index_cast %mul3A_751 : i32 to index
        %swap3A_894 = arith.constant 48 : index
        %swap3A_895 = tpu.vector_load %swap3A_892[%swap3A_893, %swap3A_894] {strides = array<i32>} : memref<512x64xf32, #tpu.memory_space<vmem>>, vector<16xf32>,
        tpu.vector_store %swap3A_892[%swap3A_893, %swap3A_894], %add3A_888 {strides = array<i32>} : memref<512x64xf32, #tpu.memory_space<vmem>>, vector<16xf32>,
        %scan3A_896 = arith.constant 1 : i32
        %scan3A_897 = arith.addi %scan3A_749, %scan3A_896 : i32
        %mul3A_898 = arith.constant 2 : i32
        %mul3A_899 = arith.muli %scan3A_897, %mul3A_898 : i32
        %get3A_900 = arith.constant 0 : i32
        %get3A_901 = arith.constant 0 : i32
        %get3A_902 = tpu.memref_slice %arg10[%rem3A_501, %get3A_900, %get3A_901] : memref<3x512x64xf32, #tpu.memory_space<vmem>> -> memref<1x512x64xf32, #tpu.memory_space<vmem>>
        %get3A_903 = tpu.memref_squeeze %get3A_902 : memref<1x512x64xf32, #tpu.memory_space<vmem>> -> memref<512x64xf32, #tpu.memory_space<vmem>>
        %get3A_904 = arith.index_cast %mul3A_899 : i32 to index
        %get3A_905 = arith.constant 0 : index
        %get3A_906 = tpu.vector_load %get3A_903[%get3A_904, %get3A_905] {strides = array<i32>} : memref<512x64xf32, #tpu.memory_space<vmem>>, vector<16xf32>,
        %get3A_907 = arith.constant 0 : i32
        %get3A_908 = arith.constant 0 : i32
        %get3A_909 = tpu.memref_slice %arg10[%rem3A_501, %get3A_907, %get3A_908] : memref<3x512x64xf32, #tpu.memory_space<vmem>> -> memref<1x512x64xf32, #tpu.memory_space<vmem>>
        %get3A_910 = tpu.memref_squeeze %get3A_909 : memref<1x512x64xf32, #tpu.memory_space<vmem>> -> memref<512x64xf32, #tpu.memory_space<vmem>>
        %get3A_911 = arith.index_cast %mul3A_899 : i32 to index
        %get3A_912 = arith.constant 16 : index
        %get3A_913 = tpu.vector_load %get3A_910[%get3A_911, %get3A_912] {strides = array<i32>} : memref<512x64xf32, #tpu.memory_space<vmem>>, vector<16xf32>,
        %get3A_914 = arith.constant 0 : i32
        %get3A_915 = arith.constant 0 : i32
        %get3A_916 = tpu.memref_slice %arg10[%rem3A_501, %get3A_914, %get3A_915] : memref<3x512x64xf32, #tpu.memory_space<vmem>> -> memref<1x512x64xf32, #tpu.memory_space<vmem>>
        %get3A_917 = tpu.memref_squeeze %get3A_916 : memref<1x512x64xf32, #tpu.memory_space<vmem>> -> memref<512x64xf32, #tpu.memory_space<vmem>>
        %get3A_918 = arith.index_cast %mul3A_899 : i32 to index
        %get3A_919 = arith.constant 32 : index
        %get3A_920 = tpu.vector_load %get3A_917[%get3A_918, %get3A_919] {strides = array<i32>} : memref<512x64xf32, #tpu.memory_space<vmem>>, vector<16xf32>,
        %get3A_921 = arith.constant 0 : i32
        %get3A_922 = arith.constant 0 : i32
        %get3A_923 = tpu.memref_slice %arg10[%rem3A_501, %get3A_921, %get3A_922] : memref<3x512x64xf32, #tpu.memory_space<vmem>> -> memref<1x512x64xf32, #tpu.memory_space<vmem>>
        %get3A_924 = tpu.memref_squeeze %get3A_923 : memref<1x512x64xf32, #tpu.memory_space<vmem>> -> memref<512x64xf32, #tpu.memory_space<vmem>>
        %get3A_925 = arith.index_cast %mul3A_899 : i32 to index
        %get3A_926 = arith.constant 48 : index
        %get3A_927 = tpu.vector_load %get3A_924[%get3A_925, %get3A_926] {strides = array<i32>} : memref<512x64xf32, #tpu.memory_space<vmem>>, vector<16xf32>,
        %add3A_928 = arith.addf %get3A_906, %get3A_913 : vector<16xf32>
        %add3A_929 = arith.addf %get3A_920, %get3A_927 : vector<16xf32>
        %add3A_930 = arith.addf %add3A_928, %add3A_929 : vector<16xf32>
        %mul3A_931 = arith.mulf %get3A_906, %get3A_906 : vector<16xf32>
        %mul3A_932 = arith.mulf %get3A_913, %get3A_913 : vector<16xf32>
        %add3A_933 = arith.addf %mul3A_931, %mul3A_932 : vector<16xf32>
        %mul3A_934 = arith.mulf %get3A_920, %get3A_920 : vector<16xf32>
        %mul3A_935 = arith.mulf %get3A_927, %get3A_927 : vector<16xf32>
        %add3A_936 = arith.addf %mul3A_934, %mul3A_935 : vector<16xf32>
        %add3A_937 = arith.addf %add3A_933, %add3A_936 : vector<16xf32>
        %broadcast_in_dim3A_938 = vector.shape_cast %xor3A_40 : vector<16xi32> to vector<16x1xi32>
        %gather3A_939 = vector.shape_cast %broadcast_in_dim3A_938 : vector<16x1xi32> to vector<16xi32>
        %gather3A_940 = tpu.dynamic_gather %add3A_930[%gather3A_939] in [0] : vector<16xf32>, vector<16xi32> -> vector<16xf32>
        %add3A_941 = arith.addf %add3A_930, %gather3A_940 : vector<16xf32>
        %broadcast_in_dim3A_942 = vector.shape_cast %xor3A_43 : vector<16xi32> to vector<16x1xi32>
        %gather3A_943 = vector.shape_cast %broadcast_in_dim3A_942 : vector<16x1xi32> to vector<16xi32>
        %gather3A_944 = tpu.dynamic_gather %add3A_941[%gather3A_943] in [0] : vector<16xf32>, vector<16xi32> -> vector<16xf32>
        %add3A_945 = arith.addf %add3A_941, %gather3A_944 : vector<16xf32>
        %broadcast_in_dim3A_946 = vector.shape_cast %xor3A_46 : vector<16xi32> to vector<16x1xi32>
        %gather3A_947 = vector.shape_cast %broadcast_in_dim3A_946 : vector<16x1xi32> to vector<16xi32>
        %gather3A_948 = tpu.dynamic_gather %add3A_945[%gather3A_947] in [0] : vector<16xf32>, vector<16xi32> -> vector<16xf32>
        %add3A_949 = arith.addf %add3A_945, %gather3A_948 : vector<16xf32>
        %broadcast_in_dim3A_950 = vector.shape_cast %xor3A_49 : vector<16xi32> to vector<16x1xi32>
        %gather3A_951 = vector.shape_cast %broadcast_in_dim3A_950 : vector<16x1xi32> to vector<16xi32>
        %gather3A_952 = tpu.dynamic_gather %add3A_949[%gather3A_951] in [0] : vector<16xf32>, vector<16xi32> -> vector<16xf32>
        %add3A_953 = arith.addf %add3A_949, %gather3A_952 : vector<16xf32>
        %mul3A_954 = arith.constant 1.562500e-02 : f32
        %mul3A_955 = vector.broadcast %mul3A_954 : f32 to vector<16xf32>
        %mul3A_956 = arith.mulf %add3A_953, %mul3A_955 : vector<16xf32>
        %broadcast_in_dim3A_957 = vector.shape_cast %xor3A_40 : vector<16xi32> to vector<16x1xi32>
        %gather3A_958 = vector.shape_cast %broadcast_in_dim3A_957 : vector<16x1xi32> to vector<16xi32>
        %gather3A_959 = tpu.dynamic_gather %add3A_937[%gather3A_958] in [0] : vector<16xf32>, vector<16xi32> -> vector<16xf32>
        %add3A_960 = arith.addf %add3A_937, %gather3A_959 : vector<16xf32>
        %broadcast_in_dim3A_961 = vector.shape_cast %xor3A_43 : vector<16xi32> to vector<16x1xi32>
        %gather3A_962 = vector.shape_cast %broadcast_in_dim3A_961 : vector<16x1xi32> to vector<16xi32>
        %gather3A_963 = tpu.dynamic_gather %add3A_960[%gather3A_962] in [0] : vector<16xf32>, vector<16xi32> -> vector<16xf32>
        %add3A_964 = arith.addf %add3A_960, %gather3A_963 : vector<16xf32>
        %broadcast_in_dim3A_965 = vector.shape_cast %xor3A_46 : vector<16xi32> to vector<16x1xi32>
        %gather3A_966 = vector.shape_cast %broadcast_in_dim3A_965 : vector<16x1xi32> to vector<16xi32>
        %gather3A_967 = tpu.dynamic_gather %add3A_964[%gather3A_966] in [0] : vector<16xf32>, vector<16xi32> -> vector<16xf32>
        %add3A_968 = arith.addf %add3A_964, %gather3A_967 : vector<16xf32>
        %broadcast_in_dim3A_969 = vector.shape_cast %xor3A_49 : vector<16xi32> to vector<16x1xi32>
        %gather3A_970 = vector.shape_cast %broadcast_in_dim3A_969 : vector<16x1xi32> to vector<16xi32>
        %gather3A_971 = tpu.dynamic_gather %add3A_968[%gather3A_970] in [0] : vector<16xf32>, vector<16xi32> -> vector<16xf32>
        %add3A_972 = arith.addf %add3A_968, %gather3A_971 : vector<16xf32>
        %mul3A_973 = arith.constant 1.562500e-02 : f32
        %mul3A_974 = vector.broadcast %mul3A_973 : f32 to vector<16xf32>
        %mul3A_975 = arith.mulf %add3A_972, %mul3A_974 : vector<16xf32>
        %mul3A_976 = arith.mulf %mul3A_956, %mul3A_956 : vector<16xf32>
        %sub3A_977 = arith.subf %mul3A_975, %mul3A_976 : vector<16xf32>
        %add3A_978 = arith.constant 9.99999974E-6 : f32
        %add3A_979 = vector.broadcast %add3A_978 : f32 to vector<16xf32>
        %add3A_980 = arith.addf %sub3A_977, %add3A_979 : vector<16xf32>
        %bitcast_convert_type3A_981 = tpu.bitcast %add3A_980 : vector<16xf32> -> vector<16xi32>
        %shift_right_logical3A_982 = arith.constant 1 : i32
        %shift_right_logical3A_983 = vector.broadcast %shift_right_logical3A_982 : i32 to vector<16xi32>
        %shift_right_logical3A_984 = arith.shrui %bitcast_convert_type3A_981, %shift_right_logical3A_983 : vector<16xi32>
        %sub3A_985 = arith.constant 1597463007 : i32
        %sub3A_986 = vector.broadcast %sub3A_985 : i32 to vector<16xi32>
        %sub3A_987 = arith.subi %sub3A_986, %shift_right_logical3A_984 : vector<16xi32>
        %bitcast_convert_type3A_988 = tpu.bitcast %sub3A_987 : vector<16xi32> -> vector<16xf32>
        %mul3A_989 = arith.constant 5.000000e-01 : f32
        %mul3A_990 = vector.broadcast %mul3A_989 : f32 to vector<16xf32>
        %mul3A_991 = arith.mulf %add3A_980, %mul3A_990 : vector<16xf32>
        %mul3A_992 = arith.mulf %mul3A_991, %bitcast_convert_type3A_988 : vector<16xf32>
        %mul3A_993 = arith.mulf %mul3A_992, %bitcast_convert_type3A_988 : vector<16xf32>
        %sub3A_994 = arith.constant 1.500000e+00 : f32
        %sub3A_995 = vector.broadcast %sub3A_994 : f32 to vector<16xf32>
        %sub3A_996 = arith.subf %sub3A_995, %mul3A_993 : vector<16xf32>
        %mul3A_997 = arith.mulf %bitcast_convert_type3A_988, %sub3A_996 : vector<16xf32>
        %mul3A_998 = arith.mulf %mul3A_991, %mul3A_997 : vector<16xf32>
        %mul3A_999 = arith.mulf %mul3A_998, %mul3A_997 : vector<16xf32>
        %sub3A_1000 = arith.constant 1.500000e+00 : f32
        %sub3A_1001 = vector.broadcast %sub3A_1000 : f32 to vector<16xf32>
        %sub3A_1002 = arith.subf %sub3A_1001, %mul3A_999 : vector<16xf32>
        %mul3A_1003 = arith.mulf %mul3A_997, %sub3A_1002 : vector<16xf32>
        %sub3A_1004 = arith.subf %get3A_906, %mul3A_956 : vector<16xf32>
        %mul3A_1005 = arith.mulf %mul3A_1003, %get3A_4 : vector<16xf32>
        %mul3A_1006 = arith.mulf %sub3A_1004, %mul3A_1005 : vector<16xf32>
        %add3A_1007 = arith.addf %mul3A_1006, %get3A_20 : vector<16xf32>
        %swap3A_1008 = arith.constant 0 : i32
        %swap3A_1009 = arith.constant 0 : i32
        %swap3A_1010 = tpu.memref_slice %arg10[%rem3A_501, %swap3A_1008, %swap3A_1009] : memref<3x512x64xf32, #tpu.memory_space<vmem>> -> memref<1x512x64xf32, #tpu.memory_space<vmem>>
        %swap3A_1011 = tpu.memref_squeeze %swap3A_1010 : memref<1x512x64xf32, #tpu.memory_space<vmem>> -> memref<512x64xf32, #tpu.memory_space<vmem>>
        %swap3A_1012 = arith.index_cast %mul3A_899 : i32 to index
        %swap3A_1013 = arith.constant 0 : index
        %swap3A_1014 = tpu.vector_load %swap3A_1011[%swap3A_1012, %swap3A_1013] {strides = array<i32>} : memref<512x64xf32, #tpu.memory_space<vmem>>, vector<16xf32>,
        tpu.vector_store %swap3A_1011[%swap3A_1012, %swap3A_1013], %add3A_1007 {strides = array<i32>} : memref<512x64xf32, #tpu.memory_space<vmem>>, vector<16xf32>,
        %sub3A_1015 = arith.subf %get3A_913, %mul3A_956 : vector<16xf32>
        %mul3A_1016 = arith.mulf %mul3A_1003, %get3A_8 : vector<16xf32>
        %mul3A_1017 = arith.mulf %sub3A_1015, %mul3A_1016 : vector<16xf32>
        %add3A_1018 = arith.addf %mul3A_1017, %get3A_24 : vector<16xf32>
        %swap3A_1019 = arith.constant 0 : i32
        %swap3A_1020 = arith.constant 0 : i32
        %swap3A_1021 = tpu.memref_slice %arg10[%rem3A_501, %swap3A_1019, %swap3A_1020] : memref<3x512x64xf32, #tpu.memory_space<vmem>> -> memref<1x512x64xf32, #tpu.memory_space<vmem>>
        %swap3A_1022 = tpu.memref_squeeze %swap3A_1021 : memref<1x512x64xf32, #tpu.memory_space<vmem>> -> memref<512x64xf32, #tpu.memory_space<vmem>>
        %swap3A_1023 = arith.index_cast %mul3A_899 : i32 to index
        %swap3A_1024 = arith.constant 16 : index
        %swap3A_1025 = tpu.vector_load %swap3A_1022[%swap3A_1023, %swap3A_1024] {strides = array<i32>} : memref<512x64xf32, #tpu.memory_space<vmem>>, vector<16xf32>,
        tpu.vector_store %swap3A_1022[%swap3A_1023, %swap3A_1024], %add3A_1018 {strides = array<i32>} : memref<512x64xf32, #tpu.memory_space<vmem>>, vector<16xf32>,
        %sub3A_1026 = arith.subf %get3A_920, %mul3A_956 : vector<16xf32>
        %mul3A_1027 = arith.mulf %mul3A_1003, %get3A_12 : vector<16xf32>
        %mul3A_1028 = arith.mulf %sub3A_1026, %mul3A_1027 : vector<16xf32>
        %add3A_1029 = arith.addf %mul3A_1028, %get3A_28 : vector<16xf32>
        %swap3A_1030 = arith.constant 0 : i32
        %swap3A_1031 = arith.constant 0 : i32
        %swap3A_1032 = tpu.memref_slice %arg10[%rem3A_501, %swap3A_1030, %swap3A_1031] : memref<3x512x64xf32, #tpu.memory_space<vmem>> -> memref<1x512x64xf32, #tpu.memory_space<vmem>>
        %swap3A_1033 = tpu.memref_squeeze %swap3A_1032 : memref<1x512x64xf32, #tpu.memory_space<vmem>> -> memref<512x64xf32, #tpu.memory_space<vmem>>
        %swap3A_1034 = arith.index_cast %mul3A_899 : i32 to index
        %swap3A_1035 = arith.constant 32 : index
        %swap3A_1036 = tpu.vector_load %swap3A_1033[%swap3A_1034, %swap3A_1035] {strides = array<i32>} : memref<512x64xf32, #tpu.memory_space<vmem>>, vector<16xf32>,
        tpu.vector_store %swap3A_1033[%swap3A_1034, %swap3A_1035], %add3A_1029 {strides = array<i32>} : memref<512x64xf32, #tpu.memory_space<vmem>>, vector<16xf32>,
        %sub3A_1037 = arith.subf %get3A_927, %mul3A_956 : vector<16xf32>
        %mul3A_1038 = arith.mulf %mul3A_1003, %get3A_16 : vector<16xf32>
        %mul3A_1039 = arith.mulf %sub3A_1037, %mul3A_1038 : vector<16xf32>
        %add3A_1040 = arith.addf %mul3A_1039, %get3A_32 : vector<16xf32>
        %swap3A_1041 = arith.constant 0 : i32
        %swap3A_1042 = arith.constant 0 : i32
        %swap3A_1043 = tpu.memref_slice %arg10[%rem3A_501, %swap3A_1041, %swap3A_1042] : memref<3x512x64xf32, #tpu.memory_space<vmem>> -> memref<1x512x64xf32, #tpu.memory_space<vmem>>
        %swap3A_1044 = tpu.memref_squeeze %swap3A_1043 : memref<1x512x64xf32, #tpu.memory_space<vmem>> -> memref<512x64xf32, #tpu.memory_space<vmem>>
        %swap3A_1045 = arith.index_cast %mul3A_899 : i32 to index
        %swap3A_1046 = arith.constant 48 : index
        %swap3A_1047 = tpu.vector_load %swap3A_1044[%swap3A_1045, %swap3A_1046] {strides = array<i32>} : memref<512x64xf32, #tpu.memory_space<vmem>>, vector<16xf32>,
        tpu.vector_store %swap3A_1044[%swap3A_1045, %swap3A_1046], %add3A_1040 {strides = array<i32>} : memref<512x64xf32, #tpu.memory_space<vmem>>, vector<16xf32>,
      }
      %scan3A_716 = arith.constant 256 : i32
      %mul3A_717 = arith.constant 25600 : i32
      %mul3A_718 = arith.muli %add3A, %mul3A_717 : i32
      %mul3A_719 = arith.constant 256 : i32
      %mul3A_720 = arith.muli %scan3A_498, %mul3A_719 : i32
      %add3A_721 = arith.addi %mul3A_718, %mul3A_720 : i32
      %mul3A_722 = arith.constant 2 : i32
      %mul3A_723 = arith.muli %mul3A_722, %add3A_721 : i32
      %dma_start3A_724 = arith.constant 0 : i32
      %dma_start3A_725 = arith.constant 0 : i32
      %dma_start3A_726 = tpu.memref_slice %arg10[%rem3A_501, %dma_start3A_724, %dma_start3A_725] : memref<3x512x64xf32, #tpu.memory_space<vmem>> -> memref<1x512x64xf32, #tpu.memory_space<vmem>>
      %dma_start3A_727 = tpu.memref_squeeze %dma_start3A_726 : memref<1x512x64xf32, #tpu.memory_space<vmem>> -> memref<512x64xf32, #tpu.memory_space<vmem>>
      %dma_start3A_728 = arith.constant 0 : i32
      %dma_start3A_729 = tpu.memref_slice %arg6[%mul3A_723, %dma_start3A_728] : memref<1638400x64xf32, #tpu.memory_space<hbm>> -> memref<512x64xf32, #tpu.memory_space<hbm>>
      %dma_start3A_730 = tpu.memref_slice %arg14[%rem3A_501] : memref<3x!tpu.dma_semaphore, #tpu.memory_space<semaphore_mem>> -> memref<1x!tpu.dma_semaphore, #tpu.memory_space<semaphore_mem>>
      %dma_start3A_731 = tpu.memref_squeeze %dma_start3A_730 : memref<1x!tpu.dma_semaphore, #tpu.memory_space<semaphore_mem>> -> memref<!tpu.dma_semaphore, #tpu.memory_space<semaphore_mem>>
      %dma_start3A_732 = arith.constant 0 : i32
      %dma_start3A_733 = tpu.memref_slice %arg6[%mul3A_723, %dma_start3A_732] : memref<1638400x64xf32, #tpu.memory_space<hbm>> -> memref<512x64xf32, #tpu.memory_space<hbm>>
      %dma_start3A_734 = arith.constant 0 : i32
      %dma_start3A_735 = arith.constant 0 : i32
      %dma_start3A_736 = tpu.memref_slice %arg10[%rem3A_501, %dma_start3A_734, %dma_start3A_735] : memref<3x512x64xf32, #tpu.memory_space<vmem>> -> memref<1x512x64xf32, #tpu.memory_space<vmem>>
      %dma_start3A_737 = tpu.memref_squeeze %dma_start3A_736 : memref<1x512x64xf32, #tpu.memory_space<vmem>> -> memref<512x64xf32, #tpu.memory_space<vmem>>
      tpu.enqueue_dma source(%dma_start3A_737 : memref<512x64xf32, #tpu.memory_space<vmem>>) target(%dma_start3A_733 : memref<512x64xf32, #tpu.memory_space<hbm>>) target_semaphore(%dma_start3A_731 : memref<!tpu.dma_semaphore, #tpu.memory_space<semaphore_mem>>)
      %dma_start3A_738 = arith.constant 0 : i32
      %dma_start3A_739 = tpu.memref_slice %arg11[%rem3A_501, %dma_start3A_738] : memref<3x256xi32, #tpu.memory_space<vmem>> -> memref<1x256xi32, #tpu.memory_space<vmem>>
      %dma_start3A_740 = tpu.memref_squeeze %dma_start3A_739 : memref<1x256xi32, #tpu.memory_space<vmem>> -> memref<256xi32, #tpu.memory_space<vmem>>
      %dma_start3A_741 = tpu.memref_slice %arg7[%add3A_721] : memref<819200xi32, #tpu.memory_space<hbm>> -> memref<256xi32, #tpu.memory_space<hbm>>
      %dma_start3A_742 = tpu.memref_slice %arg14[%rem3A_501] : memref<3x!tpu.dma_semaphore, #tpu.memory_space<semaphore_mem>> -> memref<1x!tpu.dma_semaphore, #tpu.memory_space<semaphore_mem>>
      %dma_start3A_743 = tpu.memref_squeeze %dma_start3A_742 : memref<1x!tpu.dma_semaphore, #tpu.memory_space<semaphore_mem>> -> memref<!tpu.dma_semaphore, #tpu.memory_space<semaphore_mem>>
      %dma_start3A_744 = tpu.memref_slice %arg7[%add3A_721] : memref<819200xi32, #tpu.memory_space<hbm>> -> memref<256xi32, #tpu.memory_space<hbm>>
      %dma_start3A_745 = arith.constant 0 : i32
      %dma_start3A_746 = tpu.memref_slice %arg11[%rem3A_501, %dma_start3A_745] : memref<3x256xi32, #tpu.memory_space<vmem>> -> memref<1x256xi32, #tpu.memory_space<vmem>>
      %dma_start3A_747 = tpu.memref_squeeze %dma_start3A_746 : memref<1x256xi32, #tpu.memory_space<vmem>> -> memref<256xi32, #tpu.memory_space<vmem>>
      tpu.enqueue_dma source(%dma_start3A_747 : memref<256xi32, #tpu.memory_space<vmem>>) target(%dma_start3A_744 : memref<256xi32, #tpu.memory_space<hbm>>) target_semaphore(%dma_start3A_743 : memref<!tpu.dma_semaphore, #tpu.memory_space<semaphore_mem>>)
      %scan3A_748 = arith.constant 0 : i32
      scf.yield %scan3A_748 : i32
    }
    %scan3A_406 = arith.constant 100 : i32
    %rem3A = arith.constant 97 : i32
    %rem3A_407 = arith.constant 3 : i32
    %rem3A_408 = arith.remsi %rem3A, %rem3A_407 : i32
    %dma_wait3A = arith.constant 0 : i32
    %dma_wait3A_409 = arith.constant 0 : i32
    %dma_wait3A_410 = tpu.memref_slice %arg10[%rem3A_408, %dma_wait3A, %dma_wait3A_409] : memref<3x512x64xf32, #tpu.memory_space<vmem>> -> memref<1x512x64xf32, #tpu.memory_space<vmem>>
    %dma_wait3A_411 = tpu.memref_squeeze %dma_wait3A_410 : memref<1x512x64xf32, #tpu.memory_space<vmem>> -> memref<512x64xf32, #tpu.memory_space<vmem>>
    %dma_wait3A_412 = arith.constant 0 : i32
    %dma_wait3A_413 = arith.constant 0 : i32
    %dma_wait3A_414 = tpu.memref_slice %arg6[%dma_wait3A_412, %dma_wait3A_413] : memref<1638400x64xf32, #tpu.memory_space<hbm>> -> memref<512x64xf32, #tpu.memory_space<hbm>>
    %dma_wait3A_415 = tpu.memref_slice %arg14[%rem3A_408] : memref<3x!tpu.dma_semaphore, #tpu.memory_space<semaphore_mem>> -> memref<1x!tpu.dma_semaphore, #tpu.memory_space<semaphore_mem>>
    %dma_wait3A_416 = tpu.memref_squeeze %dma_wait3A_415 : memref<1x!tpu.dma_semaphore, #tpu.memory_space<semaphore_mem>> -> memref<!tpu.dma_semaphore, #tpu.memory_space<semaphore_mem>>
    %dma_wait3A_417 = arith.constant 0 : i32
    %dma_wait3A_418 = arith.constant 0 : i32
    %dma_wait3A_419 = tpu.memref_slice %arg6[%dma_wait3A_417, %dma_wait3A_418] : memref<1638400x64xf32, #tpu.memory_space<hbm>> -> memref<512x64xf32, #tpu.memory_space<hbm>>
    %dma_wait3A_420 = arith.constant 0 : i32
    %dma_wait3A_421 = arith.constant 0 : i32
    %dma_wait3A_422 = tpu.memref_slice %arg10[%rem3A_408, %dma_wait3A_420, %dma_wait3A_421] : memref<3x512x64xf32, #tpu.memory_space<vmem>> -> memref<1x512x64xf32, #tpu.memory_space<vmem>>
    %dma_wait3A_423 = tpu.memref_squeeze %dma_wait3A_422 : memref<1x512x64xf32, #tpu.memory_space<vmem>> -> memref<512x64xf32, #tpu.memory_space<vmem>>
    tpu.wait_dma2 semaphore(%dma_wait3A_416 : memref<!tpu.dma_semaphore, #tpu.memory_space<semaphore_mem>>) src(%dma_wait3A_423 : memref<512x64xf32, #tpu.memory_space<vmem>>) dst(%dma_wait3A_419 : memref<512x64xf32, #tpu.memory_space<hbm>>)
    %dma_wait3A_424 = arith.constant 0 : i32
    %dma_wait3A_425 = tpu.memref_slice %arg11[%rem3A_408, %dma_wait3A_424] : memref<3x256xi32, #tpu.memory_space<vmem>> -> memref<1x256xi32, #tpu.memory_space<vmem>>
    %dma_wait3A_426 = tpu.memref_squeeze %dma_wait3A_425 : memref<1x256xi32, #tpu.memory_space<vmem>> -> memref<256xi32, #tpu.memory_space<vmem>>
    %dma_wait3A_427 = arith.constant 0 : i32
    %dma_wait3A_428 = tpu.memref_slice %arg7[%dma_wait3A_427] : memref<819200xi32, #tpu.memory_space<hbm>> -> memref<256xi32, #tpu.memory_space<hbm>>
    %dma_wait3A_429 = tpu.memref_slice %arg14[%rem3A_408] : memref<3x!tpu.dma_semaphore, #tpu.memory_space<semaphore_mem>> -> memref<1x!tpu.dma_semaphore, #tpu.memory_space<semaphore_mem>>
    %dma_wait3A_430 = tpu.memref_squeeze %dma_wait3A_429 : memref<1x!tpu.dma_semaphore, #tpu.memory_space<semaphore_mem>> -> memref<!tpu.dma_semaphore, #tpu.memory_space<semaphore_mem>>
    %dma_wait3A_431 = arith.constant 0 : i32
    %dma_wait3A_432 = tpu.memref_slice %arg7[%dma_wait3A_431] : memref<819200xi32, #tpu.memory_space<hbm>> -> memref<256xi32, #tpu.memory_space<hbm>>
    %dma_wait3A_433 = arith.constant 0 : i32
    %dma_wait3A_434 = tpu.memref_slice %arg11[%rem3A_408, %dma_wait3A_433] : memref<3x256xi32, #tpu.memory_space<vmem>> -> memref<1x256xi32, #tpu.memory_space<vmem>>
    %dma_wait3A_435 = tpu.memref_squeeze %dma_wait3A_434 : memref<1x256xi32, #tpu.memory_space<vmem>> -> memref<256xi32, #tpu.memory_space<vmem>>
    tpu.wait_dma2 semaphore(%dma_wait3A_430 : memref<!tpu.dma_semaphore, #tpu.memory_space<semaphore_mem>>) src(%dma_wait3A_435 : memref<256xi32, #tpu.memory_space<vmem>>) dst(%dma_wait3A_432 : memref<256xi32, #tpu.memory_space<hbm>>)
    %rem3A_436 = arith.constant 98 : i32
    %rem3A_437 = arith.constant 3 : i32
    %rem3A_438 = arith.remsi %rem3A_436, %rem3A_437 : i32
    %dma_wait3A_439 = arith.constant 0 : i32
    %dma_wait3A_440 = arith.constant 0 : i32
    %dma_wait3A_441 = tpu.memref_slice %arg10[%rem3A_438, %dma_wait3A_439, %dma_wait3A_440] : memref<3x512x64xf32, #tpu.memory_space<vmem>> -> memref<1x512x64xf32, #tpu.memory_space<vmem>>
    %dma_wait3A_442 = tpu.memref_squeeze %dma_wait3A_441 : memref<1x512x64xf32, #tpu.memory_space<vmem>> -> memref<512x64xf32, #tpu.memory_space<vmem>>
    %dma_wait3A_443 = arith.constant 0 : i32
    %dma_wait3A_444 = arith.constant 0 : i32
    %dma_wait3A_445 = tpu.memref_slice %arg6[%dma_wait3A_443, %dma_wait3A_444] : memref<1638400x64xf32, #tpu.memory_space<hbm>> -> memref<512x64xf32, #tpu.memory_space<hbm>>
    %dma_wait3A_446 = tpu.memref_slice %arg14[%rem3A_438] : memref<3x!tpu.dma_semaphore, #tpu.memory_space<semaphore_mem>> -> memref<1x!tpu.dma_semaphore, #tpu.memory_space<semaphore_mem>>
    %dma_wait3A_447 = tpu.memref_squeeze %dma_wait3A_446 : memref<1x!tpu.dma_semaphore, #tpu.memory_space<semaphore_mem>> -> memref<!tpu.dma_semaphore, #tpu.memory_space<semaphore_mem>>
    %dma_wait3A_448 = arith.constant 0 : i32
    %dma_wait3A_449 = arith.constant 0 : i32
    %dma_wait3A_450 = tpu.memref_slice %arg6[%dma_wait3A_448, %dma_wait3A_449] : memref<1638400x64xf32, #tpu.memory_space<hbm>> -> memref<512x64xf32, #tpu.memory_space<hbm>>
    %dma_wait3A_451 = arith.constant 0 : i32
    %dma_wait3A_452 = arith.constant 0 : i32
    %dma_wait3A_453 = tpu.memref_slice %arg10[%rem3A_438, %dma_wait3A_451, %dma_wait3A_452] : memref<3x512x64xf32, #tpu.memory_space<vmem>> -> memref<1x512x64xf32, #tpu.memory_space<vmem>>
    %dma_wait3A_454 = tpu.memref_squeeze %dma_wait3A_453 : memref<1x512x64xf32, #tpu.memory_space<vmem>> -> memref<512x64xf32, #tpu.memory_space<vmem>>
    tpu.wait_dma2 semaphore(%dma_wait3A_447 : memref<!tpu.dma_semaphore, #tpu.memory_space<semaphore_mem>>) src(%dma_wait3A_454 : memref<512x64xf32, #tpu.memory_space<vmem>>) dst(%dma_wait3A_450 : memref<512x64xf32, #tpu.memory_space<hbm>>)
    %dma_wait3A_455 = arith.constant 0 : i32
    %dma_wait3A_456 = tpu.memref_slice %arg11[%rem3A_438, %dma_wait3A_455] : memref<3x256xi32, #tpu.memory_space<vmem>> -> memref<1x256xi32, #tpu.memory_space<vmem>>
    %dma_wait3A_457 = tpu.memref_squeeze %dma_wait3A_456 : memref<1x256xi32, #tpu.memory_space<vmem>> -> memref<256xi32, #tpu.memory_space<vmem>>
    %dma_wait3A_458 = arith.constant 0 : i32
    %dma_wait3A_459 = tpu.memref_slice %arg7[%dma_wait3A_458] : memref<819200xi32, #tpu.memory_space<hbm>> -> memref<256xi32, #tpu.memory_space<hbm>>
    %dma_wait3A_460 = tpu.memref_slice %arg14[%rem3A_438] : memref<3x!tpu.dma_semaphore, #tpu.memory_space<semaphore_mem>> -> memref<1x!tpu.dma_semaphore, #tpu.memory_space<semaphore_mem>>
    %dma_wait3A_461 = tpu.memref_squeeze %dma_wait3A_460 : memref<1x!tpu.dma_semaphore, #tpu.memory_space<semaphore_mem>> -> memref<!tpu.dma_semaphore, #tpu.memory_space<semaphore_mem>>
    %dma_wait3A_462 = arith.constant 0 : i32
    %dma_wait3A_463 = tpu.memref_slice %arg7[%dma_wait3A_462] : memref<819200xi32, #tpu.memory_space<hbm>> -> memref<256xi32, #tpu.memory_space<hbm>>
    %dma_wait3A_464 = arith.constant 0 : i32
    %dma_wait3A_465 = tpu.memref_slice %arg11[%rem3A_438, %dma_wait3A_464] : memref<3x256xi32, #tpu.memory_space<vmem>> -> memref<1x256xi32, #tpu.memory_space<vmem>>
    %dma_wait3A_466 = tpu.memref_squeeze %dma_wait3A_465 : memref<1x256xi32, #tpu.memory_space<vmem>> -> memref<256xi32, #tpu.memory_space<vmem>>
    tpu.wait_dma2 semaphore(%dma_wait3A_461 : memref<!tpu.dma_semaphore, #tpu.memory_space<semaphore_mem>>) src(%dma_wait3A_466 : memref<256xi32, #tpu.memory_space<vmem>>) dst(%dma_wait3A_463 : memref<256xi32, #tpu.memory_space<hbm>>)
    %rem3A_467 = arith.constant 99 : i32
    %rem3A_468 = arith.constant 3 : i32
    %rem3A_469 = arith.remsi %rem3A_467, %rem3A_468 : i32
    %dma_wait3A_470 = arith.constant 0 : i32
    %dma_wait3A_471 = arith.constant 0 : i32
    %dma_wait3A_472 = tpu.memref_slice %arg10[%rem3A_469, %dma_wait3A_470, %dma_wait3A_471] : memref<3x512x64xf32, #tpu.memory_space<vmem>> -> memref<1x512x64xf32, #tpu.memory_space<vmem>>
    %dma_wait3A_473 = tpu.memref_squeeze %dma_wait3A_472 : memref<1x512x64xf32, #tpu.memory_space<vmem>> -> memref<512x64xf32, #tpu.memory_space<vmem>>
    %dma_wait3A_474 = arith.constant 0 : i32
    %dma_wait3A_475 = arith.constant 0 : i32
    %dma_wait3A_476 = tpu.memref_slice %arg6[%dma_wait3A_474, %dma_wait3A_475] : memref<1638400x64xf32, #tpu.memory_space<hbm>> -> memref<512x64xf32, #tpu.memory_space<hbm>>
    %dma_wait3A_477 = tpu.memref_slice %arg14[%rem3A_469] : memref<3x!tpu.dma_semaphore, #tpu.memory_space<semaphore_mem>> -> memref<1x!tpu.dma_semaphore, #tpu.memory_space<semaphore_mem>>
    %dma_wait3A_478 = tpu.memref_squeeze %dma_wait3A_477 : memref<1x!tpu.dma_semaphore, #tpu.memory_space<semaphore_mem>> -> memref<!tpu.dma_semaphore, #tpu.memory_space<semaphore_mem>>
    %dma_wait3A_479 = arith.constant 0 : i32
    %dma_wait3A_480 = arith.constant 0 : i32
    %dma_wait3A_481 = tpu.memref_slice %arg6[%dma_wait3A_479, %dma_wait3A_480] : memref<1638400x64xf32, #tpu.memory_space<hbm>> -> memref<512x64xf32, #tpu.memory_space<hbm>>
    %dma_wait3A_482 = arith.constant 0 : i32
    %dma_wait3A_483 = arith.constant 0 : i32
    %dma_wait3A_484 = tpu.memref_slice %arg10[%rem3A_469, %dma_wait3A_482, %dma_wait3A_483] : memref<3x512x64xf32, #tpu.memory_space<vmem>> -> memref<1x512x64xf32, #tpu.memory_space<vmem>>
    %dma_wait3A_485 = tpu.memref_squeeze %dma_wait3A_484 : memref<1x512x64xf32, #tpu.memory_space<vmem>> -> memref<512x64xf32, #tpu.memory_space<vmem>>
    tpu.wait_dma2 semaphore(%dma_wait3A_478 : memref<!tpu.dma_semaphore, #tpu.memory_space<semaphore_mem>>) src(%dma_wait3A_485 : memref<512x64xf32, #tpu.memory_space<vmem>>) dst(%dma_wait3A_481 : memref<512x64xf32, #tpu.memory_space<hbm>>)
    %dma_wait3A_486 = arith.constant 0 : i32
    %dma_wait3A_487 = tpu.memref_slice %arg11[%rem3A_469, %dma_wait3A_486] : memref<3x256xi32, #tpu.memory_space<vmem>> -> memref<1x256xi32, #tpu.memory_space<vmem>>
    %dma_wait3A_488 = tpu.memref_squeeze %dma_wait3A_487 : memref<1x256xi32, #tpu.memory_space<vmem>> -> memref<256xi32, #tpu.memory_space<vmem>>
    %dma_wait3A_489 = arith.constant 0 : i32
    %dma_wait3A_490 = tpu.memref_slice %arg7[%dma_wait3A_489] : memref<819200xi32, #tpu.memory_space<hbm>> -> memref<256xi32, #tpu.memory_space<hbm>>
    %dma_wait3A_491 = tpu.memref_slice %arg14[%rem3A_469] : memref<3x!tpu.dma_semaphore, #tpu.memory_space<semaphore_mem>> -> memref<1x!tpu.dma_semaphore, #tpu.memory_space<semaphore_mem>>
    %dma_wait3A_492 = tpu.memref_squeeze %dma_wait3A_491 : memref<1x!tpu.dma_semaphore, #tpu.memory_space<semaphore_mem>> -> memref<!tpu.dma_semaphore, #tpu.memory_space<semaphore_mem>>
    %dma_wait3A_493 = arith.constant 0 : i32
    %dma_wait3A_494 = tpu.memref_slice %arg7[%dma_wait3A_493] : memref<819200xi32, #tpu.memory_space<hbm>> -> memref<256xi32, #tpu.memory_space<hbm>>
    %dma_wait3A_495 = arith.constant 0 : i32
    %dma_wait3A_496 = tpu.memref_slice %arg11[%rem3A_469, %dma_wait3A_495] : memref<3x256xi32, #tpu.memory_space<vmem>> -> memref<1x256xi32, #tpu.memory_space<vmem>>
    %dma_wait3A_497 = tpu.memref_squeeze %dma_wait3A_496 : memref<1x256xi32, #tpu.memory_space<vmem>> -> memref<256xi32, #tpu.memory_space<vmem>>
    tpu.wait_dma2 semaphore(%dma_wait3A_492 : memref<!tpu.dma_semaphore, #tpu.memory_space<semaphore_mem>>) src(%dma_wait3A_497 : memref<256xi32, #tpu.memory_space<vmem>>) dst(%dma_wait3A_494 : memref<256xi32, #tpu.memory_space<hbm>>)
    return
  }
}

</mosaic_0001>

<sc_bundles>
// kernel: _lru_embed_sc.3.cloned.1.call-start
scs
__scs_entry_jumppad:
0x0: {  	(pc) =	sbr.rel $0x88, $3  }
0x1: {  	(tag) =	ssettag $0x0;
	lr =	simm.s32 $0x1  }
0x2: {  	[smem:$0x3F9D] =	sst lr;
	_ =	strace $0xD0000000  }
0x3: {  	_ = 	snop  }
0x4: {  	_ = 	snop  }
0x5: {  	_ = 	snop  }
0x6: {  	_ = 	snop  }
0x7: {  	_ = 	snop  }
__scs_overlays_trampoline_lowered:
0x8: {  	[smem:$0x3FAC] =	sst s0  }
0x9: {  	[smem:$0x3FAD] =	sst s1  }
0xa: {  	[smem:$0x3FAE] =	sst s2  }
0xb: {  	[smem:$0x3FAF] =	sst s3  }
0xc: {  	[smem:$0x3FB0] =	sst s4  }
0xd: {  	[smem:$0x3FB1] =	sst s5  }
0xe: {  	[smem:$0x3FB2] =	sst s6  }
0xf: {  	[smem:$0x3FB3] =	sst s7  }
0x10: {  	[smem:$0x3FB4] =	sst s8  }
0x11: {  	[smem:$0x3FB5] =	sst s9;
	s0 =	simm.s32 @!p0 $0x0  }
0x12: {  	s1 =	sld [smem:$0x3F9B];
	s0 =	simm.s32 @p0 $0x1  }
0x13: {  	[smem:$0x3FB6] =	sst s0;
	s0 =	simm.s32 @!p1 $0x0  }
0x14: {  	s2 =	sld [smem:$0x3F9A];
	s0 =	simm.s32 @p1 $0x1  }
0x15: {  	[smem:$0x3FB7] =	sst s0;
	s0 =	simm.s32 @!p2 $0x0  }
0x16: {  	s3 =	sld [smem:$0x3FDB];
	s0 =	simm.s32 @p2 $0x1  }
0x17: {  	s4 =	simm.s32 $0x1BF5;
	[smem:$0x3FB9] =	sst s0  }
0x18: {  	s0 =	sld [smem:$0x3F9C];
	_ =	swait.ge [sflag:s4], $0x0  }
0x19: {  	s7 =	sld [smem:$0x3F9D]  }
0x1a: {  	s8 =	sadd.s32 $0xFFFFE003, lr  }
0x1b: {  	s9 =	sadd.s32 $0xFFFFFEF7, lr;
	s5 =	simm.s32 $0xFFFFFFFF;
	p2 =	slt.u32 s8, $0xFFFFF086  }
0x1c: {  	p1 =	slt.u32 s9, $0xF7A;
	s5 =	simm.s32 @!p2 $0x0  }
0x1d: {  	s5 =	simm.s32 @p1 $0x1;
	p0 =	seq.s32 s7, s2  }
0x1e: {  	s7 =	smul.u32 @!p0 $0xF7A, s2;
	p2 =	seq.s32 @!p0 s5, $0x0  }
0x1f: {  	s9 =	smul.u32 $0xF7A, s1;
	s8 =	simm.s32 @!p0 $0x1BF5;
	p2 =	por !p2, p0  }
0x20: {  	[sflag:s8] =	ssyncset.s32 @!p0 $0xFFFFF086;
	s6 =	sadd.s32 @!p0 s3, s7;
	s7 =	simm.s32 @!p0 $0x108  }
0x21: {  	s3 =	sadd.s32 s3, s9;
	s6 =	sadd.s32 @!p0 $0x88, s6;
	s7 =	simm.s32 @p2 $0x1082  }
0x22: {  	[simem:s7], [sflag:s8] =	dma.local @!p0 [hbm:s6], $0xF7A  }
0x23: {  	s9 =	sor.u32 $0xD0000000, s2;
	s6 =	simm.s32 $0x108;
	_ =	swait.ge @!p0 [sflag:s8], $0x0  }
0x24: {  	s3 =	sadd.s32 $0x88, s3;
	s6 =	simm.s32 @!p1 $0x1082;
	[sflag:s4] =	ssyncset.s32 $0xFFFFF086  }
0x25: {  	[simem:s6], [sflag:s4] =	dma.local [hbm:s3], $0xF7A  }
0x26: {  	[smem:$0x3F9D] =	sst s1;
	(tag) =	ssettag s2;
	_ =	strace s9  }
0x27: {  	s1 =	sld [smem:$0x3FAD]  }
0x28: {  	s2 =	sld [smem:$0x3FAE]  }
0x29: {  	s4 =	sld [smem:$0x3FB0]  }
0x2a: {  	p0 =	seq.s32 s5, $0x0;
	s5 =	sld [smem:$0x3FB1]  }
0x2b: {  	s6 =	sld [smem:$0x3FB2]  }
0x2c: {  	s7 =	sld [smem:$0x3FB3]  }
0x2d: {  	s3 =	simm.s32 $0x108;
	s8 =	sld [smem:$0x3FB4]  }
0x2e: {  	s3 =	simm.s32 @!p0 $0x1082;
	s9 =	sld [smem:$0x3FB5]  }
0x2f: {  	lr =	sadd.s32 s0, s3;
	s0 =	sld [smem:$0x3FAC]  }
0x30: {  	s3 =	sld [smem:$0x3FAF]  }
0x31: {  	[smem:$0x3FB8] =	sst s10  }
0x32: {  	s10 =	sld [smem:$0x3FB6];
	_ =	sdelay $0x3  }
0x33: {  	p0 =	seq.s32 s10, $0x1;
	s10 =	sld [smem:$0x3FB8];
	_ =	sdelay $0x3  }
0x34: {  	[smem:$0x3FB8] =	sst s10  }
0x35: {  	s10 =	sld [smem:$0x3FB7];
	_ =	sdelay $0x3  }
0x36: {  	p1 =	seq.s32 s10, $0x1;
	s10 =	sld [smem:$0x3FB8];
	_ =	sdelay $0x3  }
0x37: {  	[smem:$0x3FB8] =	sst s10  }
0x38: {  	s10 =	sld [smem:$0x3FB9]  }
0x39: {  	_ = 	snop;
	(pc) =	sbr.ind lr, $3  }
0x3a: {  	_ = 	snop  }
0x3b: {  	_ = 	snop  }
0x3c: {  	p2 =	seq.s32 s10, $0x1;
	s10 =	sld [smem:$0x3FB8]  }
0x3d: {  	_ =	shalt  }
0x3e: {  	_ =	shalt  }
0x3f: {  	_ =	shalt  }
0x40: {  	_ =	shalt  }
0x41: {  	_ =	shalt  }
0x42: {  	_ =	shalt  }
0x43: {  	_ =	shalt  }
0x44: {  	_ =	shalt  }
0x45: {  	_ =	shalt  }
0x46: {  	_ =	shalt  }
0x47: {  	_ =	shalt  }
0x48: {  	_ =	shalt  }
0x49: {  	_ =	shalt  }
0x4a: {  	_ =	shalt  }
0x4b: {  	_ =	shalt  }
0x4c: {  	_ =	shalt  }
0x4d: {  	_ =	shalt  }
0x4e: {  	_ =	shalt  }
0x4f: {  	_ =	shalt  }
0x50: {  	_ =	shalt  }
0x51: {  	_ =	shalt  }
0x52: {  	_ =	shalt  }
0x53: {  	_ =	shalt  }
0x54: {  	_ =	shalt  }
0x55: {  	_ =	shalt  }
0x56: {  	_ =	shalt  }
0x57: {  	_ =	shalt  }
0x58: {  	_ =	shalt  }
0x59: {  	_ =	shalt  }
0x5a: {  	_ =	shalt  }
0x5b: {  	_ =	shalt  }
0x5c: {  	_ =	shalt  }
0x5d: {  	_ =	shalt  }
0x5e: {  	_ =	shalt  }
0x5f: {  	_ =	shalt  }
0x60: {  	_ =	shalt  }
0x61: {  	_ =	shalt  }
0x62: {  	_ =	shalt  }
0x63: {  	_ =	shalt  }
0x64: {  	_ =	shalt  }
0x65: {  	_ =	shalt  }
0x66: {  	_ =	shalt  }
0x67: {  	_ =	shalt  }
0x68: {  	_ =	shalt  }
0x69: {  	_ =	shalt  }
0x6a: {  	_ =	shalt  }
0x6b: {  	_ =	shalt  }
0x6c: {  	_ =	shalt  }
0x6d: {  	_ =	shalt  }
0x6e: {  	_ =	shalt  }
0x6f: {  	_ =	shalt  }
0x70: {  	_ =	shalt  }
0x71: {  	_ =	shalt  }
0x72: {  	_ =	shalt  }
0x73: {  	_ =	shalt  }
0x74: {  	_ =	shalt  }
0x75: {  	_ =	shalt  }
0x76: {  	_ =	shalt  }
0x77: {  	_ =	shalt  }
0x78: {  	_ =	shalt  }
0x79: {  	_ =	shalt  }
0x7a: {  	_ =	shalt  }
0x7b: {  	_ =	shalt  }
0x7c: {  	_ =	shalt  }
0x7d: {  	_ =	shalt  }
0x7e: {  	_ =	shalt  }
0x7f: {  	_ =	shalt  }
0x80: {  	_ =	shalt  }
0x81: {  	_ =	shalt  }
0x82: {  	_ =	shalt  }
0x83: {  	_ =	shalt  }
0x84: {  	_ =	shalt  }
0x85: {  	_ =	shalt  }
0x86: {  	_ =	shalt  }
0x87: {  	_ =	shalt  }
.Lfunc_end0:
.L_simem_size_0:
called_computation.1_lowered:
.L_overlay_start_0:
0x88: {  	s2 =	sld [smem:$0x3FD9]  }
0x89: {  	s3 =	sld [smem:$0x3FFE];
	_ =	sdelay $0x1  }
0x8a: {  	s1 =	srdreg.scid  }
0x8b: {  	s0 =	sand.u32 $0x1, s1  }
0x8c: {  	s14 =	sshll.u32 s0, $0xA;
	s2 =	sadd.s32 s3, s2  }
0x8d: {  	s2 =	sadd.s32 s2, s14  }
0x8e: {  	[smem:$0x3FC4] =	sst s2  }
0x8f: {  	_ = 	snop  }
0x90: {  	s2 =	sld [smem:$0x3FD0]  }
0x91: {  	s15 =	sld [smem:$0x3FC9]  }
0x92: {  	s4 =	sld [smem:$0x3FC7]  }
0x93: {  	s6 =	simm.s32 $0xA;
	s7 =	simm.s32 $0x10;
	s5 =	sld [smem:$0x3FC6]  }
0x94: {  	[smem:s7], [sflag:s6] =	dma.local [hbm:s2], $0x1  }
0x95: {  	_ =	swait.eq [sflag:s6], $0x1  }
0x96: {  	[sflag:s6] =	ssyncset.done $0x0  }
0x97: {  	s16 =	sld [smem:$0x10];
	[sflag:s6] =	ssyncadd.s32 $0xFFFFFFFF  }
0x98: {  	s17 =	sld [smem:$0x11];
	(tm) =	ssettm $0x1  }
0x99: {  	s18 =	sld [smem:$0x3FFB];
	_ =	sdelay $0x3  }
0x9a: {  	_ =	strace s18  }
0x9b: {  	s7 =	sld [smem:$0x3FFC];
	_ =	sdelay $0x3  }
0x9c: {  	_ =	strace s7  }
0x9d: {  	s7 =	sld [smem:$0x3FFD];
	_ =	sdelay $0x3  }
0x9e: {  	_ =	strace s7  }
0x9f: {  	_ =	strace $0x8FFFFFFF  }
0xa0: {  	s19 =	sld [smem:$0x3FDB];
	_ =	sdelay $0x1  }
0xa1: {  	s8 =	simm.s32 $_scs_section_size  }
0xa2: {  	s9 =	simm.s32 $_size__tile_overlayer_lowered;
	s10 =	simm.s32 $_tile_overlayer_lowered  }
0xa3: {  	s22 =	simm.s32 $0x1BFF;
	s21 =	sshll.u32 s10, $0x1;
	s7 =	sadd.s32 s8, s19  }
0xa4: {  	s11 =	simm.s32 $0x0;
	s20 =	sshll.u32 s9, $0x1;
	s9 =	sadd.s32 s21, s7  }
0xa5: {  	[timem:s11], [sflag:s22] =	dma.local [hbm:s9], s20  }
0xa6: {  	_ =	swait.ge [sflag:s22], s20  }
0xa7: {  	s8 =	ssub.s32 $0x0, s20;
	[sflag:s22] =	ssyncset.done $0x0  }
0xa8: {  	[sflag:s22] =	ssyncadd.s32 s8;
	_ =	sdelay $0x1  }
0xa9: {  	s23 =	simm.s32 $0x1B8B  }
0xaa: {  	_ =	swait.ge [sflag:s23], $0x1  }
0xab: {  	[sflag:s23] =	ssyncset.done $0x0  }
0xac: {  	s25 =	simm.s32 $0x1B8E;
	s24 =	sld [smem:$0x3FFE];
	[sflag:s23] =	ssyncadd.s32 $0xFFFFFFFF  }
0xad: {  	s26 =	simm.s32 $execute0_lowered;
	[smem:$0x3FD2] =	sst s25  }
0xae: {  	s9 =	sshll.u32 s26, $0x1;
	_ =	strace $0x80000046;
	[dreg:$0x1] =	wrdreg $0xFFFFFFFF  }
0xaf: {  	s28 =	simm.s32 $_size_execute0_lowered;
	s7 =	sadd.s32 s7, s9;
	[dreg:$0x0] =	wrdreg $0x0  }
0xb0: {  	s9 =	sshll.u32 s28, $0x1;
	[dreg:$0x2] =	wrdreg s7  }
0xb1: {  	[dreg:$0x3] =	wrdreg s9  }
0xb2: {  	[dreg:$0x4] =	wrdreg $0xC0  }
0xb3: {  	_ =	task [dreg:s11], $0x5FFFF  }
0xb4: {  	[dreg:$0x1] =	wrdreg $0xFFFFFFFF  }
0xb5: {  	[dreg:$0x0] =	wrdreg $0x60  }
0xb6: {  	[dreg:$0x2] =	wrdreg s15  }
0xb7: {  	[dreg:$0x3] =	wrdreg s24  }
0xb8: {  	[dreg:$0x4] =	wrdreg s4  }
0xb9: {  	[dreg:$0x5] =	wrdreg s5  }
0xba: {  	[dreg:$0x6] =	wrdreg s16  }
0xbb: {  	[dreg:$0x7] =	wrdreg s17  }
0xbc: {  	[dreg:$0x8] =	wrdreg $0x9  }
0xbd: {  	_ =	task.clear_ibuf [dreg:s11], $0x9FFFF;
	_ =	strace $0x90000046  }
0xbe: {  	s29 =	simm.s32 $0x9;
	_ =	strace $0x80000048  }
0xbf: {  	_ =	swait.ge [sflag:s29], $0x1  }
0xc0: {  	[sflag:s29] =	ssyncadd.s32 $0xFFFFFFFF  }
0xc1: {  	_ =	strace $0x90000048  }
0xc2: {  	_ =	sfence  }
0xc3: {  	s30 =	sld [smem:$0x0];
	_ =	sdelay $0x2  }
0xc4: {  	s31 =	sshll.u32 s1, $0xD;
	s1 =	sshrl.u32 s1, $0x2  }
0xc5: {  	s3 =	sand.u32 $0x4000, s31;
	s1 =	sadd.s32 s1, s30  }
0xc6: {  	s0 =	sor.u32 s3, s0;
	s1 =	sshll.u32 s1, $0x11  }
0xc7: {  	s0 =	sor.u32 s1, s0  }
0xc8: {  	s0 =	sadd.s32 $0x8F2B, s0  }
0xc9: {  	[sflag:s0] =	ssyncadd.remote.s32 $0x1  }
0xca: {  	_ =	sfence.sel $0xFFFF  }
0xcb: {  	[dreg:$0x0] =	wrdreg $0xFFFFFFFF;
	(pc) =	sbr.abs _section_cstart, $3  }
0xcc: {  	[dreg:$0x1] =	wrdreg $0xFFFFFFFF  }
0xcd: {  	_ =	task.clear_ibuf [dreg:s11], $0x2FFFF;
	_ =	strace $0x9FFFFFFF  }
0xce: {  	(tm) =	ssettm $0x7FFFFFFF  }
0xcf: {  	_ =	shalt  }
tec
execute0_lowered:
.L_overlay_start_1:
0x0: {  	(tag) =	ssettag $0x1  }
0x1: {  	v0 =	vlaneseq.u32;
	v27 =	vimm.s32 $0xFEDCBA98;
	v31 =	vimm.s32 $0x76543210  }
0x2: {  	v33 =	vimm.s32 $0x32107654;
	v34 =	vimm.s32 $0xDCFE98BA;
	v35 =	vimm.s32 $0x54761032  }
0x3: {  	v36 =	vimm.s32 $0xEFCDAB89;
	v37 =	vimm.s32 $0x67452301;
	v0 =	vmul.u32 $0x2, v0  }
0x4: {  	v30 =	vunpack.c.l.s4.s8 v27;
	v31 =	vunpack.c.l.s4.s8 v31;
	v33 =	vunpack.c.l.s4.s8 v33  }
0x5: {  	v34 =	vunpack.c.l.s4.s8 v34;
	v35 =	vunpack.c.l.s4.s8 v35;
	v36 =	vunpack.c.l.s4.s8 v36  }
0x6: {  	v37 =	vunpack.c.l.s4.s8 v37;
	v1 =	vor.u32 $0x1, v0;
	v2 =	vor.u32 $0x20, v0  }
0x7: {  	v3 =	vor.u32 $0x21, v0;
	v4 =	vor.u32 $0x40, v0;
	v5 =	vor.u32 $0x41, v0  }
0x8: {  	v6 =	vor.u32 $0x60, v0;
	v7 =	vor.u32 $0x61, v0;
	v8 =	vor.u32 $0x80, v0  }
0x9: {  	v9 =	vor.u32 $0x81, v0;
	v10 =	vor.u32 $0xA0, v0;
	v11 =	vor.u32 $0xA1, v0  }
0xa: {  	s0 =	rddreg [dreg:$0x0];
	v12 =	vor.u32 $0xC0, v0;
	v13 =	vor.u32 $0xC1, v0;
	v14 =	vor.u32 $0xE0, v0  }
0xb: {  	s1 =	rddreg [dreg:$0x1];
	v15 =	vor.u32 $0xE1, v0;
	v16 =	vor.u32 $0x100, v0;
	v17 =	vor.u32 $0x101, v0  }
0xc: {  	s2 =	srdreg.scid;
	s4 =	rddreg [dreg:$0x4];
	v18 =	vor.u32 $0x120, v0;
	v19 =	vor.u32 $0x121, v0;
	v20 =	vor.u32 $0x140, v0  }
0xd: {  	s3 =	stileid.u32;
	s5 =	rddreg [dreg:$0x5];
	s6 =	simm.s32 $0x0;
	v21 =	vor.u32 $0x141, v0;
	v22 =	vor.u32 $0x160, v0;
	v23 =	vor.u32 $0x161, v0  }
0xe: {  	s13 =	simm.s32 $0x7;
	s14 =	simm.s32 $0x18C40;
	s15 =	simm.s32 $0x300;
	v24 =	vor.u32 $0x180, v0;
	v25 =	vor.u32 $0x181, v0;
	v26 =	vor.u32 $0x1A0, v0  }
0xf: {  	s16 =	simm.s32 $0x80;
	s17 =	simm.s32 $0x380;
	s18 =	simm.s32 $0x2900;
	v27 =	vor.u32 $0x1A1, v0;
	v32 =	vunpack.c.0.s8.s32 v30;
	v30 =	vimm.s32 $0xBA98FEDC  }
0x10: {  	s19 =	simm.s32 $0x400;
	s20 =	simm.s32 $0x4900;
	s21 =	simm.s32 $0x480;
	v28 =	vor.u32 $0x1C0, v0;
	v34 =	vunpack.c.0.s8.s32 v34;
	v30 =	vunpack.c.l.s4.s8 v30  }
0x11: {  	s22 =	simm.s32 $0x6900;
	s2 =	sand.u32 $0x1, s2;
	s3 =	sshll.u32 s3, $0x1;
	v35 =	vunpack.c.0.s8.s32 v35;
	v36 =	vunpack.c.0.s8.s32 v36;
	v37 =	vunpack.c.0.s8.s32 v37  }
0x12: {  	s23 =	simm.s32 $0x5;
	s24 =	simm.s32 $0x6;
	s3 =	sor.u32 s2, s3;
	v29 =	vor.u32 $0x1C1, v0;
	v33 =	vunpack.c.0.s8.s32 v33;
	v30 =	vunpack.c.0.s8.s32 v30  }
0x13: {  	s25 =	simm.s32 $0x4;
	s2 =	ssub.s32 $0x2, s2;
	s8 =	smul.u32 $0x6400, s3;
	v63 =	vunpack.c.0.s8.s32 v31;
	v35 =	vcombine.low v35, v34;
	v36 =	vcombine.low v37, v36  }
0x14: {  	s26 =	simm.s32 $0x0;
	[smem:$0x7FF] =	sst s6;
	s30 =	sshrl.u32 s2, $0x1;
	v31 =	vor.u32 $0x1E1, v0;
	v39 =	vand.u32 $0xF, v32;
	v38 =	vcombine.low v33, v30  }
0x15: {  	s9 =	sadd.s32 $0xC00, s1;
	s2 =	ssub.s32 s2, s30;
	s31 =	sshrl.u32 s8, $0x3;
	v32 =	vimm.s32 $0x0;
	v35 =	vand.u32 $0xF, v35;
	v36 =	vand.u32 $0xF, v36  }
0x16: {  	_ =	strace $0x80000047;
	s11 =	smax.u32 s2, $0x1;
	s10 =	sadd.s32 s0, s31;
	v30 =	vor.u32 $0x1E0, v0;
	v33 =	vcombine.low v39, v63;
	v34 =	vand.u32 $0xF, v38  }
.LBB2_1:
0x17: {  	s1 =	rddreg [dreg:$0x2];
	s2 =	simm.s32 $0x18C00  }
0x18: {  	[tilespmem:s2], [sflag:$0x7] =	stream.linear.gather [hbm4b:s1+s6], $0x40, $0x38;
	[tilespmem:$0x18C80] =	vst v63  }
0x19: {  	_ =	swait.ge [sflag:s13], $0x40  }
0x1a: {  	[sflag:s13] =	ssyncset.done $0x0  }
0x1b: {  	[sflag:s13] =	ssyncadd.s32 $0xFFFFFFC0  }
0x1c: {  	s31 =	rddreg [dreg:$0x3]  }
0x1d: {  	[tilespmem:s14], [sflag:$0x7] =	stream.linear.gather [hbm4b:s31+s6], $0x40, $0x38;
	[tilespmem:$0x18C80] =	vst v63  }
0x1e: {  	_ =	swait.ge [sflag:s13], $0x40  }
0x1f: {  	[sflag:s13] =	ssyncset.done $0x0  }
0x20: {  	[sflag:s13] =	ssyncadd.s32 $0xFFFFFFC0  }
0x21: {  	v37 =	vld [tilespmem:$0x18C00]  }
0x22: {  	v38 =	vld [tilespmem:$0x18C10]  }
0x23: {  	v39 =	vld [tilespmem:$0x18C20]  }
0x24: {  	v40 =	vld [tilespmem:$0x18C30]  }
0x25: {  	v41 =	vld [tilespmem:$0x18C40]  }
0x26: {  	v42 =	vld [tilespmem:$0x18C50]  }
0x27: {  	v43 =	vld [tilespmem:$0x18C60]  }
0x28: {  	v44 =	vld [tilespmem:$0x18C70];
	[tilespmem:s6], [sflag:$0x7] =	stream.linear.gather [hbm4b:s10+s6], $0x100, $0x38  }
0x29: {  	_ =	swait.ge [sflag:s13], $0x100  }
0x2a: {  	[sflag:s13] =	ssyncset.done $0x0  }
0x2b: {  	[sflag:s13] =	ssyncadd.s32 $0xFFFFFF00  }
0x2c: {  	v45 =	vld [tilespmem:$0x0];
	_ =	sdelay $0x4  }
0x2d: {  	[tilespmem:v0+s15+$0x0] =	vst.idx.msk $0xffff, v45  }
0x2e: {  	[tilespmem:v1+s15+$0x0] =	vst.idx.msk $0xffff, v45  }
0x2f: {  	v45 =	vld [tilespmem:$0x10];
	_ =	sdelay $0x4  }
0x30: {  	[tilespmem:v2+s15+$0x0] =	vst.idx.msk $0xffff, v45  }
0x31: {  	[tilespmem:v3+s15+$0x0] =	vst.idx.msk $0xffff, v45  }
0x32: {  	v45 =	vld [tilespmem:$0x20];
	_ =	sdelay $0x4  }
0x33: {  	[tilespmem:v4+s15+$0x0] =	vst.idx.msk $0xffff, v45  }
0x34: {  	[tilespmem:v5+s15+$0x0] =	vst.idx.msk $0xffff, v45  }
0x35: {  	v45 =	vld [tilespmem:$0x30];
	_ =	sdelay $0x4  }
0x36: {  	[tilespmem:v6+s15+$0x0] =	vst.idx.msk $0xffff, v45  }
0x37: {  	[tilespmem:v7+s15+$0x0] =	vst.idx.msk $0xffff, v45  }
0x38: {  	v45 =	vld [tilespmem:$0x40];
	_ =	sdelay $0x4  }
0x39: {  	[tilespmem:v8+s15+$0x0] =	vst.idx.msk $0xffff, v45  }
0x3a: {  	[tilespmem:v9+s15+$0x0] =	vst.idx.msk $0xffff, v45  }
0x3b: {  	v45 =	vld [tilespmem:$0x50];
	_ =	sdelay $0x4  }
0x3c: {  	[tilespmem:v10+s15+$0x0] =	vst.idx.msk $0xffff, v45  }
0x3d: {  	[tilespmem:v11+s15+$0x0] =	vst.idx.msk $0xffff, v45  }
0x3e: {  	v45 =	vld [tilespmem:$0x60];
	_ =	sdelay $0x4  }
0x3f: {  	[tilespmem:v12+s15+$0x0] =	vst.idx.msk $0xffff, v45  }
0x40: {  	[tilespmem:v13+s15+$0x0] =	vst.idx.msk $0xffff, v45  }
0x41: {  	v45 =	vld [tilespmem:$0x70];
	_ =	sdelay $0x4  }
0x42: {  	[tilespmem:v14+s15+$0x0] =	vst.idx.msk $0xffff, v45  }
0x43: {  	[tilespmem:v15+s15+$0x0] =	vst.idx.msk $0xffff, v45  }
0x44: {  	v45 =	vld [tilespmem:$0x80];
	_ =	sdelay $0x4  }
0x45: {  	[tilespmem:v16+s15+$0x0] =	vst.idx.msk $0xffff, v45  }
0x46: {  	[tilespmem:v17+s15+$0x0] =	vst.idx.msk $0xffff, v45  }
0x47: {  	v45 =	vld [tilespmem:$0x90];
	_ =	sdelay $0x4  }
0x48: {  	[tilespmem:v18+s15+$0x0] =	vst.idx.msk $0xffff, v45  }
0x49: {  	[tilespmem:v19+s15+$0x0] =	vst.idx.msk $0xffff, v45  }
0x4a: {  	v45 =	vld [tilespmem:$0xA0];
	_ =	sdelay $0x4  }
0x4b: {  	[tilespmem:v20+s15+$0x0] =	vst.idx.msk $0xffff, v45  }
0x4c: {  	[tilespmem:v21+s15+$0x0] =	vst.idx.msk $0xffff, v45  }
0x4d: {  	v45 =	vld [tilespmem:$0xB0];
	_ =	sdelay $0x4  }
0x4e: {  	[tilespmem:v22+s15+$0x0] =	vst.idx.msk $0xffff, v45  }
0x4f: {  	[tilespmem:v23+s15+$0x0] =	vst.idx.msk $0xffff, v45  }
0x50: {  	v45 =	vld [tilespmem:$0xC0];
	_ =	sdelay $0x4  }
0x51: {  	[tilespmem:v24+s15+$0x0] =	vst.idx.msk $0xffff, v45  }
0x52: {  	[tilespmem:v25+s15+$0x0] =	vst.idx.msk $0xffff, v45  }
0x53: {  	v45 =	vld [tilespmem:$0xD0];
	_ =	sdelay $0x4  }
0x54: {  	[tilespmem:v26+s15+$0x0] =	vst.idx.msk $0xffff, v45  }
0x55: {  	[tilespmem:v27+s15+$0x0] =	vst.idx.msk $0xffff, v45  }
0x56: {  	v45 =	vld [tilespmem:$0xE0];
	_ =	sdelay $0x4  }
0x57: {  	[tilespmem:v28+s15+$0x0] =	vst.idx.msk $0xffff, v45  }
0x58: {  	[tilespmem:v29+s15+$0x0] =	vst.idx.msk $0xffff, v45  }
0x59: {  	v45 =	vld [tilespmem:$0xF0];
	_ =	sdelay $0x4  }
0x5a: {  	[tilespmem:v30+s15+$0x0] =	vst.idx.msk $0xffff, v45  }
0x5b: {  	s12 =	simm.s32 $0x900;
	[tilespmem:v31+s15+$0x0] =	vst.idx.msk $0xffff, v45  }
0x5c: {  	[tilespmem:s12], [sflag:$0x1] =	stream.indirect.gather [hbm4b:s9+s16], $0x40, s15, s16, $0xb8;
	[tilespmem:$0x18C80] =	vst v63  }
0x5d: {  	_ = 	snop  }
0x5e: {  	[tilespmem:s18], [sflag:$0x1] =	stream.indirect.gather [hbm4b:s9+s16], $0x40, s17, s16, $0xb8;
	[tilespmem:$0x18C80] =	vst v63  }
0x5f: {  	_ = 	snop  }
0x60: {  	[tilespmem:s20], [sflag:$0x1] =	stream.indirect.gather [hbm4b:s9+s16], $0x40, s19, s16, $0xb8;
	[tilespmem:$0x18C80] =	vst v63  }
0x61: {  	s29 =	simm.s32 $0x0  }
0x62: {  	[tilespmem:s22], [sflag:$0x1] =	stream.indirect.gather [hbm4b:s9+s16], $0x40, s21, s16, $0xb8;
	[tilespmem:$0x18C80] =	vst v63  }
.LBB2_2:
0x63: {  	s1 =	smul.u32 $0xAB, s29;
	_ =	sdelay $0x1  }
0x64: {  	s1 =	sshrl.u32 s1, $0x9  }
0x65: {  	s1 =	sand.u32 $0x7F, s1  }
0x66: {  	s1 =	smul.u32 $0x3, s1;
	_ =	sdelay $0x1  }
0x67: {  	s1 =	ssub.s32 s29, s1  }
0x68: {  	s30 =	sand.u32 $0xFF, s1  }
0x69: {  	s1 =	sadd.s32 $0x1, s30  }
0x6a: {  	_ =	swait.ge [sflag:s1], $0x2000  }
0x6b: {  	[sflag:s1] =	ssyncset.done $0x0  }
0x6c: {  	[sflag:s1] =	ssyncadd.s32 $0xFFFFE000  }
0x6d: {  	_ =	swait.ge [sflag:s1], $0x2000  }
0x6e: {  	[sflag:s1] =	ssyncset.done $0x0  }
0x6f: {  	[sflag:s1] =	ssyncadd.s32 $0xFFFFE000  }
0x70: {  	p0 =	seq.s32 s29, $0x63;
	_ =	swait.ge [sflag:s1], $0x2000  }
.Ltmp0:
0x71: {  	[sflag:s1] =	ssyncset.done $0x0;
	(pc) =	sbr.rel @p0 .LBB2_4-.Ltmp0, $4  }
0x72: {  	[sflag:s1] =	ssyncadd.s32 $0xFFFFE000  }
0x73: {  	_ =	swait.ge [sflag:s1], $0x2000  }
0x74: {  	[sflag:s1] =	ssyncset.done $0x0  }
0x75: {  	s31 =	sadd.s32 $0x1, s29;
	[sflag:s1] =	ssyncadd.s32 $0xFFFFE000  }
0x76: {  	s1 =	smul.u32 $0xAB, s31;
	_ =	sdelay $0x1  }
0x77: {  	s1 =	sshrl.u32 s1, $0x9  }
0x78: {  	s1 =	sand.u32 $0x7F, s1  }
0x79: {  	s1 =	smul.u32 $0x3, s1;
	_ =	sdelay $0x1  }
0x7a: {  	s1 =	ssub.s32 s31, s1  }
0x7b: {  	p0 =	slt.u32 s29, $0x2;
	s1 =	sand.u32 $0xFF, s1  }
0x7c: {  	s2 =	sadd.s32 @!p0 $0x4, s1  }
0x7d: {  	_ =	swait.ge @!p0 [sflag:s2], $0x8000  }
0x7e: {  	[sflag:s2] =	ssyncset.done @!p0 $0x0  }
0x7f: {  	s3 =	sshll.u32 s31, $0x8;
	[sflag:s2] =	ssyncadd.s32 @!p0 $0xFFFF8000  }
0x80: {  	s3 =	sadd.s32 s8, s3;
	_ =	swait.ge @!p0 [sflag:s2], $0x100  }
0x81: {  	s3 =	sshrl.u32 s3, $0x3;
	[sflag:s2] =	ssyncset.done @!p0 $0x0  }
0x82: {  	s3 =	sadd.s32 s0, s3;
	s28 =	sshll.u32 s1, $0x8;
	[sflag:s2] =	ssyncadd.s32 @!p0 $0xFFFFFF00  }
0x83: {  	[tilespmem:s28], [sflag:$0x7] =	stream.linear.gather [hbm4b:s3+s6], $0x100, $0x38;
	[tilespmem:$0x18C80] =	vst v63  }
0x84: {  	_ =	swait.ge [sflag:s13], $0x100  }
0x85: {  	[sflag:s13] =	ssyncset.done $0x0  }
0x86: {  	[sflag:s13] =	ssyncadd.s32 $0xFFFFFF00  }
0x87: {  	v45 =	vld [tilespmem:s28+$0x0];
	_ =	sdelay $0x3  }
0x88: {  	s3 =	sshll.u32 s1, $0x9  }
0x89: {  	[tilespmem:v0+s3+$0x300] =	vst.idx.msk $0xffff, v45  }
0x8a: {  	[tilespmem:v1+s3+$0x300] =	vst.idx.msk $0xffff, v45  }
0x8b: {  	v45 =	vld [tilespmem:s28+$0x10];
	_ =	sdelay $0x4  }
0x8c: {  	[tilespmem:v2+s3+$0x300] =	vst.idx.msk $0xffff, v45  }
0x8d: {  	[tilespmem:v3+s3+$0x300] =	vst.idx.msk $0xffff, v45  }
0x8e: {  	v45 =	vld [tilespmem:s28+$0x20];
	_ =	sdelay $0x4  }
0x8f: {  	[tilespmem:v4+s3+$0x300] =	vst.idx.msk $0xffff, v45  }
0x90: {  	[tilespmem:v5+s3+$0x300] =	vst.idx.msk $0xffff, v45  }
0x91: {  	v45 =	vld [tilespmem:s28+$0x30];
	_ =	sdelay $0x4  }
0x92: {  	[tilespmem:v6+s3+$0x300] =	vst.idx.msk $0xffff, v45  }
0x93: {  	[tilespmem:v7+s3+$0x300] =	vst.idx.msk $0xffff, v45  }
0x94: {  	v45 =	vld [tilespmem:s28+$0x40];
	_ =	sdelay $0x4  }
0x95: {  	[tilespmem:v8+s3+$0x300] =	vst.idx.msk $0xffff, v45  }
0x96: {  	[tilespmem:v9+s3+$0x300] =	vst.idx.msk $0xffff, v45  }
0x97: {  	v45 =	vld [tilespmem:s28+$0x50];
	_ =	sdelay $0x4  }
0x98: {  	[tilespmem:v10+s3+$0x300] =	vst.idx.msk $0xffff, v45  }
0x99: {  	[tilespmem:v11+s3+$0x300] =	vst.idx.msk $0xffff, v45  }
0x9a: {  	v45 =	vld [tilespmem:s28+$0x60];
	_ =	sdelay $0x4  }
0x9b: {  	[tilespmem:v12+s3+$0x300] =	vst.idx.msk $0xffff, v45  }
0x9c: {  	[tilespmem:v13+s3+$0x300] =	vst.idx.msk $0xffff, v45  }
0x9d: {  	v45 =	vld [tilespmem:s28+$0x70];
	_ =	sdelay $0x4  }
0x9e: {  	[tilespmem:v14+s3+$0x300] =	vst.idx.msk $0xffff, v45  }
0x9f: {  	[tilespmem:v15+s3+$0x300] =	vst.idx.msk $0xffff, v45  }
0xa0: {  	v45 =	vld [tilespmem:s28+$0x80];
	_ =	sdelay $0x4  }
0xa1: {  	[tilespmem:v16+s3+$0x300] =	vst.idx.msk $0xffff, v45  }
0xa2: {  	[tilespmem:v17+s3+$0x300] =	vst.idx.msk $0xffff, v45  }
0xa3: {  	v45 =	vld [tilespmem:s28+$0x90];
	_ =	sdelay $0x4  }
0xa4: {  	[tilespmem:v18+s3+$0x300] =	vst.idx.msk $0xffff, v45  }
0xa5: {  	[tilespmem:v19+s3+$0x300] =	vst.idx.msk $0xffff, v45  }
0xa6: {  	v45 =	vld [tilespmem:s28+$0xA0];
	_ =	sdelay $0x4  }
0xa7: {  	[tilespmem:v20+s3+$0x300] =	vst.idx.msk $0xffff, v45  }
0xa8: {  	[tilespmem:v21+s3+$0x300] =	vst.idx.msk $0xffff, v45  }
0xa9: {  	v45 =	vld [tilespmem:s28+$0xB0];
	_ =	sdelay $0x4  }
0xaa: {  	[tilespmem:v22+s3+$0x300] =	vst.idx.msk $0xffff, v45  }
0xab: {  	[tilespmem:v23+s3+$0x300] =	vst.idx.msk $0xffff, v45  }
0xac: {  	v45 =	vld [tilespmem:s28+$0xC0];
	_ =	sdelay $0x4  }
0xad: {  	[tilespmem:v24+s3+$0x300] =	vst.idx.msk $0xffff, v45  }
0xae: {  	[tilespmem:v25+s3+$0x300] =	vst.idx.msk $0xffff, v45  }
0xaf: {  	v45 =	vld [tilespmem:s28+$0xD0];
	_ =	sdelay $0x4  }
0xb0: {  	[tilespmem:v26+s3+$0x300] =	vst.idx.msk $0xffff, v45  }
0xb1: {  	[tilespmem:v27+s3+$0x300] =	vst.idx.msk $0xffff, v45  }
0xb2: {  	v45 =	vld [tilespmem:s28+$0xE0];
	_ =	sdelay $0x4  }
0xb3: {  	[tilespmem:v28+s3+$0x300] =	vst.idx.msk $0xffff, v45  }
0xb4: {  	[tilespmem:v29+s3+$0x300] =	vst.idx.msk $0xffff, v45  }
0xb5: {  	v45 =	vld [tilespmem:s28+$0xF0];
	_ =	sdelay $0x4  }
0xb6: {  	s2 =	sshll.u32 s1, $0xF;
	[tilespmem:v30+s3+$0x300] =	vst.idx.msk $0xffff, v45  }
0xb7: {  	s1 =	sadd.s32 $0x1, s1;
	s7 =	sadd.s32 $0x300, s3;
	s28 =	sor.u32 $0x900, s2;
	[tilespmem:v31+s3+$0x300] =	vst.idx.msk $0xffff, v45  }
0xb8: {  	[tilespmem:s28], [sflag:s1] =	stream.indirect.gather [hbm4b:s9+s16], $0x40, s7, s16, $0xb8;
	[tilespmem:$0x18C80] =	vst v63  }
0xb9: {  	s7 =	sor.u32 $0x2900, s2;
	s28 =	sadd.s32 $0x380, s3  }
0xba: {  	[tilespmem:s7], [sflag:s1] =	stream.indirect.gather [hbm4b:s9+s16], $0x40, s28, s16, $0xb8;
	[tilespmem:$0x18C80] =	vst v63  }
0xbb: {  	s7 =	sor.u32 $0x4900, s2;
	s28 =	sadd.s32 $0x400, s3  }
0xbc: {  	[tilespmem:s7], [sflag:s1] =	stream.indirect.gather [hbm4b:s9+s16], $0x40, s28, s16, $0xb8;
	[tilespmem:$0x18C80] =	vst v63  }
0xbd: {  	s2 =	sor.u32 $0x6900, s2;
	s3 =	sadd.s32 $0x480, s3  }
0xbe: {  	[tilespmem:s2], [sflag:s1] =	stream.indirect.gather [hbm4b:s9+s16], $0x40, s3, s16, $0xb8;
	[tilespmem:$0x18C80] =	vst v63  }
.LBB2_4:
0xbf: {  	s1 =	sshll.u32 s30, $0x8  }
0xc0: {  	v45 =	vld [tilespmem:s1+$0x0]  }
0xc1: {  	v46 =	vld [tilespmem:s1+$0x10]  }
0xc2: {  	v47 =	vld [tilespmem:s1+$0x20]  }
0xc3: {  	v48 =	vld [tilespmem:s1+$0x30]  }
0xc4: {  	v49 =	vld [tilespmem:s1+$0x40]  }
0xc5: {  	v60 =	vld [tilespmem:s1+$0x50]  }
0xc6: {  	v61 =	vld [tilespmem:s1+$0x60];
	vm0 =	vgt.s32 v45, $0x0  }
0xc7: {  	v63 =	vld [tilespmem:s1+$0x70];
	vm13 =	vgt.s32 v46, $0x0;
	v50 =	vsel vm0, $0x1, v32  }
0xc8: {  	v57 =	vld [tilespmem:s1+$0xA0];
	vm14 =	vgt.s32 v47, $0x0;
	v62 =	vsel vm13, $0x1, v32;
	[tilespmem:s1+$0x18900] =	vst v50  }
0xc9: {  	v59 =	vld [tilespmem:s1+$0xB0];
	vm15 =	vgt.s32 v48, $0x0;
	v52 =	vsel vm14, $0x1, v32;
	[tilespmem:s1+$0x18910] =	vst v62  }
0xca: {  	v53 =	vld [tilespmem:s1+$0x80];
	vm4 =	vgt.s32 v49, $0x0;
	v54 =	vsel vm15, $0x1, v32;
	[tilespmem:s1+$0x18920] =	vst v52  }
0xcb: {  	v55 =	vld [tilespmem:s1+$0x90];
	vm5 =	vgt.s32 v60, $0x0;
	v56 =	vsel vm4, $0x1, v32;
	[tilespmem:s1+$0x18930] =	vst v54  }
0xcc: {  	vm6 =	vgt.s32 v61, $0x0;
	v58 =	vsel vm5, $0x1, v32;
	[tilespmem:s1+$0x18940] =	vst v56  }
0xcd: {  	s2 =	smulhi.u32 $0xAAAAAAAB, s29;
	v51 =	vld [tilespmem:s1+$0xF0];
	vm10 =	vgt.s32 v57, $0x0;
	v60 =	vsel vm6, $0x1, v32;
	[tilespmem:s1+$0x18950] =	vst v58  }
0xce: {  	v61 =	vld [tilespmem:s1+$0xC0];
	vm11 =	vgt.s32 v59, $0x0;
	v45 =	vsel vm10, $0x1, v32;
	[tilespmem:s1+$0x18960] =	vst v60  }
0xcf: {  	s2 =	sshrl.u32 s2, $0x1;
	vm7 =	vgt.s32 v63, $0x0;
	v63 =	vld [tilespmem:s1+$0xD0];
	v57 =	vsel vm11, $0x1, v32;
	[tilespmem:s1+$0x189A0] =	vst v45  }
0xd0: {  	s2 =	smul.u32 $0xFFFA0000, s2;
	vm8 =	vgt.s32 v53, $0x0;
	vm9 =	vgt.s32 v55, $0x0;
	v55 =	vld [tilespmem:s1+$0xE0];
	v62 =	vsel vm7, $0x1, v32;
	[tilespmem:s1+$0x189B0] =	vst v57  }
0xd1: {  	v54 =	vsel vm8, $0x1, v32;
	[tilespmem:s1+$0x18970] =	vst v62  }
0xd2: {  	s2 =	sshra.s32 s2, $0x2;
	vm15 =	vgt.s32 v51, $0x0;
	v56 =	vsel vm9, $0x1, v32;
	[tilespmem:s1+$0x18980] =	vst v54  }
0xd3: {  	v45 =	vmov s2;
	[tilespmem:s1+$0x18990] =	vst v56;
	vm12 =	vgt.s32 v61, $0x0;
	v61 =	vsel vm15, $0x1, v32  }
0xd4: {  	vm13 =	vgt.s32 v63, $0x0;
	v58 =	vsel vm12, $0x1, v32;
	[tilespmem:s1+$0x189F0] =	vst v61  }
0xd5: {  	vm14 =	vgt.s32 v55, $0x0;
	v59 =	vsel vm13, $0x1, v32;
	[tilespmem:s1+$0x189C0] =	vst v58  }
0xd6: {  	v60 =	vsel vm14, $0x1, v32;
	[tilespmem:s1+$0x189D0] =	vst v59  }
0xd7: {  	[tilespmem:s1+$0x189E0] =	vst v60  }
0xd8: {  	v53 =	vld.idx.msk [tilespmem:v45+s12+$0xB0 ss:$0x1], $0xffff  }
0xd9: {  	v50 =	vld.idx.msk [tilespmem:v45+s12+$0x80 ss:$0x1], $0xffff  }
0xda: {  	v54 =	vld.idx.msk [tilespmem:v45+s12+$0xA0 ss:$0x1], $0xffff  }
0xdb: {  	v51 =	vld.idx.msk [tilespmem:v45+s12+$0x90 ss:$0x1], $0xffff;
	_ =	sdelay $0x2  }
0xdc: {  	v62 =	vmul.f32 v50, v50  }
0xdd: {  	v63 =	vmul.f32 v53, v53;
	v60 =	vmul.f32 v54, v54  }
0xde: {  	v52 =	vadd.f32 v53, v54;
	v55 =	vadd.f32 v51, v50;
	v56 =	vmul.f32 v51, v51  }
0xdf: {  	v46 =	vld.idx.msk [tilespmem:v45+s12+$0x10 ss:$0x1], $0xffff;
	v57 =	vadd.f32 v63, v60  }
0xe0: {  	v48 =	vld.idx.msk [tilespmem:v45+s12+$0x0 ss:$0x1], $0xffff;
	v52 =	vadd.f32 v52, v55;
	v61 =	vadd.f32 v56, v62  }
0xe1: {  	v47 =	vld.idx.msk [tilespmem:v45+s12+$0x20 ss:$0x1], $0xffff  }
0xe2: {  	v49 =	vld.idx.msk [tilespmem:v45+s12+$0x30 ss:$0x1], $0xffff;
	v55 =	vadd.f32 v57, v61;
	v62 =	vperm.xlane v52, v33;
	_ =	sdelay $0x1  }
0xe3: {  	v52 =	vadd.f32 v52, v62;
	v56 =	vperm.xlane v55, v33  }
0xe4: {  	v58 =	vmul.f32 v46, v46;
	v59 =	vadd.f32 v46, v48  }
0xe5: {  	v57 =	vmul.f32 v48, v48;
	v60 =	vperm.xlane v52, v34;
	v55 =	vadd.f32 v56, v55  }
0xe6: {  	v61 =	vmul.f32 v47, v47;
	v62 =	vmul.f32 v49, v49;
	v56 =	vadd.f32 v49, v47  }
0xe7: {  	v57 =	vadd.f32 v58, v57;
	v52 =	vadd.f32 v52, v60;
	v58 =	vperm.xlane v55, v34  }
0xe8: {  	v56 =	vadd.f32 v56, v59;
	v59 =	vadd.f32 v62, v61  }
0xe9: {  	v60 =	vperm.xlane v52, v35;
	v55 =	vadd.f32 v58, v55  }
0xea: {  	v57 =	vadd.f32 v59, v57;
	v63 =	vperm.xlane v56, v33  }
0xeb: {  	v52 =	vadd.f32 v52, v60;
	v59 =	vperm.xlane v55, v35  }
0xec: {  	v56 =	vadd.f32 v56, v63;
	v58 =	vperm.xlane v57, v33  }
0xed: {  	v60 =	vperm.xlane v52, v36;
	v55 =	vadd.f32 v59, v55  }
0xee: {  	v61 =	vperm.xlane v56, v34;
	v57 =	vadd.f32 v58, v57  }
0xef: {  	v52 =	vadd.f32 v52, v60;
	v58 =	vperm.xlane v55, v36  }
0xf0: {  	v56 =	vadd.f32 v56, v61;
	v59 =	vperm.xlane v57, v34  }
0xf1: {  	v60 =	vmul.f32 $1.562500000e-02, v52;
	v62 =	vadd.f32 v58, v55  }
0xf2: {  	v63 =	vperm.xlane v56, v35;
	v57 =	vadd.f32 v59, v57  }
0xf3: {  	v52 =	vmul.f32 $1.562500000e-02, v62;
	v61 =	vmul.f32 v60, v60  }
0xf4: {  	v55 =	vadd.f32 v56, v63;
	v62 =	vperm.xlane v57, v35  }
0xf5: {  	v58 =	vsub.f32 v52, v61  }
0xf6: {  	v51 =	vsub.f32 v51, v60;
	v63 =	vperm.xlane v55, v36;
	v56 =	vadd.f32 v62, v57  }
0xf7: {  	v53 =	vsub.f32 v53, v60;
	v57 =	vadd.f32 $9.999999740e-06, v58  }
0xf8: {  	v52 =	vsub.f32 v50, v60;
	v61 =	vadd.f32 v55, v63;
	v62 =	vperm.xlane v56, v36  }
0xf9: {  	s3 =	sshll.u32 s30, $0xF;
	s28 =	smov.u32 s12;
	s7 =	sadd.s32 $0x18900, s1;
	v50 =	vsub.f32 v54, v60;
	v63 =	vshrl.u32 v57, $0x1;
	v55 =	vmul.f32 $5.000000000e-01, v57  }
0xfa: {  	s3 =	sor.u32 $0x900, s3;
	s2 =	simm.s32 $0x0;
	s1 =	smov.u32 s12;
	v54 =	vmul.f32 $1.562500000e-02, v61;
	v57 =	vadd.f32 v62, v56;
	v56 =	vsub.s32 $0x5F3759DF, v63  }
.LBB2_5:
0xfb: {  	s2 =	sadd.s32 $0x2, s2;
	v58 =	vmul.f32 v56, v55;
	s1 =	sadd.s32 $0x100, s1  }
0xfc: {  	p0 =	slt.u32 s2, $0xFE;
	v57 =	vmul.f32 $1.562500000e-02, v57;
	v59 =	vmul.f32 v54, v54;
	v48 =	vsub.f32 v48, v54  }
0xfd: {  	v46 =	vsub.f32 v46, v54;
	v49 =	vsub.f32 v49, v54;
	v58 =	vmul.f32 v56, v58  }
0xfe: {  	v47 =	vsub.f32 v47, v54;
	v57 =	vsub.f32 v57, v59  }
0xff: {  	v54 =	vsub.f32 $1.500000000e+00, v58  }
0x100: {  	v57 =	vadd.f32 $9.999999740e-06, v57  }
0x101: {  	v54 =	vmul.f32 v56, v54  }
0x102: {  	v56 =	vshrl.u32 v57, $0x1;
	v57 =	vmul.f32 $5.000000000e-01, v57  }
0x103: {  	v56 =	vsub.s32 $0x5F3759DF, v56;
	v55 =	vmul.f32 v54, v55  }
0x104: {  	v58 =	vmul.f32 v56, v57  }
0x105: {  	v55 =	vmul.f32 v55, v54  }
0x106: {  	v58 =	vmul.f32 v56, v58  }
0x107: {  	v55 =	vsub.f32 $1.500000000e+00, v55  }
0x108: {  	v58 =	vsub.f32 $1.500000000e+00, v58  }
0x109: {  	v54 =	vmul.f32 v55, v54  }
0x10a: {  	v55 =	vmul.f32 v56, v58  }
0x10b: {  	v56 =	vmul.f32 v54, v37;
	v58 =	vmul.f32 v54, v39  }
0x10c: {  	v59 =	vmul.f32 v54, v38;
	v57 =	vmul.f32 v55, v57  }
0x10d: {  	v54 =	vmul.f32 v54, v40;
	v52 =	vmul.f32 v56, v52  }
0x10e: {  	v51 =	vmul.f32 v59, v51;
	v56 =	vmul.f32 v57, v55  }
0x10f: {  	v50 =	vmul.f32 v58, v50;
	v53 =	vmul.f32 v54, v53;
	v52 =	vadd.f32 v52, v41  }
0x110: {  	v51 =	vadd.f32 v51, v42;
	v54 =	vsub.f32 $1.500000000e+00, v56  }
0x111: {  	v50 =	vadd.f32 v50, v43;
	[tilespmem:v45+s28+$0x80 ss:$0x1] =	vst.idx.msk $0xffff, v52  }
0x112: {  	v52 =	vmul.f32 v54, v55;
	[tilespmem:v45+s28+$0x90 ss:$0x1] =	vst.idx.msk $0xffff, v51;
	v51 =	vadd.f32 v53, v44  }
0x113: {  	[tilespmem:v45+s28+$0xA0 ss:$0x1] =	vst.idx.msk $0xffff, v50  }
0x114: {  	v50 =	vmul.f32 v52, v37;
	v53 =	vmul.f32 v52, v38;
	[tilespmem:v45+s28+$0xB0 ss:$0x1] =	vst.idx.msk $0xffff, v51  }
0x115: {  	v51 =	vmul.f32 v52, v39;
	v52 =	vmul.f32 v52, v40;
	v54 =	vld.idx.msk [tilespmem:v45+s1+$0xB0 ss:$0x1], $0xffff  }
0x116: {  	v55 =	vld.idx.msk [tilespmem:v45+s1+$0x80 ss:$0x1], $0xffff;
	v48 =	vmul.f32 v50, v48;
	v46 =	vmul.f32 v53, v46  }
0x117: {  	v49 =	vmul.f32 v52, v49;
	v50 =	vld.idx.msk [tilespmem:v45+s1+$0xA0 ss:$0x1], $0xffff  }
0x118: {  	v47 =	vmul.f32 v51, v47;
	v53 =	vld.idx.msk [tilespmem:v45+s1+$0x90 ss:$0x1], $0xffff;
	v48 =	vadd.f32 v48, v41  }
0x119: {  	v46 =	vadd.f32 v46, v42  }
0x11a: {  	v47 =	vadd.f32 v47, v43;
	[tilespmem:v45+s28+$0x0 ss:$0x1] =	vst.idx.msk $0xffff, v48  }
0x11b: {  	[tilespmem:v45+s28+$0x10 ss:$0x1] =	vst.idx.msk $0xffff, v46;
	v46 =	vadd.f32 v49, v44  }
0x11c: {  	v51 =	vmul.f32 v54, v54;
	v49 =	vmul.f32 v55, v55;
	[tilespmem:v45+s28+$0x20 ss:$0x1] =	vst.idx.msk $0xffff, v47  }
0x11d: {  	v52 =	vadd.f32 v54, v50;
	v47 =	vmul.f32 v50, v50;
	[tilespmem:v45+s28+$0x30 ss:$0x1] =	vst.idx.msk $0xffff, v46;
	s28 =	smov.u32 s1  }
0x11e: {  	v56 =	vadd.f32 v53, v55;
	v57 =	vmul.f32 v53, v53;
	v46 =	vld.idx.msk [tilespmem:v45+s1+$0x10 ss:$0x1], $0xffff  }
0x11f: {  	v51 =	vadd.f32 v51, v47;
	v48 =	vld.idx.msk [tilespmem:v45+s1+$0x0 ss:$0x1], $0xffff  }
0x120: {  	v52 =	vadd.f32 v52, v56;
	v56 =	vadd.f32 v57, v49;
	v47 =	vld.idx.msk [tilespmem:v45+s1+$0x20 ss:$0x1], $0xffff  }
0x121: {  	v49 =	vld.idx.msk [tilespmem:v45+s1+$0x30 ss:$0x1], $0xffff  }
0x122: {  	v51 =	vadd.f32 v51, v56;
	v56 =	vperm.xlane v52, v33;
	_ =	sdelay $0x1  }
0x123: {  	v52 =	vadd.f32 v52, v56;
	v56 =	vperm.xlane v51, v33  }
0x124: {  	v58 =	vmul.f32 v46, v46;
	v57 =	vmul.f32 v48, v48  }
0x125: {  	v59 =	vadd.f32 v46, v48;
	v60 =	vperm.xlane v52, v34;
	v51 =	vadd.f32 v56, v51  }
0x126: {  	v61 =	vmul.f32 v47, v47;
	v56 =	vadd.f32 v49, v47;
	v62 =	vmul.f32 v49, v49  }
0x127: {  	v57 =	vadd.f32 v58, v57;
	v52 =	vadd.f32 v52, v60;
	v58 =	vperm.xlane v51, v34  }
0x128: {  	v56 =	vadd.f32 v56, v59;
	v59 =	vadd.f32 v62, v61  }
0x129: {  	v60 =	vperm.xlane v52, v35;
	v51 =	vadd.f32 v58, v51  }
0x12a: {  	v57 =	vadd.f32 v59, v57;
	v58 =	vperm.xlane v56, v33  }
0x12b: {  	v52 =	vadd.f32 v52, v60;
	v59 =	vperm.xlane v51, v35  }
0x12c: {  	v56 =	vadd.f32 v56, v58;
	v58 =	vperm.xlane v57, v33  }
0x12d: {  	v60 =	vperm.xlane v52, v36;
	v51 =	vadd.f32 v59, v51  }
0x12e: {  	v59 =	vperm.xlane v56, v34;
	v57 =	vadd.f32 v58, v57  }
0x12f: {  	v52 =	vadd.f32 v52, v60;
	v58 =	vperm.xlane v51, v36  }
0x130: {  	v56 =	vadd.f32 v56, v59;
	v59 =	vperm.xlane v57, v34  }
0x131: {  	v60 =	vmul.f32 $1.562500000e-02, v52;
	v51 =	vadd.f32 v58, v51  }
0x132: {  	v58 =	vperm.xlane v56, v35;
	v57 =	vadd.f32 v59, v57  }
0x133: {  	v59 =	vmul.f32 $1.562500000e-02, v51;
	v61 =	vmul.f32 v60, v60;
	v52 =	vsub.f32 v55, v60  }
0x134: {  	v51 =	vsub.f32 v53, v60;
	v55 =	vadd.f32 v56, v58;
	v56 =	vperm.xlane v57, v35  }
0x135: {  	v50 =	vsub.f32 v50, v60;
	v58 =	vsub.f32 v59, v61  }
.Ltmp1:
0x136: {  	v53 =	vsub.f32 v54, v60;
	v59 =	vperm.xlane v55, v36;
	v56 =	vadd.f32 v56, v57;
	(pc) =	sbr.rel @p0 .LBB2_5-.Ltmp1, $4  }
0x137: {  	v54 =	vadd.f32 $9.999999740e-06, v58  }
0x138: {  	v57 =	vadd.f32 v55, v59;
	v58 =	vperm.xlane v56, v36  }
0x139: {  	v59 =	vshrl.u32 v54, $0x1;
	v55 =	vmul.f32 $5.000000000e-01, v54  }
0x13a: {  	v54 =	vmul.f32 $1.562500000e-02, v57;
	v57 =	vadd.f32 v58, v56;
	v56 =	vsub.s32 $0x5F3759DF, v59  }
0x13b: {  	_ = 	snop  }
0x13c: {  	v57 =	vmul.f32 $1.562500000e-02, v57;
	v58 =	vmul.f32 v54, v54;
	_ =	sdelay $0x1  }
0x13d: {  	v57 =	vsub.f32 v57, v58  }
0x13e: {  	v59 =	vmul.f32 v56, v55  }
0x13f: {  	v57 =	vadd.f32 $9.999999740e-06, v57  }
0x140: {  	v63 =	vmul.f32 v56, v59  }
0x141: {  	v60 =	vshrl.u32 v57, $0x1;
	v57 =	vmul.f32 $5.000000000e-01, v57  }
0x142: {  	v58 =	vsub.f32 $1.500000000e+00, v63;
	v59 =	vsub.s32 $0x5F3759DF, v60  }
0x143: {  	v62 =	vmul.f32 v59, v57  }
0x144: {  	v61 =	vmul.f32 v56, v58  }
0x145: {  	v58 =	vmul.f32 v59, v62  }
0x146: {  	v63 =	vmul.f32 v61, v55  }
0x147: {  	v58 =	vsub.f32 $1.500000000e+00, v58  }
0x148: {  	v55 =	vmul.f32 v63, v61  }
0x149: {  	v58 =	vmul.f32 v59, v58  }
0x14a: {  	v55 =	vsub.f32 $1.500000000e+00, v55  }
0x14b: {  	v60 =	vmul.f32 v58, v57  }
0x14c: {  	v55 =	vmul.f32 v55, v61  }
0x14d: {  	v56 =	vmul.f32 v60, v58  }
0x14e: {  	v48 =	vsub.f32 v48, v54;
	v61 =	vmul.f32 v55, v37  }
0x14f: {  	v62 =	vmul.f32 v55, v38;
	v63 =	vmul.f32 v55, v39;
	v56 =	vsub.f32 $1.500000000e+00, v56  }
0x150: {  	v46 =	vsub.f32 v46, v54;
	v55 =	vmul.f32 v55, v40;
	v52 =	vmul.f32 v61, v52  }
0x151: {  	v49 =	vsub.f32 v49, v54;
	v51 =	vmul.f32 v62, v51;
	v56 =	vmul.f32 v56, v58  }
0x152: {  	v47 =	vsub.f32 v47, v54;
	v50 =	vmul.f32 v63, v50;
	v53 =	vmul.f32 v55, v53  }
0x153: {  	v52 =	vadd.f32 v52, v41;
	v51 =	vadd.f32 v51, v42;
	v59 =	vmul.f32 v56, v37  }
0x154: {  	v50 =	vadd.f32 v50, v43;
	v53 =	vadd.f32 v53, v44;
	v60 =	vmul.f32 v56, v38  }
0x155: {  	[tilespmem:v45+s28+$0x80 ss:$0x1] =	vst.idx.msk $0xffff, v52;
	v61 =	vmul.f32 v56, v39;
	v48 =	vmul.f32 v59, v48  }
0x156: {  	[tilespmem:v45+s28+$0x90 ss:$0x1] =	vst.idx.msk $0xffff, v51;
	v62 =	vmul.f32 v56, v40;
	v46 =	vmul.f32 v60, v46  }
0x157: {  	[tilespmem:v45+s28+$0xA0 ss:$0x1] =	vst.idx.msk $0xffff, v50;
	v47 =	vmul.f32 v61, v47;
	v48 =	vadd.f32 v48, v41  }
0x158: {  	[tilespmem:v45+s28+$0xB0 ss:$0x1] =	vst.idx.msk $0xffff, v53;
	v49 =	vmul.f32 v62, v49;
	v46 =	vadd.f32 v46, v42  }
0x159: {  	s1 =	sshll.u32 s29, $0x8;
	v47 =	vadd.f32 v47, v43;
	[tilespmem:v45+s28+$0x0 ss:$0x1] =	vst.idx.msk $0xffff, v48  }
0x15a: {  	p0 =	sne.s32 s31, $0x64;
	s1 =	sadd.s32 s8, s1;
	v63 =	vadd.f32 v49, v44;
	[tilespmem:v45+s28+$0x10 ss:$0x1] =	vst.idx.msk $0xffff, v46  }
.Ltmp2:
0x15b: {  	s2 =	sshll.u32 s1, $0x4;
	[tilespmem:v45+s28+$0x20 ss:$0x1] =	vst.idx.msk $0xffff, v47;
	(pc) =	sbr.rel @p0 .LBB2_2-.Ltmp2, $4  }
0x15c: {  	s30 =	sadd.s32 $0x4, s30;
	s1 =	sshrl.u32 s1, $0x3;
	s2 =	sadd.s32 s4, s2;
	[tilespmem:v45+s28+$0x30 ss:$0x1] =	vst.idx.msk $0xffff, v63  }
0x15d: {  	[hbm4b:s2+s6] =	stream.linear.scatter [tilespmem:s3], [sflag:s30], $0x8000, $0x38;
	[tilespmem:$0x18C80] =	vst v63  }
0x15e: {  	s12 =	sadd.s32 $0x8000, s12;
	s29 =	smov.u32 s31;
	s1 =	sadd.s32 s5, s1  }
0x15f: {  	[hbm4b:s1+s6] =	stream.linear.scatter [tilespmem:s7], [sflag:s30], $0x100, $0x38;
	[tilespmem:$0x18C80] =	vst v63  }
0x160: {  	_ =	swait.ge [sflag:s23], $0x8000  }
0x161: {  	[sflag:s23] =	ssyncset.done $0x0  }
0x162: {  	[sflag:s23] =	ssyncadd.s32 $0xFFFF8000  }
0x163: {  	_ =	swait.ge [sflag:s23], $0x100  }
0x164: {  	[sflag:s23] =	ssyncset.done $0x0  }
0x165: {  	[sflag:s23] =	ssyncadd.s32 $0xFFFFFF00  }
0x166: {  	_ =	swait.ge [sflag:s24], $0x8000  }
0x167: {  	[sflag:s24] =	ssyncset.done $0x0  }
0x168: {  	[sflag:s24] =	ssyncadd.s32 $0xFFFF8000  }
0x169: {  	_ =	swait.ge [sflag:s24], $0x100  }
0x16a: {  	[sflag:s24] =	ssyncset.done $0x0  }
0x16b: {  	s26 =	sadd.s32 $0x1, s26;
	[sflag:s24] =	ssyncadd.s32 $0xFFFFFF00  }
0x16c: {  	p0 =	sne.s32 s26, s11;
	_ =	swait.ge [sflag:s25], $0x8000  }
.Ltmp3:
0x16d: {  	[sflag:s25] =	ssyncset.done $0x0;
	(pc) =	sbr.rel @p0 .LBB2_1-.Ltmp3, $4  }
0x16e: {  	[sflag:s25] =	ssyncadd.s32 $0xFFFF8000  }
0x16f: {  	_ =	swait.ge [sflag:s25], $0x100  }
0x170: {  	[sflag:s25] =	ssyncset.done $0x0  }
0x171: {  	[sflag:s25] =	ssyncadd.s32 $0xFFFFFF00  }
0x172: {  	_ =	sfence.sel $0x180000  }
0x173: {  	[bflag:$0x0] =	sbarrier.arrive $0xFFFF  }
0x174: {  	_ =	strace $0x90000047  }
0x175: {  	s0 =	stileid.u32;
	[bflag:$0x2] =	sbarrier.arrive $0xFFFF  }
0x176: {  	p0 =	sne.s32 s0, $0x0;
	s0 =	rddreg [dreg:$0x6]  }
0x177: {  	s0 =	sadd.s32 @!p0 $0x100000, s0  }
0x178: {  	[sflag:s0] =	ssyncadd.tile.s32 @!p0 $0x1;
	_ =	shalt  }
.Lfunc_end2:
_tile_overlayer_lowered:
.L_overlay_start_2:
0x179: {  	(tag) =	ssettag $0x2  }
0x17a: {  	s0 =	rddreg [dreg:$0x0];
	s2 =	stileid.u32  }
0x17b: {  	s1 =	rddreg [dreg:$0x1];
	p0 =	sne.s32 s2, $0x0  }
0x17c: {  	s3 =	rddreg [dreg:$0x2];
	[bflag:$0x3] =	sbarrier.arrive $0xFFFF;
	s2 =	simm.s32 @!p0 $0x1C07  }
0x17d: {  	[timem:s3], [sflag:s2] =	dma.local @!p0 [hbm:s0], s1  }
0x17e: {  	s0 =	simm.s32 @!p0 $0x7  }
0x17f: {  	_ =	swait.ge @!p0 [sflag:s0], s1  }
0x180: {  	s1 =	ssub.s32 @!p0 $0x0, s1;
	[sflag:s0] =	ssyncset.done @!p0 $0x0  }
0x181: {  	[sflag:s0] =	ssyncadd.s32 @!p0 s1  }
0x182: {  	[bflag:$0x3] =	sbarrier.arrive $0xFFFF  }
0x183: {  	_ =	shalt  }

// kernel: sparse-core-data-format-call.cloned.1.call-start
scs
called_computation_lowered:
.L_overlay_start_0:
0x0: {  	s2 =	sld [smem:$0x3FD9]  }
0x1: {  	s3 =	sld [smem:$0x3FFE];
	_ =	sdelay $0x1  }
0x2: {  	s1 =	srdreg.scid  }
0x3: {  	s0 =	sand.u32 $0x1, s1  }
0x4: {  	s15 =	sshll.u32 s0, $0xA;
	s2 =	sadd.s32 s3, s2  }
0x5: {  	s2 =	sadd.s32 s2, s15  }
0x6: {  	[smem:$0x3FC4] =	sst s2  }
0x7: {  	_ = 	snop  }
0x8: {  	s2 =	sld [smem:$0x3FD0];
	_ =	sdelay $0x2  }
0x9: {  	s16 =	simm.s32 $0xA;
	s4 =	simm.s32 $0x10  }
0xa: {  	[smem:s4], [sflag:s16] =	dma.local [hbm:s2], $0x1  }
0xb: {  	_ =	swait.eq [sflag:s16], $0x1  }
0xc: {  	[sflag:s16] =	ssyncset.done $0x0  }
0xd: {  	[sflag:s16] =	ssyncadd.s32 $0xFFFFFFFF  }
0xe: {  	s17 =	sld [smem:$0x10];
	(tm) =	ssettm $0x1  }
0xf: {  	s18 =	sld [smem:$0x3FFB];
	_ =	sdelay $0x3  }
0x10: {  	_ =	strace s18  }
0x11: {  	s3 =	sld [smem:$0x3FFC];
	_ =	sdelay $0x3  }
0x12: {  	_ =	strace s3  }
0x13: {  	s3 =	sld [smem:$0x3FFD];
	_ =	sdelay $0x3  }
0x14: {  	_ =	strace s3  }
0x15: {  	_ =	strace $0x8FFFFFFF  }
0x16: {  	s19 =	sld [smem:$0x3FDB];
	_ =	sdelay $0x1  }
0x17: {  	s20 =	simm.s32 $_scs_section_size  }
0x18: {  	s5 =	simm.s32 $_size__tile_overlayer_lowered;
	s6 =	simm.s32 $_tile_overlayer_lowered  }
0x19: {  	s23 =	simm.s32 $0x1BFF;
	s22 =	sshll.u32 s6, $0x1;
	s3 =	sadd.s32 s20, s19  }
0x1a: {  	s7 =	simm.s32 $0x0;
	s21 =	sshll.u32 s5, $0x1;
	s5 =	sadd.s32 s22, s3  }
0x1b: {  	[timem:s7], [sflag:s23] =	dma.local [hbm:s5], s21  }
0x1c: {  	_ =	swait.ge [sflag:s23], s21  }
0x1d: {  	s4 =	ssub.s32 $0x0, s21;
	[sflag:s23] =	ssyncset.done $0x0  }
0x1e: {  	[sflag:s23] =	ssyncadd.s32 s4;
	_ =	sdelay $0x1  }
0x1f: {  	s24 =	simm.s32 $0x1B8B  }
0x20: {  	_ =	swait.ge [sflag:s24], $0x1  }
0x21: {  	[sflag:s24] =	ssyncset.done $0x0  }
0x22: {  	s26 =	simm.s32 $0x1B8E;
	s25 =	sld [smem:$0x3FFE];
	[sflag:s24] =	ssyncadd.s32 $0xFFFFFFFF  }
0x23: {  	s27 =	simm.s32 $execute0_lowered;
	[smem:$0x3FD2] =	sst s26  }
0x24: {  	s5 =	sshll.u32 s27, $0x1;
	_ =	strace $0x80000049;
	[dreg:$0x1] =	wrdreg $0xFFFFFFFF  }
0x25: {  	s28 =	simm.s32 $_size_execute0_lowered;
	s3 =	sadd.s32 s3, s5;
	[dreg:$0x0] =	wrdreg $0x0  }
0x26: {  	s5 =	sshll.u32 s28, $0x1;
	[dreg:$0x2] =	wrdreg s3  }
0x27: {  	[dreg:$0x3] =	wrdreg s5  }
0x28: {  	[dreg:$0x4] =	wrdreg $0xC0  }
0x29: {  	_ =	task [dreg:s7], $0x5FFFF  }
0x2a: {  	[dreg:$0x1] =	wrdreg $0xFFFFFFFF  }
0x2b: {  	[dreg:$0x0] =	wrdreg $0x60  }
0x2c: {  	[dreg:$0x2] =	wrdreg s25  }
0x2d: {  	[dreg:$0x3] =	wrdreg s17  }
0x2e: {  	[dreg:$0x4] =	wrdreg $0x9  }
0x2f: {  	_ =	task.clear_ibuf [dreg:s7], $0x5FFFF;
	_ =	strace $0x90000049  }
0x30: {  	s29 =	simm.s32 $0x9;
	_ =	strace $0x8000004B  }
0x31: {  	_ =	swait.ge [sflag:s29], $0x1  }
0x32: {  	[sflag:s29] =	ssyncadd.s32 $0xFFFFFFFF  }
0x33: {  	_ =	strace $0x9000004B  }
0x34: {  	_ =	sfence  }
0x35: {  	s30 =	sld [smem:$0x0];
	_ =	sdelay $0x2  }
0x36: {  	s31 =	sshll.u32 s1, $0xD;
	s1 =	sshrl.u32 s1, $0x2  }
0x37: {  	s3 =	sand.u32 $0x4000, s31;
	s1 =	sadd.s32 s1, s30  }
0x38: {  	s0 =	sor.u32 s3, s0;
	s1 =	sshll.u32 s1, $0x11  }
0x39: {  	s0 =	sor.u32 s1, s0  }
0x3a: {  	s0 =	sadd.s32 $0x8F2B, s0  }
0x3b: {  	[sflag:s0] =	ssyncadd.remote.s32 $0x1  }
0x3c: {  	_ =	sfence.sel $0xFFFF  }
0x3d: {  	[dreg:$0x0] =	wrdreg $0xFFFFFFFF;
	(pc) =	sbr.abs _section_cstart, $3  }
0x3e: {  	[dreg:$0x1] =	wrdreg $0xFFFFFFFF  }
0x3f: {  	_ =	task.clear_ibuf [dreg:s7], $0x2FFFF;
	_ =	strace $0x9FFFFFFF  }
0x40: {  	(tm) =	ssettm $0x7FFFFFFF  }
0x41: {  	_ =	shalt  }
tec
execute0_lowered:
.L_overlay_start_1:
0x0: {  	(tag) =	ssettag $0x1  }
0x1: {  	s0 =	srdreg.scid  }
0x2: {  	s1 =	sshll.u32 s0, $0x4  }
0x3: {  	s4 =	rddreg [dreg:$0x0];
	s0 =	stileid.u32;
	s1 =	sand.u32 $0x10, s1  }
0x4: {  	s2 =	rddreg [dreg:$0x1];
	s7 =	simm.s32 $0x1;
	s1 =	sor.u32 s0, s1  }
0x5: {  	s8 =	simm.s32 $0x2;
	s11 =	simm.s32 $0x0;
	s3 =	sshll.u32 s1, $0x7  }
0x6: {  	s10 =	simm.s32 $0x0;
	s4 =	sadd.s32 $0xC00, s4;
	s6 =	ssub.s32 $0x190000, s3  }
.Ltmp0:
0x7: {  	s1 =	rddreg [dreg:$0x2];
	s5 =	sand.u32 $0xF80, s6;
	(pc) =	sbr.rel .LBB1_1-.Ltmp0, $4  }
0x8: {  	_ =	strace $0x8000004A;
	s9 =	smov.u32 s3;
	p0 =	sne.s32 s5, $0x0  }
0x9: {  	s6 =	sshrl.u32 s6, $0xC;
	s5 =	simm.s32 $0x1;
	s7 =	simm.s32 @!p0 $0x0  }
0xa: {  	[sflag:s5] =	ssyncpa.u1 $0x0;
	p0 =	por $0x0, $0x0;
	s6 =	sadd.s32 s7, s6  }
0xb: {  	[sflag:s8] =	ssyncpa.u1 $0x0;
	s8 =	simm.s32 $0xC80000;
	s7 =	sadd.s32 $0x1, s6  }
.LBB1_4:
0xc: {  	s14 =	sshll.u32 s11, $0x3  }
0xd: {  	s30 =	sand.u32 $0x7F, s11;
	s15 =	sand.u32 $0xFFFFFC00, s14  }
0xe: {  	s11 =	sor.u32 s30, s15  }
0xf: {  	s15 =	smulhi.u32 $0x51EB851F, s11  }
0x10: {  	s14 =	smulhi.u32 $0x51EB851F, s14  }
0x11: {  	s15 =	sshrl.u32 s15, $0x13  }
0x12: {  	s14 =	sshrl.u32 s14, $0x13;
	s15 =	smul.u32 $0x190000, s15  }
0x13: {  	s14 =	sand.u32 $0x3F, s14  }
0x14: {  	s14 =	smul.u32 $0x32000, s14;
	s11 =	ssub.s32 s11, s15  }
0x15: {  	[tilespmem:s13+$0x810 ss:$0x81] =	vst.msk $0xffff, v2;
	s15 =	sand.u32 $0x7, s11  }
0x16: {  	[tilespmem:s13+$0x1020 ss:$0x81] =	vst.msk $0xffff, v0;
	s14 =	sadd.s32 s2, s14;
	s11 =	sshrl.u32 s11, $0x3;
	s15 =	sshll.u32 s15, $0x12  }
0x17: {  	[tilespmem:s13+$0x0 ss:$0x81] =	vst.msk $0xffff, v1;
	s11 =	sadd.s32 s11, s14;
	s31 =	sor.u32 $0x400, s15  }
0x18: {  	[hbm4b:s11+s31] =	stream.strided.scatter [tilespmem:s12], [sflag:$0x2], $0x2000, s8, s31, $0x20;
	[tilespmem:$0x8080] =	vst v63  }
.LBB1_5:
0x19: {  	s13 =	sadd.s32 $0x1000, s9  }
0x1a: {  	p2 =	sgt.s32 s13, $0x18FFFF  }
0x1b: {  	s13 =	smov.u32 @p2 s3;
	p2 =	sne.s32 s10, s7  }
.Ltmp1:
0x1c: {  	p1 =	slt.u32 s10, $0x2;
	(pc) =	sbr.rel @!p2 .LBB1_6-.Ltmp1, $4  }
0x1d: {  	s12 =	simm.s32 @!p1 $0x2  }
0x1e: {  	s14 =	sadd.s32 $0x1, s10;
	_ =	swait.ge @!p1 [sflag:s12], $0x2000  }
0x1f: {  	s11 =	smov.u32 s9;
	p0 =	por !p0, !p0;
	[sflag:s12] =	ssyncset.done @!p1 $0x0  }
0x20: {  	s10 =	smov.u32 s14;
	s9 =	smov.u32 s13;
	[sflag:s12] =	ssyncadd.s32 @!p1 $0xFFFFE000  }
.LBB1_1:
0x21: {  	p1 =	sge.u32 s10, s6  }
0x22: {  	s12 =	sand.u32 @!p1 $0x1FFFFFF, s9  }
0x23: {  	s13 =	smulhi.u32 @!p1 $0x147AE15, s12;
	_ =	sdelay $0x1  }
0x24: {  	s13 =	sshrl.u32 @!p1 s13, $0xD  }
0x25: {  	s13 =	smul.u32 @!p1 $0x190000, s13;
	_ =	sdelay $0x1  }
0x26: {  	s31 =	sadd.s32 $0xFFFFFFFF, s10;
	s14 =	sxor.u32 @!p1 $0xFFFFFFFF, s10;
	s12 =	ssub.s32 @!p1 s12, s13  }
0x27: {  	s15 =	simm.s32 @!p1 $0x80;
	s14 =	sshll.u32 @!p1 s14, $0xD;
	s12 =	sshll.u32 @!p1 s12, $0x4  }
0x28: {  	s13 =	sand.u32 @!p1 $0x2000, s14;
	s14 =	simm.s32 @!p1 $0x40;
	s12 =	sadd.s32 @!p1 s4, s12  }
0x29: {  	[tilespmem:s13], [sflag:$0x1] =	stream.strided.gather @!p1 [hbm4b:s12+s14], $0x2000, s15, s14, $0x38;
	[tilespmem:$0x8080] =	vst v63  }
0x2a: {  	p1 =	sge.u32 s31, s6  }
.Ltmp2:
0x2b: {  	_ = 	snop;
	(pc) =	sbr.rel @p1 .LBB1_5-.Ltmp2, $1  }
0x2c: {  	_ =	sdelay $0x3  }
0x2d: {  	s12 =	simm.s32 $0x1  }
0x2e: {  	_ =	swait.ge [sflag:s5], $0x2000;
	s12 =	simm.s32 @!p0 $0x0  }
0x2f: {  	[sflag:s5] =	ssyncset.done $0x0;
	s13 =	sshll.u32 s12, $0xD  }
0x30: {  	[sflag:s5] =	ssyncadd.s32 $0xFFFFE000;
	s16 =	sor.u32 $0x20, s13  }
0x31: {  	s12 =	smul.u32 $0x8100, s12;
	v3 =	vld [tilespmem:s16+$0x10]  }
0x32: {  	s30 =	sand.u32 $0x1, s10;
	v2 =	vld [tilespmem:s16+$0xFFFFFFF0]  }
0x33: {  	s13 =	smul.u32 $0x8100, s30;
	s12 =	sshrl.u32 s12, $0x2;
	v0 =	vld [tilespmem:s16+$0x0]  }
0x34: {  	v1 =	vld [tilespmem:s16+$0xFFFFFFE0];
	s14 =	sor.u32 $0x4000, s12  }
0x35: {  	s31 =	sshrl.u32 s13, $0x2;
	s13 =	sadd.s32 $0x0, s14  }
0x36: {  	s15 =	simm.s32 $0x4;
	s16 =	sadd.s32 $0x40, s16;
	s12 =	sor.u32 $0x4000, s31;
	[tilespmem:s13+$0x1830 ss:$0x81] =	vst.msk $0xffff, v3  }
.LBB1_3:
0x37: {  	v3 =	vld [tilespmem:s16+$0x10];
	p1 =	sne.s32 s15, $0x1FC;
	[tilespmem:s13+$0x810 ss:$0x81] =	vst.msk $0xffff, v2;
	s17 =	smov.u32 s15;
	s15 =	sadd.s32 $0x4, s15  }
.Ltmp3:
0x38: {  	v2 =	vld [tilespmem:s16+$0xFFFFFFF0];
	[tilespmem:s13+$0x1020 ss:$0x81] =	vst.msk $0xffff, v0;
	(pc) =	sbr.rel @p1 .LBB1_3-.Ltmp3, $4  }
0x39: {  	v0 =	vld [tilespmem:s16+$0x0];
	[tilespmem:s13+$0x0 ss:$0x81] =	vst.msk $0xffff, v1  }
0x3a: {  	s13 =	sshra.s32 s17, $0x2;
	v1 =	vld [tilespmem:s16+$0xFFFFFFE0]  }
0x3b: {  	s13 =	sadd.s32 s13, s14  }
0x3c: {  	s16 =	sadd.s32 $0x40, s16;
	[tilespmem:s13+$0x1830 ss:$0x81] =	vst.msk $0xffff, v3  }
.Ltmp4:
0x3d: {  	_ = 	snop;
	(pc) =	sbr.rel .LBB1_4-.Ltmp4, $1  }
0x3e: {  	_ =	sdelay $0x3  }
.LBB1_6:
0x3f: {  	_ =	sfence.sel $0x180000  }
0x40: {  	s2 =	simm.s32 $0x1;
	[bflag:$0x0] =	sbarrier.arrive $0xFFFF  }
0x41: {  	s31 =	simm.s32 $0x2;
	[sflag:s2] =	ssyncpa.u1 $0x1  }
0x42: {  	[sflag:s31] =	ssyncpa.u1 $0x1  }
0x43: {  	p0 =	sne.s32 s0, $0x0;
	_ =	strace $0x9000004A  }
0x44: {  	s0 =	sadd.s32 @!p0 $0x100000, s1;
	[bflag:$0x2] =	sbarrier.arrive $0xFFFF  }
0x45: {  	[sflag:s0] =	ssyncadd.tile.s32 @!p0 $0x1;
	_ =	shalt  }
.Lfunc_end1:
_tile_overlayer_lowered:
.L_overlay_start_2:
0x46: {  	(tag) =	ssettag $0x2  }
0x47: {  	s0 =	rddreg [dreg:$0x0];
	s2 =	stileid.u32  }
0x48: {  	s1 =	rddreg [dreg:$0x1];
	p0 =	sne.s32 s2, $0x0  }
0x49: {  	s3 =	rddreg [dreg:$0x2];
	[bflag:$0x3] =	sbarrier.arrive $0xFFFF;
	s2 =	simm.s32 @!p0 $0x1C01  }
0x4a: {  	[timem:s3], [sflag:s2] =	dma.local @!p0 [hbm:s0], s1  }
0x4b: {  	s0 =	simm.s32 @!p0 $0x1  }
0x4c: {  	_ =	swait.ge @!p0 [sflag:s0], s1  }
0x4d: {  	s1 =	ssub.s32 @!p0 $0x0, s1;
	[sflag:s0] =	ssyncset.done @!p0 $0x0  }
0x4e: {  	[sflag:s0] =	ssyncadd.s32 @!p0 s1  }
0x4f: {  	[bflag:$0x3] =	sbarrier.arrive $0xFFFF  }
0x50: {  	_ =	shalt  }

</sc_bundles>
